<compile_context>
chip_gen: v7x
topology: tpu7x:2x2x1
jax: 0.10.2.dev20260603
libtpu: 0.0.44.dev20260713+nightly
codegen_flags: <defaults>
</compile_context>

<pallas_src>
import functools


import jax
import jax.numpy as jnp
from jax import lax
from jax.experimental import pallas as pl
from jax.experimental.pallas import tpu as pltpu
import jax.experimental.pallas.tpu_sc as plsc

_E = 100000
_N = 50000
_P = 50000
_FIN = 32
_DE = 16
_CH = 32

_NC = 2
_NS = 16
_NW = _NC * _NS

_CHUNK = 128
_KG = 25
_EPAD = _NW * _KG * _CHUNK
_BE = 1024
_GE = _EPAD // _BE
_BN = 512
_NPAD = _GE * _BN
_KS = ((_EPAD + _NPAD) // _NS) // _CHUNK
_PPW = 1664
_PPAD = _NW * _PPW
_DUMMY = _N

_SC_PARAMS = pltpu.CompilerParams(use_tc_tiling_on_sc=False,
                                  needs_layout_passes=False)


@functools.lru_cache(maxsize=None)
def _make_gather(tr, ir):
    table128 = jax.ShapeDtypeStruct((tr, 128), jnp.float32)
    idx128 = jax.ShapeDtypeStruct((ir, 128), jnp.int32)
    return _sc_gather_build(table128, idx128)


def _sc_gather(table128, idx128):
    return _make_gather(table128.shape[0], idx128.shape[0])(table128, idx128)


def _sc_gather_build(table128, idx128):
    kg = idx128.shape[0] // _NW
    bpw = kg * _CHUNK
    mesh = plsc.VectorSubcoreMesh(core_axis_name="c", subcore_axis_name="s")

    @functools.partial(
        pl.kernel,
        out_type=jax.ShapeDtypeStruct((_NW * bpw, 128), jnp.float32),
        mesh=mesh,
        compiler_params=_SC_PARAMS,
        scratch_types=[
            pltpu.VMEM((kg, _CHUNK), jnp.int32),
            pltpu.VMEM((6, _CHUNK, 128), jnp.float32),
            pltpu.SemaphoreType.DMA,
            pltpu.SemaphoreType.DMA,
        ],
    )
    def k(table_hbm, idx_hbm, out_hbm, idx_v, fbuf, fsem, wsem):
        w = lax.axis_index("s") * _NC + lax.axis_index("c")
        pltpu.sync_copy(idx_hbm.at[pl.ds(w * kg, kg)], idx_v)

        def fetch(j):
            pltpu.async_copy(table_hbm.at[idx_v.at[j]],
                             fbuf.at[lax.rem(j, 6)], fsem)

        def fetch_wait(j):
            pltpu.make_async_copy(table_hbm.at[idx_v.at[j]],
                                  fbuf.at[lax.rem(j, 6)], fsem).wait()

        def write(j):
            pltpu.async_copy(
                fbuf.at[lax.rem(j, 6), pl.ds(0, _CHUNK), pl.ds(0, _CH)],
                out_hbm.at[pl.ds(w * bpw + j * _CHUNK, _CHUNK),
                           pl.ds(0, _CH)], wsem)

        def write_wait(j):
            pltpu.make_async_copy(
                fbuf.at[lax.rem(j, 6), pl.ds(0, _CHUNK), pl.ds(0, _CH)],
                out_hbm.at[pl.ds(w * bpw + j * _CHUNK, _CHUNK),
                           pl.ds(0, _CH)], wsem).wait()

        fetch(0)
        fetch(1)
        fetch(2)

        def step(j, c):
            @pl.when(j >= 3)
            def _():
                write_wait(j - 3)
            fetch_wait(j)

            @pl.when(j + 3 < kg)
            def _():
                fetch(j + 3)
            write(j)
            return c

        lax.fori_loop(0, kg, step, 0)
        write_wait(kg - 3)
        write_wait(kg - 2)
        write_wait(kg - 1)

    return k


def _sc_scatter(m128, xr128, dstE):
    ke = dstE.shape[0] // _NS
    npad = xr128.shape[0]
    rpt = npad // _NS
    ept = ke * _CHUNK
    mesh = plsc.VectorSubcoreMesh(core_axis_name="c", subcore_axis_name="s",
                                  num_cores=1)

    @functools.partial(
        pl.kernel,
        out_type=jax.ShapeDtypeStruct((npad, 128), jnp.float32),
        mesh=mesh,
        compiler_params=_SC_PARAMS,
        scratch_types=[
            pltpu.VMEM((ke, _CHUNK), jnp.int32),
            pltpu.VMEM((4, _CHUNK, _CH), jnp.float32),
            pltpu.VMEM_SHARED((npad, _CH), jnp.float32),
            pltpu.SemaphoreType.DMA,
            pltpu.SemaphoreType.DMA,
        ],
    )
    def k(m_hbm, xr_hbm, dst_hbm, out_hbm, idx_v, buf, acc_sh, lsem, ssem):
        t = lax.axis_index("s")
        pltpu.async_copy(
            xr_hbm.at[pl.ds(t * rpt, rpt), pl.ds(0, _CH)],
            acc_sh.at[pl.ds(t * rpt, rpt)], lsem)
        pltpu.sync_copy(dst_hbm.at[pl.ds(t * ke, ke)], idx_v)
        pltpu.make_async_copy(
            xr_hbm.at[pl.ds(t * rpt, rpt), pl.ds(0, _CH)],
            acc_sh.at[pl.ds(t * rpt, rpt)], lsem).wait()
        plsc.subcore_barrier()

        def load(j):
            pltpu.async_copy(
                m_hbm.at[pl.ds(t * ept + j * _CHUNK, _CHUNK),
                         pl.ds(0, _CH)], buf.at[lax.rem(j, 4)], lsem)

        def load_wait(j):
            pltpu.make_async_copy(
                m_hbm.at[pl.ds(0, _CHUNK), pl.ds(0, _CH)],
                buf.at[lax.rem(j, 4)], lsem).wait()

        def scat(j):
            pltpu.async_copy(buf.at[lax.rem(j, 4)], acc_sh.at[idx_v.at[j]],
                             ssem, add=True)

        def scat_wait(j):
            pltpu.make_async_copy(buf.at[lax.rem(j, 4)],
                                  acc_sh.at[idx_v.at[j]], ssem).wait()

        load(0)
        load(1)

        def step(j, c):
            @pl.when(j >= 2)
            def _():
                scat_wait(j - 2)
            load_wait(j)

            @pl.when(j + 2 < ke)
            def _():
                load(j + 2)
            scat(j)
            return c

        lax.fori_loop(0, ke, step, 0)
        scat_wait(ke - 2)
        scat_wait(ke - 1)
        plsc.subcore_barrier()
        pltpu.sync_copy(acc_sh.at[pl.ds(t * rpt, rpt)],
                        out_hbm.at[pl.ds(t * rpt, rpt), pl.ds(0, _CH)])

    return k(m128, xr128, dstE)


def _sc_pair(util128, ia128, ib128):
    tr = util128.shape[0]
    kp = ia128.shape[0] // _NW
    mesh = plsc.VectorSubcoreMesh(core_axis_name="c", subcore_axis_name="s")

    @functools.partial(
        pl.kernel,
        out_type=jax.ShapeDtypeStruct((_NW * kp, 128), jnp.float32),
        mesh=mesh,
        compiler_params=_SC_PARAMS,
        scratch_types=[
            pltpu.VMEM((tr, 128), jnp.float32),
            pltpu.VMEM((kp, 128), jnp.int32),
            pltpu.VMEM((kp, 128), jnp.int32),
            pltpu.VMEM((kp, 128), jnp.float32),
        ],
    )
    def k(util_hbm, ia_hbm, ib_hbm, out_hbm, tab_v, ia_v, ib_v, o_v):
        w = lax.axis_index("s") * _NC + lax.axis_index("c")
        pltpu.sync_copy(util_hbm, tab_v)
        pltpu.sync_copy(ia_hbm.at[pl.ds(w * kp, kp)], ia_v)
        pltpu.sync_copy(ib_hbm.at[pl.ds(w * kp, kp)], ib_v)

        def body(j, c):
            r = lax.div(j, 8)
            l = lax.rem(j, 8) * 16
            iv = ia_v[r, pl.ds(l, 16)]
            jv = ib_v[r, pl.ds(l, 16)]
            va = plsc.load_gather(
                tab_v, [lax.shift_right_logical(iv, 7),
                        lax.bitwise_and(iv, 127)])
            vb = plsc.load_gather(
                tab_v, [lax.shift_right_logical(jv, 7),
                        lax.bitwise_and(jv, 127)])
            o_v[r, pl.ds(l, 16)] = vb - va
            return c

        lax.fori_loop(0, kp * 8, body, 0)
        pltpu.sync_copy(o_v, out_hbm.at[pl.ds(w * kp, kp)])

    return k(util128, ia128, ib128)


def _tc_dense(ep, msg128, w, bkm, rmat, tmat, xn128, root, bb, relu):
    ge = ep.shape[0] // _BE
    bn = _NPAD // ge

    def body(e_ref, g_ref, w_ref, bk_ref, r_ref, t_ref, xn_ref, root_ref,
             b_ref, m_ref, xr_ref):
        msgb = g_ref[:, :_CH]
        if relu:
            msgb = jnp.maximum(msgb, 0.0)
        eb = e_ref[...]
        e_exp = jnp.dot(eb, r_ref[...], preferred_element_type=jnp.float32)
        msg_t = jnp.dot(msgb, t_ref[...], preferred_element_type=jnp.float32)
        o = e_exp * msg_t
        mm = (jnp.dot(o, w_ref[...], preferred_element_type=jnp.float32)
              + jnp.dot(msgb, bk_ref[...], preferred_element_type=jnp.float32))
        m_ref[...] = jnp.pad(mm, ((0, 0), (0, 128 - _CH)))
        xb = xn_ref[:, :_CH]
        if relu:
            xb = jnp.maximum(xb, 0.0)
        xr = jnp.dot(xb, root_ref[...],
                     preferred_element_type=jnp.float32) + b_ref[0:1, :]
        xr_ref[...] = jnp.pad(xr, ((0, 0), (0, 128 - _CH)))

    return pl.pallas_call(
        body,
        grid=(ge,),
        in_specs=[
            pl.BlockSpec((_BE, _DE), lambda g: (g, 0)),
            pl.BlockSpec((_BE, 128), lambda g: (g, 0)),
            pl.BlockSpec((_DE * _FIN, _CH), lambda g: (0, 0)),
            pl.BlockSpec((_FIN, _CH), lambda g: (0, 0)),
            pl.BlockSpec((_DE, _DE * _FIN), lambda g: (0, 0)),
            pl.BlockSpec((_FIN, _DE * _FIN), lambda g: (0, 0)),
            pl.BlockSpec((bn, 128), lambda g: (g, 0)),
            pl.BlockSpec((_FIN, _CH), lambda g: (0, 0)),
            pl.BlockSpec((8, _CH), lambda g: (0, 0)),
        ],
        out_specs=[
            pl.BlockSpec((_BE, 128), lambda g: (g, 0)),
            pl.BlockSpec((bn, 128), lambda g: (g, 0)),
        ],
        out_shape=[
            jax.ShapeDtypeStruct((ep.shape[0], 128), jnp.float32),
            jax.ShapeDtypeStruct((_NPAD, 128), jnp.float32),
        ],
    )(ep, msg128, w, bkm, rmat, tmat, xn128, root, bb)


def _tc_util(ph128, wd, bdb):
    b = 1024
    g = _NPAD // b

    def body(h_ref, wd_ref, bd_ref, u_ref):
        h = jnp.maximum(h_ref[:, :_CH], 0.0)
        u_ref[...] = jnp.dot(h, wd_ref[...],
                             preferred_element_type=jnp.float32) + bd_ref[0:1, :]

    return pl.pallas_call(
        body,
        grid=(g,),
        in_specs=[
            pl.BlockSpec((b, 128), lambda i: (i, 0)),
            pl.BlockSpec((_CH, 1), lambda i: (0, 0)),
            pl.BlockSpec((8, 1), lambda i: (0, 0)),
        ],
        out_specs=pl.BlockSpec((b, 1), lambda i: (i, 0)),
        out_shape=jax.ShapeDtypeStruct((_NPAD, 1), jnp.float32),
    )(ph128, wd, bdb)


def kernel(x, a_edge_index, e, i, idx_a, idx_b,
           Wk1, bk1, root1, b1, Wk2, bk2, root2, b2, Wd, bd):
    x = x.astype(jnp.float32)
    e = e.astype(jnp.float32)
    src = a_edge_index[0].astype(jnp.int32)
    dst = a_edge_index[1].astype(jnp.int32)

    src128 = jnp.concatenate(
        [src, jnp.zeros((_EPAD - _E,), jnp.int32)]).reshape(-1, 128)
    dstE = jnp.concatenate(
        [dst, jnp.full((_EPAD - _E,), _DUMMY, jnp.int32)]).reshape(-1, 128)
    ep = jnp.pad(e, ((0, _EPAD - _E), (0, 0)))
    xp128 = jnp.pad(x, ((0, _NPAD - _N), (0, 128 - _FIN)))
    ia128 = jnp.pad(idx_a.astype(jnp.int32), (0, _PPAD - _P)).reshape(-1, 128)
    ib128 = jnp.pad(idx_b.astype(jnp.int32), (0, _PPAD - _P)).reshape(-1, 128)
    w1 = Wk1.reshape(_DE * _FIN, _CH)
    w2 = Wk2.reshape(_DE * _CH, _CH)
    bk1m = bk1.reshape(_FIN, _CH)
    bk2m = bk2.reshape(_CH, _CH)
    rmat = jnp.repeat(jnp.eye(_DE, dtype=jnp.float32), _FIN, axis=1)
    tmat = jnp.tile(jnp.eye(_FIN, dtype=jnp.float32), (1, _DE))
    b1b = jnp.broadcast_to(b1[None, :], (8, _CH))
    b2b = jnp.broadcast_to(b2[None, :], (8, _CH))
    bdb = jnp.broadcast_to(bd[None, :], (8, 1))

    msg1 = _sc_gather(xp128, src128)
    m1, xr1 = _tc_dense(ep, msg1, w1, bk1m, rmat, tmat, xp128,
                        root1, b1b, relu=False)
    ph = _sc_scatter(m1, xr1, dstE)

    msg2 = _sc_gather(ph, src128)
    m2, xr2 = _tc_dense(ep, msg2, w2, bk2m, rmat, tmat, ph,
                        root2, b2b, relu=True)
    ph2 = _sc_scatter(m2, xr2, dstE)

    util = _tc_util(ph2, Wd, bdb)
    diff = _sc_pair(util.reshape(-1, 128), ia128, ib128)
    return diff.reshape(-1)[:_P, None]

# --- scband reference (transcript-rebuilt; emitter-appended) ---
"""Pipeline reference for scband-prgnn-72378788872337 (READ-ONLY COPY).

The authoritative reference and input builder live on the scoring server;
editing this copy changes nothing except your own understanding.
"""

import jax, jax.numpy as jnp
import numpy as np

N_NODES = 50000
N_EDGES = 100000
F_IN = 32
D_EDGE = 16
CH = 32
N_OUT = 1
N_PAIRS = 50000
N_GRAPHS = 512


def _glorot(k, shape):
    fan = shape[0] + shape[-1]
    return jax.random.normal(k, shape, dtype=jnp.float32) * np.sqrt(2.0 / fan)


def setup_inputs(seed: int = 0) -> dict:
    key = jax.random.key(seed)
    ks = jax.random.split(key, 12)
    inp = {}
    inp["x"] = jax.random.normal(ks[0], (N_NODES, F_IN), dtype=jnp.float32)
    inp["a_edge_index"] = jax.random.randint(ks[1], (2, N_EDGES), 0, N_NODES)
    inp["e"] = jax.random.normal(ks[2], (N_EDGES, D_EDGE), dtype=jnp.float32)
    inp["i"] = jnp.sort(jax.random.randint(ks[3], (N_NODES,), 0, N_GRAPHS))
    inp["idx_a"] = jax.random.randint(ks[4], (N_PAIRS,), 0, N_NODES)
    inp["idx_b"] = jax.random.randint(ks[5], (N_PAIRS,), 0, N_NODES)
    # ECCConv 1 params: edge kernel network (single linear Dense(F_in*channels)), root weight, bias
    inp["Wk1"] = _glorot(ks[6], (D_EDGE, F_IN * CH))
    inp["bk1"] = jnp.zeros((F_IN * CH,), dtype=jnp.float32)
    inp["root1"] = _glorot(ks[7], (F_IN, CH))
    inp["b1"] = jnp.zeros((CH,), dtype=jnp.float32)
    # ECCConv 2 params
    inp["Wk2"] = _glorot(ks[8], (D_EDGE, CH * CH))
    inp["bk2"] = jnp.zeros((CH * CH,), dtype=jnp.float32)
    inp["root2"] = _glorot(ks[9], (CH, CH))
    inp["b2"] = jnp.zeros((CH,), dtype=jnp.float32)
    # final Dense(n_out)
    inp["Wd"] = _glorot(ks[10], (CH, N_OUT))
    inp["bd"] = jnp.zeros((N_OUT,), dtype=jnp.float32)
    return inp


def _ecc(x, src, dst, e, Wk, bk, root, b, fin, fout):
    # Edge-conditioned kernel: per-edge [fin, fout] weight matrix from edge features
    kern = (e @ Wk + bk).reshape(-1, fin, fout)
    msg = jnp.take(x, src, axis=0)
    m = jnp.einsum('ef,efo->eo', msg, kern)
    agg = jax.ops.segment_sum(m, dst, num_segments=x.shape[0])
    out = agg + x @ root + b
    return jax.nn.relu(out)


def reference(x, a_edge_index, e, i, idx_a, idx_b,
              Wk1, bk1, root1, b1, Wk2, bk2, root2, b2, Wd, bd):
    x = x.astype(jnp.float32)
    e = e.astype(jnp.float32)
    # spektral sparse mode: sources = a.indices[:, 0], targets = a.indices[:, 1]
    src = a_edge_index[0]
    dst = a_edge_index[1]
    h = _ecc(x, src, dst, e, Wk1, bk1, root1, b1, F_IN, CH)
    h = _ecc(h, src, dst, e, Wk2, bk2, root2, b2, CH, CH)
    util = h @ Wd + bd
    x_a = jnp.take(util, idx_a, axis=0)
    x_b = jnp.take(util, idx_b, axis=0)
    return x_b - x_a

if __name__ == "__main__":
    import jax
    _d = setup_inputs()
    print(jax.jit(kernel)(*tuple(_d.values())))

</pallas_src>

<mosaic_0001>
#map = affine_map<(d0, d1) -> (0, 0)>
module attributes {stable_mosaic.version = 14 : i64} {
  func.func @k(%arg0: i32, %arg1: i32, %arg2: memref<51200x128xf32, #tpu.memory_space<hbm>>, %arg3: memref<800x128xi32, #tpu.memory_space<hbm>>, %arg4: memref<102400x128xf32, #tpu.memory_space<hbm>>, %arg5: memref<25x128xi32, #tpu.memory_space<vmem>>, %arg6: memref<6x128x128xf32, #tpu.memory_space<vmem>>, %arg7: memref<!tpu.dma_semaphore, #tpu.memory_space<semaphore_mem>>, %arg8: memref<!tpu.dma_semaphore, #tpu.memory_space<semaphore_mem>>) attributes {dimension_semantics = [#tpu.dimension_semantics<core_parallel>, #tpu.dimension_semantics<subcore_parallel>], iteration_bounds = array<i64: 2, 16>, scalar_prefetch = 0 : i64, scratch_operands = 4 : i64, tpu.core_type = #tpu.core_type<sc_vector_subcore>, window_params = [{transform_indices = #map}, {transform_indices = #map}, {transform_indices = #map}]} {
    %mul3A = arith.constant 2 : i32
    %mul3A_0 = arith.muli %arg1, %mul3A : i32
    %add3A = arith.addi %mul3A_0, %arg0 : i32
    %mul3A_1 = arith.constant 25 : i32
    %mul3A_2 = arith.muli %add3A, %mul3A_1 : i32
    "tpu.region"() ({
      %run_scoped3A = tpu.sem_alloc : memref<!tpu.dma_semaphore, #tpu.memory_space<semaphore_mem>>
      %dma_start3A_104 = arith.constant 0 : i32
      %dma_start3A_105 = tpu.memref_slice %arg3[%mul3A_2, %dma_start3A_104] : memref<800x128xi32, #tpu.memory_space<hbm>> -> memref<25x128xi32, #tpu.memory_space<hbm>>
      %dma_start3A_106 = arith.constant 0 : i32
      %dma_start3A_107 = tpu.memref_slice %arg3[%mul3A_2, %dma_start3A_106] : memref<800x128xi32, #tpu.memory_space<hbm>> -> memref<25x128xi32, #tpu.memory_space<hbm>>
      tpu.enqueue_dma source(%dma_start3A_107 : memref<25x128xi32, #tpu.memory_space<hbm>>) target(%arg5 : memref<25x128xi32, #tpu.memory_space<vmem>>) target_semaphore(%run_scoped3A : memref<!tpu.dma_semaphore, #tpu.memory_space<semaphore_mem>>)
      %dma_wait3A_108 = arith.constant 0 : i32
      %dma_wait3A_109 = tpu.memref_slice %arg3[%mul3A_2, %dma_wait3A_108] : memref<800x128xi32, #tpu.memory_space<hbm>> -> memref<25x128xi32, #tpu.memory_space<hbm>>
      %dma_wait3A_110 = arith.constant 0 : i32
      %dma_wait3A_111 = tpu.memref_slice %arg3[%mul3A_2, %dma_wait3A_110] : memref<800x128xi32, #tpu.memory_space<hbm>> -> memref<25x128xi32, #tpu.memory_space<hbm>>
      tpu.wait_dma2 semaphore(%run_scoped3A : memref<!tpu.dma_semaphore, #tpu.memory_space<semaphore_mem>>) src(%dma_wait3A_111 : memref<25x128xi32, #tpu.memory_space<hbm>>) dst(%arg5 : memref<25x128xi32, #tpu.memory_space<vmem>>)
      tpu.yield
    }) : () -> ()
    %rem3A = arith.constant 0 : i32
    %rem3A_3 = arith.constant 6 : i32
    %rem3A_4 = arith.remsi %rem3A, %rem3A_3 : i32
    %dma_start3A = arith.constant 0 : i32
    %dma_start3A_5 = arith.constant 0 : i32
    %dma_start3A_6 = arith.constant 0 : i32
    %dma_start3A_7 = tpu.memref_slice %arg6[%rem3A_4, %dma_start3A_5, %dma_start3A_6] : memref<6x128x128xf32, #tpu.memory_space<vmem>> -> memref<1x128x128xf32, #tpu.memory_space<vmem>>
    %dma_start3A_8 = tpu.memref_squeeze %dma_start3A_7 : memref<1x128x128xf32, #tpu.memory_space<vmem>> -> memref<128x128xf32, #tpu.memory_space<vmem>>
    %dma_start3A_9 = arith.constant 0 : i32
    %dma_start3A_10 = tpu.memref_slice %arg5[%dma_start3A, %dma_start3A_9] : memref<25x128xi32, #tpu.memory_space<vmem>> -> memref<1x128xi32, #tpu.memory_space<vmem>>
    %dma_start3A_11 = tpu.memref_squeeze %dma_start3A_10 : memref<1x128xi32, #tpu.memory_space<vmem>> -> memref<128xi32, #tpu.memory_space<vmem>>
    %dma_start3A_12 = arith.constant 0 : i32
    %dma_start3A_13 = arith.constant 0 : i32
    %dma_start3A_14 = tpu.memref_slice %arg2[%dma_start3A_12, %dma_start3A_13] : memref<51200x128xf32, #tpu.memory_space<hbm>> -> memref<51200x128xf32, #tpu.memory_space<hbm>>
    tpu.enqueue_indirect_dma source(%dma_start3A_14 : memref<51200x128xf32, #tpu.memory_space<hbm>>) target(%dma_start3A_8 : memref<128x128xf32, #tpu.memory_space<vmem>>) offsets(%dma_start3A_11 : memref<128xi32, #tpu.memory_space<vmem>>) semaphore(%arg7 : memref<!tpu.dma_semaphore, #tpu.memory_space<semaphore_mem>>)
    %rem3A_15 = arith.constant 1 : i32
    %rem3A_16 = arith.constant 6 : i32
    %rem3A_17 = arith.remsi %rem3A_15, %rem3A_16 : i32
    %dma_start3A_18 = arith.constant 1 : i32
    %dma_start3A_19 = arith.constant 0 : i32
    %dma_start3A_20 = arith.constant 0 : i32
    %dma_start3A_21 = tpu.memref_slice %arg6[%rem3A_17, %dma_start3A_19, %dma_start3A_20] : memref<6x128x128xf32, #tpu.memory_space<vmem>> -> memref<1x128x128xf32, #tpu.memory_space<vmem>>
    %dma_start3A_22 = tpu.memref_squeeze %dma_start3A_21 : memref<1x128x128xf32, #tpu.memory_space<vmem>> -> memref<128x128xf32, #tpu.memory_space<vmem>>
    %dma_start3A_23 = arith.constant 0 : i32
    %dma_start3A_24 = tpu.memref_slice %arg5[%dma_start3A_18, %dma_start3A_23] : memref<25x128xi32, #tpu.memory_space<vmem>> -> memref<1x128xi32, #tpu.memory_space<vmem>>
    %dma_start3A_25 = tpu.memref_squeeze %dma_start3A_24 : memref<1x128xi32, #tpu.memory_space<vmem>> -> memref<128xi32, #tpu.memory_space<vmem>>
    %dma_start3A_26 = arith.constant 0 : i32
    %dma_start3A_27 = arith.constant 0 : i32
    %dma_start3A_28 = tpu.memref_slice %arg2[%dma_start3A_26, %dma_start3A_27] : memref<51200x128xf32, #tpu.memory_space<hbm>> -> memref<51200x128xf32, #tpu.memory_space<hbm>>
    tpu.enqueue_indirect_dma source(%dma_start3A_28 : memref<51200x128xf32, #tpu.memory_space<hbm>>) target(%dma_start3A_22 : memref<128x128xf32, #tpu.memory_space<vmem>>) offsets(%dma_start3A_25 : memref<128xi32, #tpu.memory_space<vmem>>) semaphore(%arg7 : memref<!tpu.dma_semaphore, #tpu.memory_space<semaphore_mem>>)
    %rem3A_29 = arith.constant 2 : i32
    %rem3A_30 = arith.constant 6 : i32
    %rem3A_31 = arith.remsi %rem3A_29, %rem3A_30 : i32
    %dma_start3A_32 = arith.constant 2 : i32
    %dma_start3A_33 = arith.constant 0 : i32
    %dma_start3A_34 = arith.constant 0 : i32
    %dma_start3A_35 = tpu.memref_slice %arg6[%rem3A_31, %dma_start3A_33, %dma_start3A_34] : memref<6x128x128xf32, #tpu.memory_space<vmem>> -> memref<1x128x128xf32, #tpu.memory_space<vmem>>
    %dma_start3A_36 = tpu.memref_squeeze %dma_start3A_35 : memref<1x128x128xf32, #tpu.memory_space<vmem>> -> memref<128x128xf32, #tpu.memory_space<vmem>>
    %dma_start3A_37 = arith.constant 0 : i32
    %dma_start3A_38 = tpu.memref_slice %arg5[%dma_start3A_32, %dma_start3A_37] : memref<25x128xi32, #tpu.memory_space<vmem>> -> memref<1x128xi32, #tpu.memory_space<vmem>>
    %dma_start3A_39 = tpu.memref_squeeze %dma_start3A_38 : memref<1x128xi32, #tpu.memory_space<vmem>> -> memref<128xi32, #tpu.memory_space<vmem>>
    %dma_start3A_40 = arith.constant 0 : i32
    %dma_start3A_41 = arith.constant 0 : i32
    %dma_start3A_42 = tpu.memref_slice %arg2[%dma_start3A_40, %dma_start3A_41] : memref<51200x128xf32, #tpu.memory_space<hbm>> -> memref<51200x128xf32, #tpu.memory_space<hbm>>
    tpu.enqueue_indirect_dma source(%dma_start3A_42 : memref<51200x128xf32, #tpu.memory_space<hbm>>) target(%dma_start3A_36 : memref<128x128xf32, #tpu.memory_space<vmem>>) offsets(%dma_start3A_39 : memref<128xi32, #tpu.memory_space<vmem>>) semaphore(%arg7 : memref<!tpu.dma_semaphore, #tpu.memory_space<semaphore_mem>>)
    %scan3A = arith.constant 0 : i32
    %scan3A_43 = arith.constant 0 : i32
    %scan3A_44 = arith.constant 25 : i32
    %scan3A_45 = arith.addi %scan3A_43, %scan3A_44 : i32
    %scan3A_46 = arith.constant 1 : i32
    scf.for %scan3A_104 = %scan3A_43 to %scan3A_45 step %scan3A_46  : i32 {
      %ge3A = arith.constant 3 : i32
      %ge3A_105 = arith.cmpi sge, %scan3A_104, %ge3A : i32
      %convert_element_type3A = arith.extui %ge3A_105 : i1 to i32
      %cond3A = arith.constant 0 : i32
      %cond3A_106 = arith.cmpi ne, %convert_element_type3A, %cond3A : i32
      scf.if %cond3A_106 {
        %sub3A = arith.constant 3 : i32
        %sub3A_144 = arith.subi %scan3A_104, %sub3A : i32
        %rem3A_145 = arith.constant 6 : i32
        %rem3A_146 = arith.remsi %sub3A_144, %rem3A_145 : i32
        %mul3A_147 = arith.constant 3200 : i32
        %mul3A_148 = arith.muli %add3A, %mul3A_147 : i32
        %mul3A_149 = arith.constant 128 : i32
        %mul3A_150 = arith.muli %sub3A_144, %mul3A_149 : i32
        %add3A_151 = arith.addi %mul3A_148, %mul3A_150 : i32
        %dma_wait3A_152 = arith.constant 0 : i32
        %dma_wait3A_153 = arith.constant 0 : i32
        %dma_wait3A_154 = tpu.memref_slice %arg6[%rem3A_146, %dma_wait3A_152, %dma_wait3A_153] : memref<6x128x128xf32, #tpu.memory_space<vmem>> -> memref<1x128x32xf32, #tpu.memory_space<vmem>>
        %dma_wait3A_155 = tpu.memref_squeeze %dma_wait3A_154 : memref<1x128x32xf32, #tpu.memory_space<vmem>> -> memref<128x32xf32, #tpu.memory_space<vmem>>
        %dma_wait3A_156 = arith.constant 0 : i32
        %dma_wait3A_157 = tpu.memref_slice %arg4[%add3A_151, %dma_wait3A_156] : memref<102400x128xf32, #tpu.memory_space<hbm>> -> memref<128x32xf32, #tpu.memory_space<hbm>>
        %dma_wait3A_158 = arith.constant 0 : i32
        %dma_wait3A_159 = tpu.memref_slice %arg4[%add3A_151, %dma_wait3A_158] : memref<102400x128xf32, #tpu.memory_space<hbm>> -> memref<128x32xf32, #tpu.memory_space<hbm>>
        %dma_wait3A_160 = arith.constant 0 : i32
        %dma_wait3A_161 = arith.constant 0 : i32
        %dma_wait3A_162 = tpu.memref_slice %arg6[%rem3A_146, %dma_wait3A_160, %dma_wait3A_161] : memref<6x128x128xf32, #tpu.memory_space<vmem>> -> memref<1x128x32xf32, #tpu.memory_space<vmem>>
        %dma_wait3A_163 = tpu.memref_squeeze %dma_wait3A_162 : memref<1x128x32xf32, #tpu.memory_space<vmem>> -> memref<128x32xf32, #tpu.memory_space<vmem>>
        tpu.wait_dma2 semaphore(%arg8 : memref<!tpu.dma_semaphore, #tpu.memory_space<semaphore_mem>>) src(%dma_wait3A_163 : memref<128x32xf32, #tpu.memory_space<vmem>>) dst(%dma_wait3A_159 : memref<128x32xf32, #tpu.memory_space<hbm>>)
      } else {
      }
      %rem3A_107 = arith.constant 6 : i32
      %rem3A_108 = arith.remsi %scan3A_104, %rem3A_107 : i32
      %dma_wait3A_109 = arith.constant 0 : i32
      %dma_wait3A_110 = arith.constant 0 : i32
      %dma_wait3A_111 = tpu.memref_slice %arg6[%rem3A_108, %dma_wait3A_109, %dma_wait3A_110] : memref<6x128x128xf32, #tpu.memory_space<vmem>> -> memref<1x128x128xf32, #tpu.memory_space<vmem>>
      %dma_wait3A_112 = tpu.memref_squeeze %dma_wait3A_111 : memref<1x128x128xf32, #tpu.memory_space<vmem>> -> memref<128x128xf32, #tpu.memory_space<vmem>>
      %dma_wait3A_113 = arith.constant 0 : i32
      %dma_wait3A_114 = tpu.memref_slice %arg5[%scan3A_104, %dma_wait3A_113] : memref<25x128xi32, #tpu.memory_space<vmem>> -> memref<1x128xi32, #tpu.memory_space<vmem>>
      %dma_wait3A_115 = tpu.memref_squeeze %dma_wait3A_114 : memref<1x128xi32, #tpu.memory_space<vmem>> -> memref<128xi32, #tpu.memory_space<vmem>>
      %dma_wait3A_116 = arith.constant 0 : i32
      %dma_wait3A_117 = arith.constant 0 : i32
      %dma_wait3A_118 = tpu.memref_slice %arg2[%dma_wait3A_116, %dma_wait3A_117] : memref<51200x128xf32, #tpu.memory_space<hbm>> -> memref<51200x128xf32, #tpu.memory_space<hbm>>
      tpu.wait_indirect_dma semaphore(%arg7 : memref<!tpu.dma_semaphore, #tpu.memory_space<semaphore_mem>>) src(%dma_wait3A_118 : memref<51200x128xf32, #tpu.memory_space<hbm>>) dst(%dma_wait3A_112 : memref<128x128xf32, #tpu.memory_space<vmem>>)
      %add3A_119 = arith.constant 3 : i32
      %add3A_120 = arith.addi %scan3A_104, %add3A_119 : i32
      %lt3A = arith.constant 25 : i32
      %lt3A_121 = arith.cmpi slt, %add3A_120, %lt3A : i32
      %convert_element_type3A_122 = arith.extui %lt3A_121 : i1 to i32
      %cond3A_123 = arith.constant 0 : i32
      %cond3A_124 = arith.cmpi ne, %convert_element_type3A_122, %cond3A_123 : i32
      scf.if %cond3A_124 {
        %add3A_144 = arith.constant 3 : i32
        %add3A_145 = arith.addi %scan3A_104, %add3A_144 : i32
        %rem3A_146 = arith.constant 6 : i32
        %rem3A_147 = arith.remsi %add3A_145, %rem3A_146 : i32
        %dma_start3A_148 = arith.constant 0 : i32
        %dma_start3A_149 = arith.constant 0 : i32
        %dma_start3A_150 = tpu.memref_slice %arg6[%rem3A_147, %dma_start3A_148, %dma_start3A_149] : memref<6x128x128xf32, #tpu.memory_space<vmem>> -> memref<1x128x128xf32, #tpu.memory_space<vmem>>
        %dma_start3A_151 = tpu.memref_squeeze %dma_start3A_150 : memref<1x128x128xf32, #tpu.memory_space<vmem>> -> memref<128x128xf32, #tpu.memory_space<vmem>>
        %dma_start3A_152 = arith.constant 0 : i32
        %dma_start3A_153 = tpu.memref_slice %arg5[%add3A_145, %dma_start3A_152] : memref<25x128xi32, #tpu.memory_space<vmem>> -> memref<1x128xi32, #tpu.memory_space<vmem>>
        %dma_start3A_154 = tpu.memref_squeeze %dma_start3A_153 : memref<1x128xi32, #tpu.memory_space<vmem>> -> memref<128xi32, #tpu.memory_space<vmem>>
        %dma_start3A_155 = arith.constant 0 : i32
        %dma_start3A_156 = arith.constant 0 : i32
        %dma_start3A_157 = tpu.memref_slice %arg2[%dma_start3A_155, %dma_start3A_156] : memref<51200x128xf32, #tpu.memory_space<hbm>> -> memref<51200x128xf32, #tpu.memory_space<hbm>>
        tpu.enqueue_indirect_dma source(%dma_start3A_157 : memref<51200x128xf32, #tpu.memory_space<hbm>>) target(%dma_start3A_151 : memref<128x128xf32, #tpu.memory_space<vmem>>) offsets(%dma_start3A_154 : memref<128xi32, #tpu.memory_space<vmem>>) semaphore(%arg7 : memref<!tpu.dma_semaphore, #tpu.memory_space<semaphore_mem>>)
      } else {
      }
      %rem3A_125 = arith.constant 6 : i32
      %rem3A_126 = arith.remsi %scan3A_104, %rem3A_125 : i32
      %mul3A_127 = arith.constant 3200 : i32
      %mul3A_128 = arith.muli %add3A, %mul3A_127 : i32
      %mul3A_129 = arith.constant 128 : i32
      %mul3A_130 = arith.muli %scan3A_104, %mul3A_129 : i32
      %add3A_131 = arith.addi %mul3A_128, %mul3A_130 : i32
      %dma_start3A_132 = arith.constant 0 : i32
      %dma_start3A_133 = arith.constant 0 : i32
      %dma_start3A_134 = tpu.memref_slice %arg6[%rem3A_126, %dma_start3A_132, %dma_start3A_133] : memref<6x128x128xf32, #tpu.memory_space<vmem>> -> memref<1x128x32xf32, #tpu.memory_space<vmem>>
      %dma_start3A_135 = tpu.memref_squeeze %dma_start3A_134 : memref<1x128x32xf32, #tpu.memory_space<vmem>> -> memref<128x32xf32, #tpu.memory_space<vmem>>
      %dma_start3A_136 = arith.constant 0 : i32
      %dma_start3A_137 = tpu.memref_slice %arg4[%add3A_131, %dma_start3A_136] : memref<102400x128xf32, #tpu.memory_space<hbm>> -> memref<128x32xf32, #tpu.memory_space<hbm>>
      %dma_start3A_138 = arith.constant 0 : i32
      %dma_start3A_139 = tpu.memref_slice %arg4[%add3A_131, %dma_start3A_138] : memref<102400x128xf32, #tpu.memory_space<hbm>> -> memref<128x32xf32, #tpu.memory_space<hbm>>
      %dma_start3A_140 = arith.constant 0 : i32
      %dma_start3A_141 = arith.constant 0 : i32
      %dma_start3A_142 = tpu.memref_slice %arg6[%rem3A_126, %dma_start3A_140, %dma_start3A_141] : memref<6x128x128xf32, #tpu.memory_space<vmem>> -> memref<1x128x32xf32, #tpu.memory_space<vmem>>
      %dma_start3A_143 = tpu.memref_squeeze %dma_start3A_142 : memref<1x128x32xf32, #tpu.memory_space<vmem>> -> memref<128x32xf32, #tpu.memory_space<vmem>>
      tpu.enqueue_dma source(%dma_start3A_143 : memref<128x32xf32, #tpu.memory_space<vmem>>) target(%dma_start3A_139 : memref<128x32xf32, #tpu.memory_space<hbm>>) target_semaphore(%arg8 : memref<!tpu.dma_semaphore, #tpu.memory_space<semaphore_mem>>)
    }
    %scan3A_47 = arith.constant 25 : i32
    %rem3A_48 = arith.constant 22 : i32
    %rem3A_49 = arith.constant 6 : i32
    %rem3A_50 = arith.remsi %rem3A_48, %rem3A_49 : i32
    %mul3A_51 = arith.constant 3200 : i32
    %mul3A_52 = arith.muli %add3A, %mul3A_51 : i32
    %add3A_53 = arith.constant 2816 : i32
    %add3A_54 = arith.addi %mul3A_52, %add3A_53 : i32
    %dma_wait3A = arith.constant 0 : i32
    %dma_wait3A_55 = arith.constant 0 : i32
    %dma_wait3A_56 = tpu.memref_slice %arg6[%rem3A_50, %dma_wait3A, %dma_wait3A_55] : memref<6x128x128xf32, #tpu.memory_space<vmem>> -> memref<1x128x32xf32, #tpu.memory_space<vmem>>
    %dma_wait3A_57 = tpu.memref_squeeze %dma_wait3A_56 : memref<1x128x32xf32, #tpu.memory_space<vmem>> -> memref<128x32xf32, #tpu.memory_space<vmem>>
    %dma_wait3A_58 = arith.constant 0 : i32
    %dma_wait3A_59 = tpu.memref_slice %arg4[%add3A_54, %dma_wait3A_58] : memref<102400x128xf32, #tpu.memory_space<hbm>> -> memref<128x32xf32, #tpu.memory_space<hbm>>
    %dma_wait3A_60 = arith.constant 0 : i32
    %dma_wait3A_61 = tpu.memref_slice %arg4[%add3A_54, %dma_wait3A_60] : memref<102400x128xf32, #tpu.memory_space<hbm>> -> memref<128x32xf32, #tpu.memory_space<hbm>>
    %dma_wait3A_62 = arith.constant 0 : i32
    %dma_wait3A_63 = arith.constant 0 : i32
    %dma_wait3A_64 = tpu.memref_slice %arg6[%rem3A_50, %dma_wait3A_62, %dma_wait3A_63] : memref<6x128x128xf32, #tpu.memory_space<vmem>> -> memref<1x128x32xf32, #tpu.memory_space<vmem>>
    %dma_wait3A_65 = tpu.memref_squeeze %dma_wait3A_64 : memref<1x128x32xf32, #tpu.memory_space<vmem>> -> memref<128x32xf32, #tpu.memory_space<vmem>>
    tpu.wait_dma2 semaphore(%arg8 : memref<!tpu.dma_semaphore, #tpu.memory_space<semaphore_mem>>) src(%dma_wait3A_65 : memref<128x32xf32, #tpu.memory_space<vmem>>) dst(%dma_wait3A_61 : memref<128x32xf32, #tpu.memory_space<hbm>>)
    %rem3A_66 = arith.constant 23 : i32
    %rem3A_67 = arith.constant 6 : i32
    %rem3A_68 = arith.remsi %rem3A_66, %rem3A_67 : i32
    %mul3A_69 = arith.constant 3200 : i32
    %mul3A_70 = arith.muli %add3A, %mul3A_69 : i32
    %add3A_71 = arith.constant 2944 : i32
    %add3A_72 = arith.addi %mul3A_70, %add3A_71 : i32
    %dma_wait3A_73 = arith.constant 0 : i32
    %dma_wait3A_74 = arith.constant 0 : i32
    %dma_wait3A_75 = tpu.memref_slice %arg6[%rem3A_68, %dma_wait3A_73, %dma_wait3A_74] : memref<6x128x128xf32, #tpu.memory_space<vmem>> -> memref<1x128x32xf32, #tpu.memory_space<vmem>>
    %dma_wait3A_76 = tpu.memref_squeeze %dma_wait3A_75 : memref<1x128x32xf32, #tpu.memory_space<vmem>> -> memref<128x32xf32, #tpu.memory_space<vmem>>
    %dma_wait3A_77 = arith.constant 0 : i32
    %dma_wait3A_78 = tpu.memref_slice %arg4[%add3A_72, %dma_wait3A_77] : memref<102400x128xf32, #tpu.memory_space<hbm>> -> memref<128x32xf32, #tpu.memory_space<hbm>>
    %dma_wait3A_79 = arith.constant 0 : i32
    %dma_wait3A_80 = tpu.memref_slice %arg4[%add3A_72, %dma_wait3A_79] : memref<102400x128xf32, #tpu.memory_space<hbm>> -> memref<128x32xf32, #tpu.memory_space<hbm>>
    %dma_wait3A_81 = arith.constant 0 : i32
    %dma_wait3A_82 = arith.constant 0 : i32
    %dma_wait3A_83 = tpu.memref_slice %arg6[%rem3A_68, %dma_wait3A_81, %dma_wait3A_82] : memref<6x128x128xf32, #tpu.memory_space<vmem>> -> memref<1x128x32xf32, #tpu.memory_space<vmem>>
    %dma_wait3A_84 = tpu.memref_squeeze %dma_wait3A_83 : memref<1x128x32xf32, #tpu.memory_space<vmem>> -> memref<128x32xf32, #tpu.memory_space<vmem>>
    tpu.wait_dma2 semaphore(%arg8 : memref<!tpu.dma_semaphore, #tpu.memory_space<semaphore_mem>>) src(%dma_wait3A_84 : memref<128x32xf32, #tpu.memory_space<vmem>>) dst(%dma_wait3A_80 : memref<128x32xf32, #tpu.memory_space<hbm>>)
    %rem3A_85 = arith.constant 24 : i32
    %rem3A_86 = arith.constant 6 : i32
    %rem3A_87 = arith.remsi %rem3A_85, %rem3A_86 : i32
    %mul3A_88 = arith.constant 3200 : i32
    %mul3A_89 = arith.muli %add3A, %mul3A_88 : i32
    %add3A_90 = arith.constant 3072 : i32
    %add3A_91 = arith.addi %mul3A_89, %add3A_90 : i32
    %dma_wait3A_92 = arith.constant 0 : i32
    %dma_wait3A_93 = arith.constant 0 : i32
    %dma_wait3A_94 = tpu.memref_slice %arg6[%rem3A_87, %dma_wait3A_92, %dma_wait3A_93] : memref<6x128x128xf32, #tpu.memory_space<vmem>> -> memref<1x128x32xf32, #tpu.memory_space<vmem>>
    %dma_wait3A_95 = tpu.memref_squeeze %dma_wait3A_94 : memref<1x128x32xf32, #tpu.memory_space<vmem>> -> memref<128x32xf32, #tpu.memory_space<vmem>>
    %dma_wait3A_96 = arith.constant 0 : i32
    %dma_wait3A_97 = tpu.memref_slice %arg4[%add3A_91, %dma_wait3A_96] : memref<102400x128xf32, #tpu.memory_space<hbm>> -> memref<128x32xf32, #tpu.memory_space<hbm>>
    %dma_wait3A_98 = arith.constant 0 : i32
    %dma_wait3A_99 = tpu.memref_slice %arg4[%add3A_91, %dma_wait3A_98] : memref<102400x128xf32, #tpu.memory_space<hbm>> -> memref<128x32xf32, #tpu.memory_space<hbm>>
    %dma_wait3A_100 = arith.constant 0 : i32
    %dma_wait3A_101 = arith.constant 0 : i32
    %dma_wait3A_102 = tpu.memref_slice %arg6[%rem3A_87, %dma_wait3A_100, %dma_wait3A_101] : memref<6x128x128xf32, #tpu.memory_space<vmem>> -> memref<1x128x32xf32, #tpu.memory_space<vmem>>
    %dma_wait3A_103 = tpu.memref_squeeze %dma_wait3A_102 : memref<1x128x32xf32, #tpu.memory_space<vmem>> -> memref<128x32xf32, #tpu.memory_space<vmem>>
    tpu.wait_dma2 semaphore(%arg8 : memref<!tpu.dma_semaphore, #tpu.memory_space<semaphore_mem>>) src(%dma_wait3A_103 : memref<128x32xf32, #tpu.memory_space<vmem>>) dst(%dma_wait3A_99 : memref<128x32xf32, #tpu.memory_space<hbm>>)
    return
  }
}

#map = affine_map<(d0, d1) -> (0, 0)>
module attributes {stable_mosaic.version = 14 : i64} {
  func.func @k(%arg0: i32, %arg1: i32, %arg2: memref<102400x128xf32, #tpu.memory_space<hbm>>, %arg3: memref<51200x128xf32, #tpu.memory_space<hbm>>, %arg4: memref<800x128xi32, #tpu.memory_space<hbm>>, %arg5: memref<51200x128xf32, #tpu.memory_space<hbm>>, %arg6: memref<50x128xi32, #tpu.memory_space<vmem>>, %arg7: memref<4x128x32xf32, #tpu.memory_space<vmem>>, %arg8: memref<51200x32xf32, #tpu.memory_space<vmem_shared>>, %arg9: memref<!tpu.dma_semaphore, #tpu.memory_space<semaphore_mem>>, %arg10: memref<!tpu.dma_semaphore, #tpu.memory_space<semaphore_mem>>) attributes {dimension_semantics = [#tpu.dimension_semantics<core_parallel>, #tpu.dimension_semantics<subcore_parallel>], iteration_bounds = array<i64: 1, 16>, scalar_prefetch = 0 : i64, scratch_operands = 5 : i64, tpu.core_type = #tpu.core_type<sc_vector_subcore>, window_params = [{transform_indices = #map}, {transform_indices = #map}, {transform_indices = #map}, {transform_indices = #map}]} {
    %mul3A = arith.constant 3200 : i32
    %mul3A_0 = arith.muli %arg1, %mul3A : i32
    %mul3A_1 = arith.constant 3200 : i32
    %mul3A_2 = arith.muli %arg1, %mul3A_1 : i32
    %dma_start3A = arith.constant 0 : i32
    %dma_start3A_3 = tpu.memref_slice %arg8[%mul3A_2, %dma_start3A] : memref<51200x32xf32, #tpu.memory_space<vmem_shared>> -> memref<3200x32xf32, #tpu.memory_space<vmem_shared>>
    %dma_start3A_4 = arith.constant 0 : i32
    %dma_start3A_5 = tpu.memref_slice %arg3[%mul3A_0, %dma_start3A_4] : memref<51200x128xf32, #tpu.memory_space<hbm>> -> memref<3200x32xf32, #tpu.memory_space<hbm>>
    tpu.enqueue_dma source(%dma_start3A_5 : memref<3200x32xf32, #tpu.memory_space<hbm>>) target(%dma_start3A_3 : memref<3200x32xf32, #tpu.memory_space<vmem_shared>>) target_semaphore(%arg9 : memref<!tpu.dma_semaphore, #tpu.memory_space<semaphore_mem>>)
    %mul3A_6 = arith.constant 50 : i32
    %mul3A_7 = arith.muli %arg1, %mul3A_6 : i32
    "tpu.region"() ({
      %run_scoped3A = tpu.sem_alloc : memref<!tpu.dma_semaphore, #tpu.memory_space<semaphore_mem>>
      %dma_start3A_89 = arith.constant 0 : i32
      %dma_start3A_90 = tpu.memref_slice %arg4[%mul3A_7, %dma_start3A_89] : memref<800x128xi32, #tpu.memory_space<hbm>> -> memref<50x128xi32, #tpu.memory_space<hbm>>
      %dma_start3A_91 = arith.constant 0 : i32
      %dma_start3A_92 = tpu.memref_slice %arg4[%mul3A_7, %dma_start3A_91] : memref<800x128xi32, #tpu.memory_space<hbm>> -> memref<50x128xi32, #tpu.memory_space<hbm>>
      tpu.enqueue_dma source(%dma_start3A_92 : memref<50x128xi32, #tpu.memory_space<hbm>>) target(%arg6 : memref<50x128xi32, #tpu.memory_space<vmem>>) target_semaphore(%run_scoped3A : memref<!tpu.dma_semaphore, #tpu.memory_space<semaphore_mem>>)
      %dma_wait3A_93 = arith.constant 0 : i32
      %dma_wait3A_94 = tpu.memref_slice %arg4[%mul3A_7, %dma_wait3A_93] : memref<800x128xi32, #tpu.memory_space<hbm>> -> memref<50x128xi32, #tpu.memory_space<hbm>>
      %dma_wait3A_95 = arith.constant 0 : i32
      %dma_wait3A_96 = tpu.memref_slice %arg4[%mul3A_7, %dma_wait3A_95] : memref<800x128xi32, #tpu.memory_space<hbm>> -> memref<50x128xi32, #tpu.memory_space<hbm>>
      tpu.wait_dma2 semaphore(%run_scoped3A : memref<!tpu.dma_semaphore, #tpu.memory_space<semaphore_mem>>) src(%dma_wait3A_96 : memref<50x128xi32, #tpu.memory_space<hbm>>) dst(%arg6 : memref<50x128xi32, #tpu.memory_space<vmem>>)
      tpu.yield
    }) : () -> ()
    %mul3A_8 = arith.constant 3200 : i32
    %mul3A_9 = arith.muli %arg1, %mul3A_8 : i32
    %mul3A_10 = arith.constant 3200 : i32
    %mul3A_11 = arith.muli %arg1, %mul3A_10 : i32
    %dma_wait3A = arith.constant 0 : i32
    %dma_wait3A_12 = tpu.memref_slice %arg8[%mul3A_11, %dma_wait3A] : memref<51200x32xf32, #tpu.memory_space<vmem_shared>> -> memref<3200x32xf32, #tpu.memory_space<vmem_shared>>
    %dma_wait3A_13 = arith.constant 0 : i32
    %dma_wait3A_14 = tpu.memref_slice %arg3[%mul3A_9, %dma_wait3A_13] : memref<51200x128xf32, #tpu.memory_space<hbm>> -> memref<3200x32xf32, #tpu.memory_space<hbm>>
    tpu.wait_dma2 semaphore(%arg9 : memref<!tpu.dma_semaphore, #tpu.memory_space<semaphore_mem>>) src(%dma_wait3A_14 : memref<3200x32xf32, #tpu.memory_space<hbm>>) dst(%dma_wait3A_12 : memref<3200x32xf32, #tpu.memory_space<vmem_shared>>)
    %barrier3A = arith.constant 0 : index
    tpu.barrier barrier_id(%barrier3A)
    %mul3A_15 = arith.constant 6400 : i32
    %mul3A_16 = arith.muli %arg1, %mul3A_15 : i32
    %add3A = arith.constant 0 : i32
    %add3A_17 = arith.addi %mul3A_16, %add3A : i32
    %rem3A = arith.constant 0 : i32
    %rem3A_18 = arith.constant 4 : i32
    %rem3A_19 = arith.remsi %rem3A, %rem3A_18 : i32
    %dma_start3A_20 = arith.constant 0 : i32
    %dma_start3A_21 = arith.constant 0 : i32
    %dma_start3A_22 = tpu.memref_slice %arg7[%rem3A_19, %dma_start3A_20, %dma_start3A_21] : memref<4x128x32xf32, #tpu.memory_space<vmem>> -> memref<1x128x32xf32, #tpu.memory_space<vmem>>
    %dma_start3A_23 = tpu.memref_squeeze %dma_start3A_22 : memref<1x128x32xf32, #tpu.memory_space<vmem>> -> memref<128x32xf32, #tpu.memory_space<vmem>>
    %dma_start3A_24 = arith.constant 0 : i32
    %dma_start3A_25 = tpu.memref_slice %arg2[%add3A_17, %dma_start3A_24] : memref<102400x128xf32, #tpu.memory_space<hbm>> -> memref<128x32xf32, #tpu.memory_space<hbm>>
    %dma_start3A_26 = arith.constant 0 : i32
    %dma_start3A_27 = arith.constant 0 : i32
    %dma_start3A_28 = tpu.memref_slice %arg7[%rem3A_19, %dma_start3A_26, %dma_start3A_27] : memref<4x128x32xf32, #tpu.memory_space<vmem>> -> memref<1x128x32xf32, #tpu.memory_space<vmem>>
    %dma_start3A_29 = tpu.memref_squeeze %dma_start3A_28 : memref<1x128x32xf32, #tpu.memory_space<vmem>> -> memref<128x32xf32, #tpu.memory_space<vmem>>
    %dma_start3A_30 = arith.constant 0 : i32
    %dma_start3A_31 = tpu.memref_slice %arg2[%add3A_17, %dma_start3A_30] : memref<102400x128xf32, #tpu.memory_space<hbm>> -> memref<128x32xf32, #tpu.memory_space<hbm>>
    tpu.enqueue_dma source(%dma_start3A_31 : memref<128x32xf32, #tpu.memory_space<hbm>>) target(%dma_start3A_29 : memref<128x32xf32, #tpu.memory_space<vmem>>) target_semaphore(%arg9 : memref<!tpu.dma_semaphore, #tpu.memory_space<semaphore_mem>>)
    %mul3A_32 = arith.constant 6400 : i32
    %mul3A_33 = arith.muli %arg1, %mul3A_32 : i32
    %add3A_34 = arith.constant 128 : i32
    %add3A_35 = arith.addi %mul3A_33, %add3A_34 : i32
    %rem3A_36 = arith.constant 1 : i32
    %rem3A_37 = arith.constant 4 : i32
    %rem3A_38 = arith.remsi %rem3A_36, %rem3A_37 : i32
    %dma_start3A_39 = arith.constant 0 : i32
    %dma_start3A_40 = arith.constant 0 : i32
    %dma_start3A_41 = tpu.memref_slice %arg7[%rem3A_38, %dma_start3A_39, %dma_start3A_40] : memref<4x128x32xf32, #tpu.memory_space<vmem>> -> memref<1x128x32xf32, #tpu.memory_space<vmem>>
    %dma_start3A_42 = tpu.memref_squeeze %dma_start3A_41 : memref<1x128x32xf32, #tpu.memory_space<vmem>> -> memref<128x32xf32, #tpu.memory_space<vmem>>
    %dma_start3A_43 = arith.constant 0 : i32
    %dma_start3A_44 = tpu.memref_slice %arg2[%add3A_35, %dma_start3A_43] : memref<102400x128xf32, #tpu.memory_space<hbm>> -> memref<128x32xf32, #tpu.memory_space<hbm>>
    %dma_start3A_45 = arith.constant 0 : i32
    %dma_start3A_46 = arith.constant 0 : i32
    %dma_start3A_47 = tpu.memref_slice %arg7[%rem3A_38, %dma_start3A_45, %dma_start3A_46] : memref<4x128x32xf32, #tpu.memory_space<vmem>> -> memref<1x128x32xf32, #tpu.memory_space<vmem>>
    %dma_start3A_48 = tpu.memref_squeeze %dma_start3A_47 : memref<1x128x32xf32, #tpu.memory_space<vmem>> -> memref<128x32xf32, #tpu.memory_space<vmem>>
    %dma_start3A_49 = arith.constant 0 : i32
    %dma_start3A_50 = tpu.memref_slice %arg2[%add3A_35, %dma_start3A_49] : memref<102400x128xf32, #tpu.memory_space<hbm>> -> memref<128x32xf32, #tpu.memory_space<hbm>>
    tpu.enqueue_dma source(%dma_start3A_50 : memref<128x32xf32, #tpu.memory_space<hbm>>) target(%dma_start3A_48 : memref<128x32xf32, #tpu.memory_space<vmem>>) target_semaphore(%arg9 : memref<!tpu.dma_semaphore, #tpu.memory_space<semaphore_mem>>)
    %scan3A = arith.constant 0 : i32
    %scan3A_51 = arith.constant 0 : i32
    %scan3A_52 = arith.constant 50 : i32
    %scan3A_53 = arith.addi %scan3A_51, %scan3A_52 : i32
    %scan3A_54 = arith.constant 1 : i32
    scf.for %scan3A_89 = %scan3A_51 to %scan3A_53 step %scan3A_54  : i32 {
      %ge3A = arith.constant 2 : i32
      %ge3A_90 = arith.cmpi sge, %scan3A_89, %ge3A : i32
      %convert_element_type3A = arith.extui %ge3A_90 : i1 to i32
      %cond3A = arith.constant 0 : i32
      %cond3A_91 = arith.cmpi ne, %convert_element_type3A, %cond3A : i32
      scf.if %cond3A_91 {
        %sub3A = arith.constant 2 : i32
        %sub3A_126 = arith.subi %scan3A_89, %sub3A : i32
        %rem3A_127 = arith.constant 4 : i32
        %rem3A_128 = arith.remsi %sub3A_126, %rem3A_127 : i32
        %dma_wait3A_129 = arith.constant 0 : i32
        %dma_wait3A_130 = arith.constant 0 : i32
        %dma_wait3A_131 = tpu.memref_slice %arg7[%rem3A_128, %dma_wait3A_129, %dma_wait3A_130] : memref<4x128x32xf32, #tpu.memory_space<vmem>> -> memref<1x128x32xf32, #tpu.memory_space<vmem>>
        %dma_wait3A_132 = tpu.memref_squeeze %dma_wait3A_131 : memref<1x128x32xf32, #tpu.memory_space<vmem>> -> memref<128x32xf32, #tpu.memory_space<vmem>>
        %dma_wait3A_133 = arith.constant 0 : i32
        %dma_wait3A_134 = tpu.memref_slice %arg6[%sub3A_126, %dma_wait3A_133] : memref<50x128xi32, #tpu.memory_space<vmem>> -> memref<1x128xi32, #tpu.memory_space<vmem>>
        %dma_wait3A_135 = tpu.memref_squeeze %dma_wait3A_134 : memref<1x128xi32, #tpu.memory_space<vmem>> -> memref<128xi32, #tpu.memory_space<vmem>>
        %dma_wait3A_136 = arith.constant 0 : i32
        %dma_wait3A_137 = arith.constant 0 : i32
        %dma_wait3A_138 = tpu.memref_slice %arg8[%dma_wait3A_136, %dma_wait3A_137] : memref<51200x32xf32, #tpu.memory_space<vmem_shared>> -> memref<51200x32xf32, #tpu.memory_space<vmem_shared>>
        tpu.wait_indirect_dma semaphore(%arg10 : memref<!tpu.dma_semaphore, #tpu.memory_space<semaphore_mem>>) src(%dma_wait3A_132 : memref<128x32xf32, #tpu.memory_space<vmem>>) dst(%dma_wait3A_138 : memref<51200x32xf32, #tpu.memory_space<vmem_shared>>)
      } else {
      }
      %rem3A_92 = arith.constant 4 : i32
      %rem3A_93 = arith.remsi %scan3A_89, %rem3A_92 : i32
      %dma_wait3A_94 = arith.constant 0 : i32
      %dma_wait3A_95 = arith.constant 0 : i32
      %dma_wait3A_96 = tpu.memref_slice %arg7[%rem3A_93, %dma_wait3A_94, %dma_wait3A_95] : memref<4x128x32xf32, #tpu.memory_space<vmem>> -> memref<1x128x32xf32, #tpu.memory_space<vmem>>
      %dma_wait3A_97 = tpu.memref_squeeze %dma_wait3A_96 : memref<1x128x32xf32, #tpu.memory_space<vmem>> -> memref<128x32xf32, #tpu.memory_space<vmem>>
      %dma_wait3A_98 = arith.constant 0 : i32
      %dma_wait3A_99 = arith.constant 0 : i32
      %dma_wait3A_100 = tpu.memref_slice %arg2[%dma_wait3A_98, %dma_wait3A_99] : memref<102400x128xf32, #tpu.memory_space<hbm>> -> memref<128x32xf32, #tpu.memory_space<hbm>>
      %dma_wait3A_101 = arith.constant 0 : i32
      %dma_wait3A_102 = arith.constant 0 : i32
      %dma_wait3A_103 = tpu.memref_slice %arg7[%rem3A_93, %dma_wait3A_101, %dma_wait3A_102] : memref<4x128x32xf32, #tpu.memory_space<vmem>> -> memref<1x128x32xf32, #tpu.memory_space<vmem>>
      %dma_wait3A_104 = tpu.memref_squeeze %dma_wait3A_103 : memref<1x128x32xf32, #tpu.memory_space<vmem>> -> memref<128x32xf32, #tpu.memory_space<vmem>>
      %dma_wait3A_105 = arith.constant 0 : i32
      %dma_wait3A_106 = arith.constant 0 : i32
      %dma_wait3A_107 = tpu.memref_slice %arg2[%dma_wait3A_105, %dma_wait3A_106] : memref<102400x128xf32, #tpu.memory_space<hbm>> -> memref<128x32xf32, #tpu.memory_space<hbm>>
      tpu.wait_dma2 semaphore(%arg9 : memref<!tpu.dma_semaphore, #tpu.memory_space<semaphore_mem>>) src(%dma_wait3A_107 : memref<128x32xf32, #tpu.memory_space<hbm>>) dst(%dma_wait3A_104 : memref<128x32xf32, #tpu.memory_space<vmem>>)
      %add3A_108 = arith.constant 2 : i32
      %add3A_109 = arith.addi %scan3A_89, %add3A_108 : i32
      %lt3A = arith.constant 50 : i32
      %lt3A_110 = arith.cmpi slt, %add3A_109, %lt3A : i32
      %convert_element_type3A_111 = arith.extui %lt3A_110 : i1 to i32
      %cond3A_112 = arith.constant 0 : i32
      %cond3A_113 = arith.cmpi ne, %convert_element_type3A_111, %cond3A_112 : i32
      scf.if %cond3A_113 {
        %add3A_126 = arith.constant 2 : i32
        %add3A_127 = arith.addi %scan3A_89, %add3A_126 : i32
        %mul3A_128 = arith.constant 6400 : i32
        %mul3A_129 = arith.muli %arg1, %mul3A_128 : i32
        %mul3A_130 = arith.constant 128 : i32
        %mul3A_131 = arith.muli %add3A_127, %mul3A_130 : i32
        %add3A_132 = arith.addi %mul3A_129, %mul3A_131 : i32
        %rem3A_133 = arith.constant 4 : i32
        %rem3A_134 = arith.remsi %add3A_127, %rem3A_133 : i32
        %dma_start3A_135 = arith.constant 0 : i32
        %dma_start3A_136 = arith.constant 0 : i32
        %dma_start3A_137 = tpu.memref_slice %arg7[%rem3A_134, %dma_start3A_135, %dma_start3A_136] : memref<4x128x32xf32, #tpu.memory_space<vmem>> -> memref<1x128x32xf32, #tpu.memory_space<vmem>>
        %dma_start3A_138 = tpu.memref_squeeze %dma_start3A_137 : memref<1x128x32xf32, #tpu.memory_space<vmem>> -> memref<128x32xf32, #tpu.memory_space<vmem>>
        %dma_start3A_139 = arith.constant 0 : i32
        %dma_start3A_140 = tpu.memref_slice %arg2[%add3A_132, %dma_start3A_139] : memref<102400x128xf32, #tpu.memory_space<hbm>> -> memref<128x32xf32, #tpu.memory_space<hbm>>
        %dma_start3A_141 = arith.constant 0 : i32
        %dma_start3A_142 = arith.constant 0 : i32
        %dma_start3A_143 = tpu.memref_slice %arg7[%rem3A_134, %dma_start3A_141, %dma_start3A_142] : memref<4x128x32xf32, #tpu.memory_space<vmem>> -> memref<1x128x32xf32, #tpu.memory_space<vmem>>
        %dma_start3A_144 = tpu.memref_squeeze %dma_start3A_143 : memref<1x128x32xf32, #tpu.memory_space<vmem>> -> memref<128x32xf32, #tpu.memory_space<vmem>>
        %dma_start3A_145 = arith.constant 0 : i32
        %dma_start3A_146 = tpu.memref_slice %arg2[%add3A_132, %dma_start3A_145] : memref<102400x128xf32, #tpu.memory_space<hbm>> -> memref<128x32xf32, #tpu.memory_space<hbm>>
        tpu.enqueue_dma source(%dma_start3A_146 : memref<128x32xf32, #tpu.memory_space<hbm>>) target(%dma_start3A_144 : memref<128x32xf32, #tpu.memory_space<vmem>>) target_semaphore(%arg9 : memref<!tpu.dma_semaphore, #tpu.memory_space<semaphore_mem>>)
      } else {
      }
      %rem3A_114 = arith.constant 4 : i32
      %rem3A_115 = arith.remsi %scan3A_89, %rem3A_114 : i32
      %dma_start3A_116 = arith.constant 0 : i32
      %dma_start3A_117 = arith.constant 0 : i32
      %dma_start3A_118 = tpu.memref_slice %arg7[%rem3A_115, %dma_start3A_116, %dma_start3A_117] : memref<4x128x32xf32, #tpu.memory_space<vmem>> -> memref<1x128x32xf32, #tpu.memory_space<vmem>>
      %dma_start3A_119 = tpu.memref_squeeze %dma_start3A_118 : memref<1x128x32xf32, #tpu.memory_space<vmem>> -> memref<128x32xf32, #tpu.memory_space<vmem>>
      %dma_start3A_120 = arith.constant 0 : i32
      %dma_start3A_121 = tpu.memref_slice %arg6[%scan3A_89, %dma_start3A_120] : memref<50x128xi32, #tpu.memory_space<vmem>> -> memref<1x128xi32, #tpu.memory_space<vmem>>
      %dma_start3A_122 = tpu.memref_squeeze %dma_start3A_121 : memref<1x128xi32, #tpu.memory_space<vmem>> -> memref<128xi32, #tpu.memory_space<vmem>>
      %dma_start3A_123 = arith.constant 0 : i32
      %dma_start3A_124 = arith.constant 0 : i32
      %dma_start3A_125 = tpu.memref_slice %arg8[%dma_start3A_123, %dma_start3A_124] : memref<51200x32xf32, #tpu.memory_space<vmem_shared>> -> memref<51200x32xf32, #tpu.memory_space<vmem_shared>>
      tpu.enqueue_indirect_dma source(%dma_start3A_119 : memref<128x32xf32, #tpu.memory_space<vmem>>) target(%dma_start3A_125 : memref<51200x32xf32, #tpu.memory_space<vmem_shared>>) offsets(%dma_start3A_122 : memref<128xi32, #tpu.memory_space<vmem>>) semaphore(%arg10 : memref<!tpu.dma_semaphore, #tpu.memory_space<semaphore_mem>>) {add = true}
    }
    %scan3A_55 = arith.constant 50 : i32
    %rem3A_56 = arith.constant 48 : i32
    %rem3A_57 = arith.constant 4 : i32
    %rem3A_58 = arith.remsi %rem3A_56, %rem3A_57 : i32
    %dma_wait3A_59 = arith.constant 48 : i32
    %dma_wait3A_60 = arith.constant 0 : i32
    %dma_wait3A_61 = arith.constant 0 : i32
    %dma_wait3A_62 = tpu.memref_slice %arg7[%rem3A_58, %dma_wait3A_60, %dma_wait3A_61] : memref<4x128x32xf32, #tpu.memory_space<vmem>> -> memref<1x128x32xf32, #tpu.memory_space<vmem>>
    %dma_wait3A_63 = tpu.memref_squeeze %dma_wait3A_62 : memref<1x128x32xf32, #tpu.memory_space<vmem>> -> memref<128x32xf32, #tpu.memory_space<vmem>>
    %dma_wait3A_64 = arith.constant 0 : i32
    %dma_wait3A_65 = tpu.memref_slice %arg6[%dma_wait3A_59, %dma_wait3A_64] : memref<50x128xi32, #tpu.memory_space<vmem>> -> memref<1x128xi32, #tpu.memory_space<vmem>>
    %dma_wait3A_66 = tpu.memref_squeeze %dma_wait3A_65 : memref<1x128xi32, #tpu.memory_space<vmem>> -> memref<128xi32, #tpu.memory_space<vmem>>
    %dma_wait3A_67 = arith.constant 0 : i32
    %dma_wait3A_68 = arith.constant 0 : i32
    %dma_wait3A_69 = tpu.memref_slice %arg8[%dma_wait3A_67, %dma_wait3A_68] : memref<51200x32xf32, #tpu.memory_space<vmem_shared>> -> memref<51200x32xf32, #tpu.memory_space<vmem_shared>>
    tpu.wait_indirect_dma semaphore(%arg10 : memref<!tpu.dma_semaphore, #tpu.memory_space<semaphore_mem>>) src(%dma_wait3A_63 : memref<128x32xf32, #tpu.memory_space<vmem>>) dst(%dma_wait3A_69 : memref<51200x32xf32, #tpu.memory_space<vmem_shared>>)
    %rem3A_70 = arith.constant 49 : i32
    %rem3A_71 = arith.constant 4 : i32
    %rem3A_72 = arith.remsi %rem3A_70, %rem3A_71 : i32
    %dma_wait3A_73 = arith.constant 49 : i32
    %dma_wait3A_74 = arith.constant 0 : i32
    %dma_wait3A_75 = arith.constant 0 : i32
    %dma_wait3A_76 = tpu.memref_slice %arg7[%rem3A_72, %dma_wait3A_74, %dma_wait3A_75] : memref<4x128x32xf32, #tpu.memory_space<vmem>> -> memref<1x128x32xf32, #tpu.memory_space<vmem>>
    %dma_wait3A_77 = tpu.memref_squeeze %dma_wait3A_76 : memref<1x128x32xf32, #tpu.memory_space<vmem>> -> memref<128x32xf32, #tpu.memory_space<vmem>>
    %dma_wait3A_78 = arith.constant 0 : i32
    %dma_wait3A_79 = tpu.memref_slice %arg6[%dma_wait3A_73, %dma_wait3A_78] : memref<50x128xi32, #tpu.memory_space<vmem>> -> memref<1x128xi32, #tpu.memory_space<vmem>>
    %dma_wait3A_80 = tpu.memref_squeeze %dma_wait3A_79 : memref<1x128xi32, #tpu.memory_space<vmem>> -> memref<128xi32, #tpu.memory_space<vmem>>
    %dma_wait3A_81 = arith.constant 0 : i32
    %dma_wait3A_82 = arith.constant 0 : i32
    %dma_wait3A_83 = tpu.memref_slice %arg8[%dma_wait3A_81, %dma_wait3A_82] : memref<51200x32xf32, #tpu.memory_space<vmem_shared>> -> memref<51200x32xf32, #tpu.memory_space<vmem_shared>>
    tpu.wait_indirect_dma semaphore(%arg10 : memref<!tpu.dma_semaphore, #tpu.memory_space<semaphore_mem>>) src(%dma_wait3A_77 : memref<128x32xf32, #tpu.memory_space<vmem>>) dst(%dma_wait3A_83 : memref<51200x32xf32, #tpu.memory_space<vmem_shared>>)
    %barrier3A_84 = arith.constant 0 : index
    tpu.barrier barrier_id(%barrier3A_84)
    %mul3A_85 = arith.constant 3200 : i32
    %mul3A_86 = arith.muli %arg1, %mul3A_85 : i32
    %mul3A_87 = arith.constant 3200 : i32
    %mul3A_88 = arith.muli %arg1, %mul3A_87 : i32
    "tpu.region"() ({
      %run_scoped3A = tpu.sem_alloc : memref<!tpu.dma_semaphore, #tpu.memory_space<semaphore_mem>>
      %dma_start3A_89 = arith.constant 0 : i32
      %dma_start3A_90 = tpu.memref_slice %arg5[%mul3A_88, %dma_start3A_89] : memref<51200x128xf32, #tpu.memory_space<hbm>> -> memref<3200x32xf32, #tpu.memory_space<hbm>>
      %dma_start3A_91 = arith.constant 0 : i32
      %dma_start3A_92 = tpu.memref_slice %arg8[%mul3A_86, %dma_start3A_91] : memref<51200x32xf32, #tpu.memory_space<vmem_shared>> -> memref<3200x32xf32, #tpu.memory_space<vmem_shared>>
      tpu.enqueue_dma source(%dma_start3A_92 : memref<3200x32xf32, #tpu.memory_space<vmem_shared>>) target(%dma_start3A_90 : memref<3200x32xf32, #tpu.memory_space<hbm>>) target_semaphore(%run_scoped3A : memref<!tpu.dma_semaphore, #tpu.memory_space<semaphore_mem>>)
      %dma_wait3A_93 = arith.constant 0 : i32
      %dma_wait3A_94 = tpu.memref_slice %arg5[%mul3A_88, %dma_wait3A_93] : memref<51200x128xf32, #tpu.memory_space<hbm>> -> memref<3200x32xf32, #tpu.memory_space<hbm>>
      %dma_wait3A_95 = arith.constant 0 : i32
      %dma_wait3A_96 = tpu.memref_slice %arg8[%mul3A_86, %dma_wait3A_95] : memref<51200x32xf32, #tpu.memory_space<vmem_shared>> -> memref<3200x32xf32, #tpu.memory_space<vmem_shared>>
      tpu.wait_dma2 semaphore(%run_scoped3A : memref<!tpu.dma_semaphore, #tpu.memory_space<semaphore_mem>>) src(%dma_wait3A_96 : memref<3200x32xf32, #tpu.memory_space<vmem_shared>>) dst(%dma_wait3A_94 : memref<3200x32xf32, #tpu.memory_space<hbm>>)
      tpu.yield
    }) : () -> ()
    return
  }
}

#map = affine_map<(d0, d1) -> (0, 0)>
module attributes {stable_mosaic.version = 14 : i64} {
  func.func @k(%arg0: i32, %arg1: i32, %arg2: memref<51200x128xf32, #tpu.memory_space<hbm>>, %arg3: memref<800x128xi32, #tpu.memory_space<hbm>>, %arg4: memref<102400x128xf32, #tpu.memory_space<hbm>>, %arg5: memref<25x128xi32, #tpu.memory_space<vmem>>, %arg6: memref<6x128x128xf32, #tpu.memory_space<vmem>>, %arg7: memref<!tpu.dma_semaphore, #tpu.memory_space<semaphore_mem>>, %arg8: memref<!tpu.dma_semaphore, #tpu.memory_space<semaphore_mem>>) attributes {dimension_semantics = [#tpu.dimension_semantics<core_parallel>, #tpu.dimension_semantics<subcore_parallel>], iteration_bounds = array<i64: 2, 16>, scalar_prefetch = 0 : i64, scratch_operands = 4 : i64, tpu.core_type = #tpu.core_type<sc_vector_subcore>, window_params = [{transform_indices = #map}, {transform_indices = #map}, {transform_indices = #map}]} {
    %mul3A = arith.constant 2 : i32
    %mul3A_0 = arith.muli %arg1, %mul3A : i32
    %add3A = arith.addi %mul3A_0, %arg0 : i32
    %mul3A_1 = arith.constant 25 : i32
    %mul3A_2 = arith.muli %add3A, %mul3A_1 : i32
    "tpu.region"() ({
      %run_scoped3A = tpu.sem_alloc : memref<!tpu.dma_semaphore, #tpu.memory_space<semaphore_mem>>
      %dma_start3A_104 = arith.constant 0 : i32
      %dma_start3A_105 = tpu.memref_slice %arg3[%mul3A_2, %dma_start3A_104] : memref<800x128xi32, #tpu.memory_space<hbm>> -> memref<25x128xi32, #tpu.memory_space<hbm>>
      %dma_start3A_106 = arith.constant 0 : i32
      %dma_start3A_107 = tpu.memref_slice %arg3[%mul3A_2, %dma_start3A_106] : memref<800x128xi32, #tpu.memory_space<hbm>> -> memref<25x128xi32, #tpu.memory_space<hbm>>
      tpu.enqueue_dma source(%dma_start3A_107 : memref<25x128xi32, #tpu.memory_space<hbm>>) target(%arg5 : memref<25x128xi32, #tpu.memory_space<vmem>>) target_semaphore(%run_scoped3A : memref<!tpu.dma_semaphore, #tpu.memory_space<semaphore_mem>>)
      %dma_wait3A_108 = arith.constant 0 : i32
      %dma_wait3A_109 = tpu.memref_slice %arg3[%mul3A_2, %dma_wait3A_108] : memref<800x128xi32, #tpu.memory_space<hbm>> -> memref<25x128xi32, #tpu.memory_space<hbm>>
      %dma_wait3A_110 = arith.constant 0 : i32
      %dma_wait3A_111 = tpu.memref_slice %arg3[%mul3A_2, %dma_wait3A_110] : memref<800x128xi32, #tpu.memory_space<hbm>> -> memref<25x128xi32, #tpu.memory_space<hbm>>
      tpu.wait_dma2 semaphore(%run_scoped3A : memref<!tpu.dma_semaphore, #tpu.memory_space<semaphore_mem>>) src(%dma_wait3A_111 : memref<25x128xi32, #tpu.memory_space<hbm>>) dst(%arg5 : memref<25x128xi32, #tpu.memory_space<vmem>>)
      tpu.yield
    }) : () -> ()
    %rem3A = arith.constant 0 : i32
    %rem3A_3 = arith.constant 6 : i32
    %rem3A_4 = arith.remsi %rem3A, %rem3A_3 : i32
    %dma_start3A = arith.constant 0 : i32
    %dma_start3A_5 = arith.constant 0 : i32
    %dma_start3A_6 = arith.constant 0 : i32
    %dma_start3A_7 = tpu.memref_slice %arg6[%rem3A_4, %dma_start3A_5, %dma_start3A_6] : memref<6x128x128xf32, #tpu.memory_space<vmem>> -> memref<1x128x128xf32, #tpu.memory_space<vmem>>
    %dma_start3A_8 = tpu.memref_squeeze %dma_start3A_7 : memref<1x128x128xf32, #tpu.memory_space<vmem>> -> memref<128x128xf32, #tpu.memory_space<vmem>>
    %dma_start3A_9 = arith.constant 0 : i32
    %dma_start3A_10 = tpu.memref_slice %arg5[%dma_start3A, %dma_start3A_9] : memref<25x128xi32, #tpu.memory_space<vmem>> -> memref<1x128xi32, #tpu.memory_space<vmem>>
    %dma_start3A_11 = tpu.memref_squeeze %dma_start3A_10 : memref<1x128xi32, #tpu.memory_space<vmem>> -> memref<128xi32, #tpu.memory_space<vmem>>
    %dma_start3A_12 = arith.constant 0 : i32
    %dma_start3A_13 = arith.constant 0 : i32
    %dma_start3A_14 = tpu.memref_slice %arg2[%dma_start3A_12, %dma_start3A_13] : memref<51200x128xf32, #tpu.memory_space<hbm>> -> memref<51200x128xf32, #tpu.memory_space<hbm>>
    tpu.enqueue_indirect_dma source(%dma_start3A_14 : memref<51200x128xf32, #tpu.memory_space<hbm>>) target(%dma_start3A_8 : memref<128x128xf32, #tpu.memory_space<vmem>>) offsets(%dma_start3A_11 : memref<128xi32, #tpu.memory_space<vmem>>) semaphore(%arg7 : memref<!tpu.dma_semaphore, #tpu.memory_space<semaphore_mem>>)
    %rem3A_15 = arith.constant 1 : i32
    %rem3A_16 = arith.constant 6 : i32
    %rem3A_17 = arith.remsi %rem3A_15, %rem3A_16 : i32
    %dma_start3A_18 = arith.constant 1 : i32
    %dma_start3A_19 = arith.constant 0 : i32
    %dma_start3A_20 = arith.constant 0 : i32
    %dma_start3A_21 = tpu.memref_slice %arg6[%rem3A_17, %dma_start3A_19, %dma_start3A_20] : memref<6x128x128xf32, #tpu.memory_space<vmem>> -> memref<1x128x128xf32, #tpu.memory_space<vmem>>
    %dma_start3A_22 = tpu.memref_squeeze %dma_start3A_21 : memref<1x128x128xf32, #tpu.memory_space<vmem>> -> memref<128x128xf32, #tpu.memory_space<vmem>>
    %dma_start3A_23 = arith.constant 0 : i32
    %dma_start3A_24 = tpu.memref_slice %arg5[%dma_start3A_18, %dma_start3A_23] : memref<25x128xi32, #tpu.memory_space<vmem>> -> memref<1x128xi32, #tpu.memory_space<vmem>>
    %dma_start3A_25 = tpu.memref_squeeze %dma_start3A_24 : memref<1x128xi32, #tpu.memory_space<vmem>> -> memref<128xi32, #tpu.memory_space<vmem>>
    %dma_start3A_26 = arith.constant 0 : i32
    %dma_start3A_27 = arith.constant 0 : i32
    %dma_start3A_28 = tpu.memref_slice %arg2[%dma_start3A_26, %dma_start3A_27] : memref<51200x128xf32, #tpu.memory_space<hbm>> -> memref<51200x128xf32, #tpu.memory_space<hbm>>
    tpu.enqueue_indirect_dma source(%dma_start3A_28 : memref<51200x128xf32, #tpu.memory_space<hbm>>) target(%dma_start3A_22 : memref<128x128xf32, #tpu.memory_space<vmem>>) offsets(%dma_start3A_25 : memref<128xi32, #tpu.memory_space<vmem>>) semaphore(%arg7 : memref<!tpu.dma_semaphore, #tpu.memory_space<semaphore_mem>>)
    %rem3A_29 = arith.constant 2 : i32
    %rem3A_30 = arith.constant 6 : i32
    %rem3A_31 = arith.remsi %rem3A_29, %rem3A_30 : i32
    %dma_start3A_32 = arith.constant 2 : i32
    %dma_start3A_33 = arith.constant 0 : i32
    %dma_start3A_34 = arith.constant 0 : i32
    %dma_start3A_35 = tpu.memref_slice %arg6[%rem3A_31, %dma_start3A_33, %dma_start3A_34] : memref<6x128x128xf32, #tpu.memory_space<vmem>> -> memref<1x128x128xf32, #tpu.memory_space<vmem>>
    %dma_start3A_36 = tpu.memref_squeeze %dma_start3A_35 : memref<1x128x128xf32, #tpu.memory_space<vmem>> -> memref<128x128xf32, #tpu.memory_space<vmem>>
    %dma_start3A_37 = arith.constant 0 : i32
    %dma_start3A_38 = tpu.memref_slice %arg5[%dma_start3A_32, %dma_start3A_37] : memref<25x128xi32, #tpu.memory_space<vmem>> -> memref<1x128xi32, #tpu.memory_space<vmem>>
    %dma_start3A_39 = tpu.memref_squeeze %dma_start3A_38 : memref<1x128xi32, #tpu.memory_space<vmem>> -> memref<128xi32, #tpu.memory_space<vmem>>
    %dma_start3A_40 = arith.constant 0 : i32
    %dma_start3A_41 = arith.constant 0 : i32
    %dma_start3A_42 = tpu.memref_slice %arg2[%dma_start3A_40, %dma_start3A_41] : memref<51200x128xf32, #tpu.memory_space<hbm>> -> memref<51200x128xf32, #tpu.memory_space<hbm>>
    tpu.enqueue_indirect_dma source(%dma_start3A_42 : memref<51200x128xf32, #tpu.memory_space<hbm>>) target(%dma_start3A_36 : memref<128x128xf32, #tpu.memory_space<vmem>>) offsets(%dma_start3A_39 : memref<128xi32, #tpu.memory_space<vmem>>) semaphore(%arg7 : memref<!tpu.dma_semaphore, #tpu.memory_space<semaphore_mem>>)
    %scan3A = arith.constant 0 : i32
    %scan3A_43 = arith.constant 0 : i32
    %scan3A_44 = arith.constant 25 : i32
    %scan3A_45 = arith.addi %scan3A_43, %scan3A_44 : i32
    %scan3A_46 = arith.constant 1 : i32
    scf.for %scan3A_104 = %scan3A_43 to %scan3A_45 step %scan3A_46  : i32 {
      %ge3A = arith.constant 3 : i32
      %ge3A_105 = arith.cmpi sge, %scan3A_104, %ge3A : i32
      %convert_element_type3A = arith.extui %ge3A_105 : i1 to i32
      %cond3A = arith.constant 0 : i32
      %cond3A_106 = arith.cmpi ne, %convert_element_type3A, %cond3A : i32
      scf.if %cond3A_106 {
        %sub3A = arith.constant 3 : i32
        %sub3A_144 = arith.subi %scan3A_104, %sub3A : i32
        %rem3A_145 = arith.constant 6 : i32
        %rem3A_146 = arith.remsi %sub3A_144, %rem3A_145 : i32
        %mul3A_147 = arith.constant 3200 : i32
        %mul3A_148 = arith.muli %add3A, %mul3A_147 : i32
        %mul3A_149 = arith.constant 128 : i32
        %mul3A_150 = arith.muli %sub3A_144, %mul3A_149 : i32
        %add3A_151 = arith.addi %mul3A_148, %mul3A_150 : i32
        %dma_wait3A_152 = arith.constant 0 : i32
        %dma_wait3A_153 = arith.constant 0 : i32
        %dma_wait3A_154 = tpu.memref_slice %arg6[%rem3A_146, %dma_wait3A_152, %dma_wait3A_153] : memref<6x128x128xf32, #tpu.memory_space<vmem>> -> memref<1x128x32xf32, #tpu.memory_space<vmem>>
        %dma_wait3A_155 = tpu.memref_squeeze %dma_wait3A_154 : memref<1x128x32xf32, #tpu.memory_space<vmem>> -> memref<128x32xf32, #tpu.memory_space<vmem>>
        %dma_wait3A_156 = arith.constant 0 : i32
        %dma_wait3A_157 = tpu.memref_slice %arg4[%add3A_151, %dma_wait3A_156] : memref<102400x128xf32, #tpu.memory_space<hbm>> -> memref<128x32xf32, #tpu.memory_space<hbm>>
        %dma_wait3A_158 = arith.constant 0 : i32
        %dma_wait3A_159 = tpu.memref_slice %arg4[%add3A_151, %dma_wait3A_158] : memref<102400x128xf32, #tpu.memory_space<hbm>> -> memref<128x32xf32, #tpu.memory_space<hbm>>
        %dma_wait3A_160 = arith.constant 0 : i32
        %dma_wait3A_161 = arith.constant 0 : i32
        %dma_wait3A_162 = tpu.memref_slice %arg6[%rem3A_146, %dma_wait3A_160, %dma_wait3A_161] : memref<6x128x128xf32, #tpu.memory_space<vmem>> -> memref<1x128x32xf32, #tpu.memory_space<vmem>>
        %dma_wait3A_163 = tpu.memref_squeeze %dma_wait3A_162 : memref<1x128x32xf32, #tpu.memory_space<vmem>> -> memref<128x32xf32, #tpu.memory_space<vmem>>
        tpu.wait_dma2 semaphore(%arg8 : memref<!tpu.dma_semaphore, #tpu.memory_space<semaphore_mem>>) src(%dma_wait3A_163 : memref<128x32xf32, #tpu.memory_space<vmem>>) dst(%dma_wait3A_159 : memref<128x32xf32, #tpu.memory_space<hbm>>)
      } else {
      }
      %rem3A_107 = arith.constant 6 : i32
      %rem3A_108 = arith.remsi %scan3A_104, %rem3A_107 : i32
      %dma_wait3A_109 = arith.constant 0 : i32
      %dma_wait3A_110 = arith.constant 0 : i32
      %dma_wait3A_111 = tpu.memref_slice %arg6[%rem3A_108, %dma_wait3A_109, %dma_wait3A_110] : memref<6x128x128xf32, #tpu.memory_space<vmem>> -> memref<1x128x128xf32, #tpu.memory_space<vmem>>
      %dma_wait3A_112 = tpu.memref_squeeze %dma_wait3A_111 : memref<1x128x128xf32, #tpu.memory_space<vmem>> -> memref<128x128xf32, #tpu.memory_space<vmem>>
      %dma_wait3A_113 = arith.constant 0 : i32
      %dma_wait3A_114 = tpu.memref_slice %arg5[%scan3A_104, %dma_wait3A_113] : memref<25x128xi32, #tpu.memory_space<vmem>> -> memref<1x128xi32, #tpu.memory_space<vmem>>
      %dma_wait3A_115 = tpu.memref_squeeze %dma_wait3A_114 : memref<1x128xi32, #tpu.memory_space<vmem>> -> memref<128xi32, #tpu.memory_space<vmem>>
      %dma_wait3A_116 = arith.constant 0 : i32
      %dma_wait3A_117 = arith.constant 0 : i32
      %dma_wait3A_118 = tpu.memref_slice %arg2[%dma_wait3A_116, %dma_wait3A_117] : memref<51200x128xf32, #tpu.memory_space<hbm>> -> memref<51200x128xf32, #tpu.memory_space<hbm>>
      tpu.wait_indirect_dma semaphore(%arg7 : memref<!tpu.dma_semaphore, #tpu.memory_space<semaphore_mem>>) src(%dma_wait3A_118 : memref<51200x128xf32, #tpu.memory_space<hbm>>) dst(%dma_wait3A_112 : memref<128x128xf32, #tpu.memory_space<vmem>>)
      %add3A_119 = arith.constant 3 : i32
      %add3A_120 = arith.addi %scan3A_104, %add3A_119 : i32
      %lt3A = arith.constant 25 : i32
      %lt3A_121 = arith.cmpi slt, %add3A_120, %lt3A : i32
      %convert_element_type3A_122 = arith.extui %lt3A_121 : i1 to i32
      %cond3A_123 = arith.constant 0 : i32
      %cond3A_124 = arith.cmpi ne, %convert_element_type3A_122, %cond3A_123 : i32
      scf.if %cond3A_124 {
        %add3A_144 = arith.constant 3 : i32
        %add3A_145 = arith.addi %scan3A_104, %add3A_144 : i32
        %rem3A_146 = arith.constant 6 : i32
        %rem3A_147 = arith.remsi %add3A_145, %rem3A_146 : i32
        %dma_start3A_148 = arith.constant 0 : i32
        %dma_start3A_149 = arith.constant 0 : i32
        %dma_start3A_150 = tpu.memref_slice %arg6[%rem3A_147, %dma_start3A_148, %dma_start3A_149] : memref<6x128x128xf32, #tpu.memory_space<vmem>> -> memref<1x128x128xf32, #tpu.memory_space<vmem>>
        %dma_start3A_151 = tpu.memref_squeeze %dma_start3A_150 : memref<1x128x128xf32, #tpu.memory_space<vmem>> -> memref<128x128xf32, #tpu.memory_space<vmem>>
        %dma_start3A_152 = arith.constant 0 : i32
        %dma_start3A_153 = tpu.memref_slice %arg5[%add3A_145, %dma_start3A_152] : memref<25x128xi32, #tpu.memory_space<vmem>> -> memref<1x128xi32, #tpu.memory_space<vmem>>
        %dma_start3A_154 = tpu.memref_squeeze %dma_start3A_153 : memref<1x128xi32, #tpu.memory_space<vmem>> -> memref<128xi32, #tpu.memory_space<vmem>>
        %dma_start3A_155 = arith.constant 0 : i32
        %dma_start3A_156 = arith.constant 0 : i32
        %dma_start3A_157 = tpu.memref_slice %arg2[%dma_start3A_155, %dma_start3A_156] : memref<51200x128xf32, #tpu.memory_space<hbm>> -> memref<51200x128xf32, #tpu.memory_space<hbm>>
        tpu.enqueue_indirect_dma source(%dma_start3A_157 : memref<51200x128xf32, #tpu.memory_space<hbm>>) target(%dma_start3A_151 : memref<128x128xf32, #tpu.memory_space<vmem>>) offsets(%dma_start3A_154 : memref<128xi32, #tpu.memory_space<vmem>>) semaphore(%arg7 : memref<!tpu.dma_semaphore, #tpu.memory_space<semaphore_mem>>)
      } else {
      }
      %rem3A_125 = arith.constant 6 : i32
      %rem3A_126 = arith.remsi %scan3A_104, %rem3A_125 : i32
      %mul3A_127 = arith.constant 3200 : i32
      %mul3A_128 = arith.muli %add3A, %mul3A_127 : i32
      %mul3A_129 = arith.constant 128 : i32
      %mul3A_130 = arith.muli %scan3A_104, %mul3A_129 : i32
      %add3A_131 = arith.addi %mul3A_128, %mul3A_130 : i32
      %dma_start3A_132 = arith.constant 0 : i32
      %dma_start3A_133 = arith.constant 0 : i32
      %dma_start3A_134 = tpu.memref_slice %arg6[%rem3A_126, %dma_start3A_132, %dma_start3A_133] : memref<6x128x128xf32, #tpu.memory_space<vmem>> -> memref<1x128x32xf32, #tpu.memory_space<vmem>>
      %dma_start3A_135 = tpu.memref_squeeze %dma_start3A_134 : memref<1x128x32xf32, #tpu.memory_space<vmem>> -> memref<128x32xf32, #tpu.memory_space<vmem>>
      %dma_start3A_136 = arith.constant 0 : i32
      %dma_start3A_137 = tpu.memref_slice %arg4[%add3A_131, %dma_start3A_136] : memref<102400x128xf32, #tpu.memory_space<hbm>> -> memref<128x32xf32, #tpu.memory_space<hbm>>
      %dma_start3A_138 = arith.constant 0 : i32
      %dma_start3A_139 = tpu.memref_slice %arg4[%add3A_131, %dma_start3A_138] : memref<102400x128xf32, #tpu.memory_space<hbm>> -> memref<128x32xf32, #tpu.memory_space<hbm>>
      %dma_start3A_140 = arith.constant 0 : i32
      %dma_start3A_141 = arith.constant 0 : i32
      %dma_start3A_142 = tpu.memref_slice %arg6[%rem3A_126, %dma_start3A_140, %dma_start3A_141] : memref<6x128x128xf32, #tpu.memory_space<vmem>> -> memref<1x128x32xf32, #tpu.memory_space<vmem>>
      %dma_start3A_143 = tpu.memref_squeeze %dma_start3A_142 : memref<1x128x32xf32, #tpu.memory_space<vmem>> -> memref<128x32xf32, #tpu.memory_space<vmem>>
      tpu.enqueue_dma source(%dma_start3A_143 : memref<128x32xf32, #tpu.memory_space<vmem>>) target(%dma_start3A_139 : memref<128x32xf32, #tpu.memory_space<hbm>>) target_semaphore(%arg8 : memref<!tpu.dma_semaphore, #tpu.memory_space<semaphore_mem>>)
    }
    %scan3A_47 = arith.constant 25 : i32
    %rem3A_48 = arith.constant 22 : i32
    %rem3A_49 = arith.constant 6 : i32
    %rem3A_50 = arith.remsi %rem3A_48, %rem3A_49 : i32
    %mul3A_51 = arith.constant 3200 : i32
    %mul3A_52 = arith.muli %add3A, %mul3A_51 : i32
    %add3A_53 = arith.constant 2816 : i32
    %add3A_54 = arith.addi %mul3A_52, %add3A_53 : i32
    %dma_wait3A = arith.constant 0 : i32
    %dma_wait3A_55 = arith.constant 0 : i32
    %dma_wait3A_56 = tpu.memref_slice %arg6[%rem3A_50, %dma_wait3A, %dma_wait3A_55] : memref<6x128x128xf32, #tpu.memory_space<vmem>> -> memref<1x128x32xf32, #tpu.memory_space<vmem>>
    %dma_wait3A_57 = tpu.memref_squeeze %dma_wait3A_56 : memref<1x128x32xf32, #tpu.memory_space<vmem>> -> memref<128x32xf32, #tpu.memory_space<vmem>>
    %dma_wait3A_58 = arith.constant 0 : i32
    %dma_wait3A_59 = tpu.memref_slice %arg4[%add3A_54, %dma_wait3A_58] : memref<102400x128xf32, #tpu.memory_space<hbm>> -> memref<128x32xf32, #tpu.memory_space<hbm>>
    %dma_wait3A_60 = arith.constant 0 : i32
    %dma_wait3A_61 = tpu.memref_slice %arg4[%add3A_54, %dma_wait3A_60] : memref<102400x128xf32, #tpu.memory_space<hbm>> -> memref<128x32xf32, #tpu.memory_space<hbm>>
    %dma_wait3A_62 = arith.constant 0 : i32
    %dma_wait3A_63 = arith.constant 0 : i32
    %dma_wait3A_64 = tpu.memref_slice %arg6[%rem3A_50, %dma_wait3A_62, %dma_wait3A_63] : memref<6x128x128xf32, #tpu.memory_space<vmem>> -> memref<1x128x32xf32, #tpu.memory_space<vmem>>
    %dma_wait3A_65 = tpu.memref_squeeze %dma_wait3A_64 : memref<1x128x32xf32, #tpu.memory_space<vmem>> -> memref<128x32xf32, #tpu.memory_space<vmem>>
    tpu.wait_dma2 semaphore(%arg8 : memref<!tpu.dma_semaphore, #tpu.memory_space<semaphore_mem>>) src(%dma_wait3A_65 : memref<128x32xf32, #tpu.memory_space<vmem>>) dst(%dma_wait3A_61 : memref<128x32xf32, #tpu.memory_space<hbm>>)
    %rem3A_66 = arith.constant 23 : i32
    %rem3A_67 = arith.constant 6 : i32
    %rem3A_68 = arith.remsi %rem3A_66, %rem3A_67 : i32
    %mul3A_69 = arith.constant 3200 : i32
    %mul3A_70 = arith.muli %add3A, %mul3A_69 : i32
    %add3A_71 = arith.constant 2944 : i32
    %add3A_72 = arith.addi %mul3A_70, %add3A_71 : i32
    %dma_wait3A_73 = arith.constant 0 : i32
    %dma_wait3A_74 = arith.constant 0 : i32
    %dma_wait3A_75 = tpu.memref_slice %arg6[%rem3A_68, %dma_wait3A_73, %dma_wait3A_74] : memref<6x128x128xf32, #tpu.memory_space<vmem>> -> memref<1x128x32xf32, #tpu.memory_space<vmem>>
    %dma_wait3A_76 = tpu.memref_squeeze %dma_wait3A_75 : memref<1x128x32xf32, #tpu.memory_space<vmem>> -> memref<128x32xf32, #tpu.memory_space<vmem>>
    %dma_wait3A_77 = arith.constant 0 : i32
    %dma_wait3A_78 = tpu.memref_slice %arg4[%add3A_72, %dma_wait3A_77] : memref<102400x128xf32, #tpu.memory_space<hbm>> -> memref<128x32xf32, #tpu.memory_space<hbm>>
    %dma_wait3A_79 = arith.constant 0 : i32
    %dma_wait3A_80 = tpu.memref_slice %arg4[%add3A_72, %dma_wait3A_79] : memref<102400x128xf32, #tpu.memory_space<hbm>> -> memref<128x32xf32, #tpu.memory_space<hbm>>
    %dma_wait3A_81 = arith.constant 0 : i32
    %dma_wait3A_82 = arith.constant 0 : i32
    %dma_wait3A_83 = tpu.memref_slice %arg6[%rem3A_68, %dma_wait3A_81, %dma_wait3A_82] : memref<6x128x128xf32, #tpu.memory_space<vmem>> -> memref<1x128x32xf32, #tpu.memory_space<vmem>>
    %dma_wait3A_84 = tpu.memref_squeeze %dma_wait3A_83 : memref<1x128x32xf32, #tpu.memory_space<vmem>> -> memref<128x32xf32, #tpu.memory_space<vmem>>
    tpu.wait_dma2 semaphore(%arg8 : memref<!tpu.dma_semaphore, #tpu.memory_space<semaphore_mem>>) src(%dma_wait3A_84 : memref<128x32xf32, #tpu.memory_space<vmem>>) dst(%dma_wait3A_80 : memref<128x32xf32, #tpu.memory_space<hbm>>)
    %rem3A_85 = arith.constant 24 : i32
    %rem3A_86 = arith.constant 6 : i32
    %rem3A_87 = arith.remsi %rem3A_85, %rem3A_86 : i32
    %mul3A_88 = arith.constant 3200 : i32
    %mul3A_89 = arith.muli %add3A, %mul3A_88 : i32
    %add3A_90 = arith.constant 3072 : i32
    %add3A_91 = arith.addi %mul3A_89, %add3A_90 : i32
    %dma_wait3A_92 = arith.constant 0 : i32
    %dma_wait3A_93 = arith.constant 0 : i32
    %dma_wait3A_94 = tpu.memref_slice %arg6[%rem3A_87, %dma_wait3A_92, %dma_wait3A_93] : memref<6x128x128xf32, #tpu.memory_space<vmem>> -> memref<1x128x32xf32, #tpu.memory_space<vmem>>
    %dma_wait3A_95 = tpu.memref_squeeze %dma_wait3A_94 : memref<1x128x32xf32, #tpu.memory_space<vmem>> -> memref<128x32xf32, #tpu.memory_space<vmem>>
    %dma_wait3A_96 = arith.constant 0 : i32
    %dma_wait3A_97 = tpu.memref_slice %arg4[%add3A_91, %dma_wait3A_96] : memref<102400x128xf32, #tpu.memory_space<hbm>> -> memref<128x32xf32, #tpu.memory_space<hbm>>
    %dma_wait3A_98 = arith.constant 0 : i32
    %dma_wait3A_99 = tpu.memref_slice %arg4[%add3A_91, %dma_wait3A_98] : memref<102400x128xf32, #tpu.memory_space<hbm>> -> memref<128x32xf32, #tpu.memory_space<hbm>>
    %dma_wait3A_100 = arith.constant 0 : i32
    %dma_wait3A_101 = arith.constant 0 : i32
    %dma_wait3A_102 = tpu.memref_slice %arg6[%rem3A_87, %dma_wait3A_100, %dma_wait3A_101] : memref<6x128x128xf32, #tpu.memory_space<vmem>> -> memref<1x128x32xf32, #tpu.memory_space<vmem>>
    %dma_wait3A_103 = tpu.memref_squeeze %dma_wait3A_102 : memref<1x128x32xf32, #tpu.memory_space<vmem>> -> memref<128x32xf32, #tpu.memory_space<vmem>>
    tpu.wait_dma2 semaphore(%arg8 : memref<!tpu.dma_semaphore, #tpu.memory_space<semaphore_mem>>) src(%dma_wait3A_103 : memref<128x32xf32, #tpu.memory_space<vmem>>) dst(%dma_wait3A_99 : memref<128x32xf32, #tpu.memory_space<hbm>>)
    return
  }
}

#map = affine_map<(d0, d1) -> (0, 0)>
module attributes {stable_mosaic.version = 14 : i64} {
  func.func @k(%arg0: i32, %arg1: i32, %arg2: memref<102400x128xf32, #tpu.memory_space<hbm>>, %arg3: memref<51200x128xf32, #tpu.memory_space<hbm>>, %arg4: memref<800x128xi32, #tpu.memory_space<hbm>>, %arg5: memref<51200x128xf32, #tpu.memory_space<hbm>>, %arg6: memref<50x128xi32, #tpu.memory_space<vmem>>, %arg7: memref<4x128x32xf32, #tpu.memory_space<vmem>>, %arg8: memref<51200x32xf32, #tpu.memory_space<vmem_shared>>, %arg9: memref<!tpu.dma_semaphore, #tpu.memory_space<semaphore_mem>>, %arg10: memref<!tpu.dma_semaphore, #tpu.memory_space<semaphore_mem>>) attributes {dimension_semantics = [#tpu.dimension_semantics<core_parallel>, #tpu.dimension_semantics<subcore_parallel>], iteration_bounds = array<i64: 1, 16>, scalar_prefetch = 0 : i64, scratch_operands = 5 : i64, tpu.core_type = #tpu.core_type<sc_vector_subcore>, window_params = [{transform_indices = #map}, {transform_indices = #map}, {transform_indices = #map}, {transform_indices = #map}]} {
    %mul3A = arith.constant 3200 : i32
    %mul3A_0 = arith.muli %arg1, %mul3A : i32
    %mul3A_1 = arith.constant 3200 : i32
    %mul3A_2 = arith.muli %arg1, %mul3A_1 : i32
    %dma_start3A = arith.constant 0 : i32
    %dma_start3A_3 = tpu.memref_slice %arg8[%mul3A_2, %dma_start3A] : memref<51200x32xf32, #tpu.memory_space<vmem_shared>> -> memref<3200x32xf32, #tpu.memory_space<vmem_shared>>
    %dma_start3A_4 = arith.constant 0 : i32
    %dma_start3A_5 = tpu.memref_slice %arg3[%mul3A_0, %dma_start3A_4] : memref<51200x128xf32, #tpu.memory_space<hbm>> -> memref<3200x32xf32, #tpu.memory_space<hbm>>
    tpu.enqueue_dma source(%dma_start3A_5 : memref<3200x32xf32, #tpu.memory_space<hbm>>) target(%dma_start3A_3 : memref<3200x32xf32, #tpu.memory_space<vmem_shared>>) target_semaphore(%arg9 : memref<!tpu.dma_semaphore, #tpu.memory_space<semaphore_mem>>)
    %mul3A_6 = arith.constant 50 : i32
    %mul3A_7 = arith.muli %arg1, %mul3A_6 : i32
    "tpu.region"() ({
      %run_scoped3A = tpu.sem_alloc : memref<!tpu.dma_semaphore, #tpu.memory_space<semaphore_mem>>
      %dma_start3A_89 = arith.constant 0 : i32
      %dma_start3A_90 = tpu.memref_slice %arg4[%mul3A_7, %dma_start3A_89] : memref<800x128xi32, #tpu.memory_space<hbm>> -> memref<50x128xi32, #tpu.memory_space<hbm>>
      %dma_start3A_91 = arith.constant 0 : i32
      %dma_start3A_92 = tpu.memref_slice %arg4[%mul3A_7, %dma_start3A_91] : memref<800x128xi32, #tpu.memory_space<hbm>> -> memref<50x128xi32, #tpu.memory_space<hbm>>
      tpu.enqueue_dma source(%dma_start3A_92 : memref<50x128xi32, #tpu.memory_space<hbm>>) target(%arg6 : memref<50x128xi32, #tpu.memory_space<vmem>>) target_semaphore(%run_scoped3A : memref<!tpu.dma_semaphore, #tpu.memory_space<semaphore_mem>>)
      %dma_wait3A_93 = arith.constant 0 : i32
      %dma_wait3A_94 = tpu.memref_slice %arg4[%mul3A_7, %dma_wait3A_93] : memref<800x128xi32, #tpu.memory_space<hbm>> -> memref<50x128xi32, #tpu.memory_space<hbm>>
      %dma_wait3A_95 = arith.constant 0 : i32
      %dma_wait3A_96 = tpu.memref_slice %arg4[%mul3A_7, %dma_wait3A_95] : memref<800x128xi32, #tpu.memory_space<hbm>> -> memref<50x128xi32, #tpu.memory_space<hbm>>
      tpu.wait_dma2 semaphore(%run_scoped3A : memref<!tpu.dma_semaphore, #tpu.memory_space<semaphore_mem>>) src(%dma_wait3A_96 : memref<50x128xi32, #tpu.memory_space<hbm>>) dst(%arg6 : memref<50x128xi32, #tpu.memory_space<vmem>>)
      tpu.yield
    }) : () -> ()
    %mul3A_8 = arith.constant 3200 : i32
    %mul3A_9 = arith.muli %arg1, %mul3A_8 : i32
    %mul3A_10 = arith.constant 3200 : i32
    %mul3A_11 = arith.muli %arg1, %mul3A_10 : i32
    %dma_wait3A = arith.constant 0 : i32
    %dma_wait3A_12 = tpu.memref_slice %arg8[%mul3A_11, %dma_wait3A] : memref<51200x32xf32, #tpu.memory_space<vmem_shared>> -> memref<3200x32xf32, #tpu.memory_space<vmem_shared>>
    %dma_wait3A_13 = arith.constant 0 : i32
    %dma_wait3A_14 = tpu.memref_slice %arg3[%mul3A_9, %dma_wait3A_13] : memref<51200x128xf32, #tpu.memory_space<hbm>> -> memref<3200x32xf32, #tpu.memory_space<hbm>>
    tpu.wait_dma2 semaphore(%arg9 : memref<!tpu.dma_semaphore, #tpu.memory_space<semaphore_mem>>) src(%dma_wait3A_14 : memref<3200x32xf32, #tpu.memory_space<hbm>>) dst(%dma_wait3A_12 : memref<3200x32xf32, #tpu.memory_space<vmem_shared>>)
    %barrier3A = arith.constant 0 : index
    tpu.barrier barrier_id(%barrier3A)
    %mul3A_15 = arith.constant 6400 : i32
    %mul3A_16 = arith.muli %arg1, %mul3A_15 : i32
    %add3A = arith.constant 0 : i32
    %add3A_17 = arith.addi %mul3A_16, %add3A : i32
    %rem3A = arith.constant 0 : i32
    %rem3A_18 = arith.constant 4 : i32
    %rem3A_19 = arith.remsi %rem3A, %rem3A_18 : i32
    %dma_start3A_20 = arith.constant 0 : i32
    %dma_start3A_21 = arith.constant 0 : i32
    %dma_start3A_22 = tpu.memref_slice %arg7[%rem3A_19, %dma_start3A_20, %dma_start3A_21] : memref<4x128x32xf32, #tpu.memory_space<vmem>> -> memref<1x128x32xf32, #tpu.memory_space<vmem>>
    %dma_start3A_23 = tpu.memref_squeeze %dma_start3A_22 : memref<1x128x32xf32, #tpu.memory_space<vmem>> -> memref<128x32xf32, #tpu.memory_space<vmem>>
    %dma_start3A_24 = arith.constant 0 : i32
    %dma_start3A_25 = tpu.memref_slice %arg2[%add3A_17, %dma_start3A_24] : memref<102400x128xf32, #tpu.memory_space<hbm>> -> memref<128x32xf32, #tpu.memory_space<hbm>>
    %dma_start3A_26 = arith.constant 0 : i32
    %dma_start3A_27 = arith.constant 0 : i32
    %dma_start3A_28 = tpu.memref_slice %arg7[%rem3A_19, %dma_start3A_26, %dma_start3A_27] : memref<4x128x32xf32, #tpu.memory_space<vmem>> -> memref<1x128x32xf32, #tpu.memory_space<vmem>>
    %dma_start3A_29 = tpu.memref_squeeze %dma_start3A_28 : memref<1x128x32xf32, #tpu.memory_space<vmem>> -> memref<128x32xf32, #tpu.memory_space<vmem>>
    %dma_start3A_30 = arith.constant 0 : i32
    %dma_start3A_31 = tpu.memref_slice %arg2[%add3A_17, %dma_start3A_30] : memref<102400x128xf32, #tpu.memory_space<hbm>> -> memref<128x32xf32, #tpu.memory_space<hbm>>
    tpu.enqueue_dma source(%dma_start3A_31 : memref<128x32xf32, #tpu.memory_space<hbm>>) target(%dma_start3A_29 : memref<128x32xf32, #tpu.memory_space<vmem>>) target_semaphore(%arg9 : memref<!tpu.dma_semaphore, #tpu.memory_space<semaphore_mem>>)
    %mul3A_32 = arith.constant 6400 : i32
    %mul3A_33 = arith.muli %arg1, %mul3A_32 : i32
    %add3A_34 = arith.constant 128 : i32
    %add3A_35 = arith.addi %mul3A_33, %add3A_34 : i32
    %rem3A_36 = arith.constant 1 : i32
    %rem3A_37 = arith.constant 4 : i32
    %rem3A_38 = arith.remsi %rem3A_36, %rem3A_37 : i32
    %dma_start3A_39 = arith.constant 0 : i32
    %dma_start3A_40 = arith.constant 0 : i32
    %dma_start3A_41 = tpu.memref_slice %arg7[%rem3A_38, %dma_start3A_39, %dma_start3A_40] : memref<4x128x32xf32, #tpu.memory_space<vmem>> -> memref<1x128x32xf32, #tpu.memory_space<vmem>>
    %dma_start3A_42 = tpu.memref_squeeze %dma_start3A_41 : memref<1x128x32xf32, #tpu.memory_space<vmem>> -> memref<128x32xf32, #tpu.memory_space<vmem>>
    %dma_start3A_43 = arith.constant 0 : i32
    %dma_start3A_44 = tpu.memref_slice %arg2[%add3A_35, %dma_start3A_43] : memref<102400x128xf32, #tpu.memory_space<hbm>> -> memref<128x32xf32, #tpu.memory_space<hbm>>
    %dma_start3A_45 = arith.constant 0 : i32
    %dma_start3A_46 = arith.constant 0 : i32
    %dma_start3A_47 = tpu.memref_slice %arg7[%rem3A_38, %dma_start3A_45, %dma_start3A_46] : memref<4x128x32xf32, #tpu.memory_space<vmem>> -> memref<1x128x32xf32, #tpu.memory_space<vmem>>
    %dma_start3A_48 = tpu.memref_squeeze %dma_start3A_47 : memref<1x128x32xf32, #tpu.memory_space<vmem>> -> memref<128x32xf32, #tpu.memory_space<vmem>>
    %dma_start3A_49 = arith.constant 0 : i32
    %dma_start3A_50 = tpu.memref_slice %arg2[%add3A_35, %dma_start3A_49] : memref<102400x128xf32, #tpu.memory_space<hbm>> -> memref<128x32xf32, #tpu.memory_space<hbm>>
    tpu.enqueue_dma source(%dma_start3A_50 : memref<128x32xf32, #tpu.memory_space<hbm>>) target(%dma_start3A_48 : memref<128x32xf32, #tpu.memory_space<vmem>>) target_semaphore(%arg9 : memref<!tpu.dma_semaphore, #tpu.memory_space<semaphore_mem>>)
    %scan3A = arith.constant 0 : i32
    %scan3A_51 = arith.constant 0 : i32
    %scan3A_52 = arith.constant 50 : i32
    %scan3A_53 = arith.addi %scan3A_51, %scan3A_52 : i32
    %scan3A_54 = arith.constant 1 : i32
    scf.for %scan3A_89 = %scan3A_51 to %scan3A_53 step %scan3A_54  : i32 {
      %ge3A = arith.constant 2 : i32
      %ge3A_90 = arith.cmpi sge, %scan3A_89, %ge3A : i32
      %convert_element_type3A = arith.extui %ge3A_90 : i1 to i32
      %cond3A = arith.constant 0 : i32
      %cond3A_91 = arith.cmpi ne, %convert_element_type3A, %cond3A : i32
      scf.if %cond3A_91 {
        %sub3A = arith.constant 2 : i32
        %sub3A_126 = arith.subi %scan3A_89, %sub3A : i32
        %rem3A_127 = arith.constant 4 : i32
        %rem3A_128 = arith.remsi %sub3A_126, %rem3A_127 : i32
        %dma_wait3A_129 = arith.constant 0 : i32
        %dma_wait3A_130 = arith.constant 0 : i32
        %dma_wait3A_131 = tpu.memref_slice %arg7[%rem3A_128, %dma_wait3A_129, %dma_wait3A_130] : memref<4x128x32xf32, #tpu.memory_space<vmem>> -> memref<1x128x32xf32, #tpu.memory_space<vmem>>
        %dma_wait3A_132 = tpu.memref_squeeze %dma_wait3A_131 : memref<1x128x32xf32, #tpu.memory_space<vmem>> -> memref<128x32xf32, #tpu.memory_space<vmem>>
        %dma_wait3A_133 = arith.constant 0 : i32
        %dma_wait3A_134 = tpu.memref_slice %arg6[%sub3A_126, %dma_wait3A_133] : memref<50x128xi32, #tpu.memory_space<vmem>> -> memref<1x128xi32, #tpu.memory_space<vmem>>
        %dma_wait3A_135 = tpu.memref_squeeze %dma_wait3A_134 : memref<1x128xi32, #tpu.memory_space<vmem>> -> memref<128xi32, #tpu.memory_space<vmem>>
        %dma_wait3A_136 = arith.constant 0 : i32
        %dma_wait3A_137 = arith.constant 0 : i32
        %dma_wait3A_138 = tpu.memref_slice %arg8[%dma_wait3A_136, %dma_wait3A_137] : memref<51200x32xf32, #tpu.memory_space<vmem_shared>> -> memref<51200x32xf32, #tpu.memory_space<vmem_shared>>
        tpu.wait_indirect_dma semaphore(%arg10 : memref<!tpu.dma_semaphore, #tpu.memory_space<semaphore_mem>>) src(%dma_wait3A_132 : memref<128x32xf32, #tpu.memory_space<vmem>>) dst(%dma_wait3A_138 : memref<51200x32xf32, #tpu.memory_space<vmem_shared>>)
      } else {
      }
      %rem3A_92 = arith.constant 4 : i32
      %rem3A_93 = arith.remsi %scan3A_89, %rem3A_92 : i32
      %dma_wait3A_94 = arith.constant 0 : i32
      %dma_wait3A_95 = arith.constant 0 : i32
      %dma_wait3A_96 = tpu.memref_slice %arg7[%rem3A_93, %dma_wait3A_94, %dma_wait3A_95] : memref<4x128x32xf32, #tpu.memory_space<vmem>> -> memref<1x128x32xf32, #tpu.memory_space<vmem>>
      %dma_wait3A_97 = tpu.memref_squeeze %dma_wait3A_96 : memref<1x128x32xf32, #tpu.memory_space<vmem>> -> memref<128x32xf32, #tpu.memory_space<vmem>>
      %dma_wait3A_98 = arith.constant 0 : i32
      %dma_wait3A_99 = arith.constant 0 : i32
      %dma_wait3A_100 = tpu.memref_slice %arg2[%dma_wait3A_98, %dma_wait3A_99] : memref<102400x128xf32, #tpu.memory_space<hbm>> -> memref<128x32xf32, #tpu.memory_space<hbm>>
      %dma_wait3A_101 = arith.constant 0 : i32
      %dma_wait3A_102 = arith.constant 0 : i32
      %dma_wait3A_103 = tpu.memref_slice %arg7[%rem3A_93, %dma_wait3A_101, %dma_wait3A_102] : memref<4x128x32xf32, #tpu.memory_space<vmem>> -> memref<1x128x32xf32, #tpu.memory_space<vmem>>
      %dma_wait3A_104 = tpu.memref_squeeze %dma_wait3A_103 : memref<1x128x32xf32, #tpu.memory_space<vmem>> -> memref<128x32xf32, #tpu.memory_space<vmem>>
      %dma_wait3A_105 = arith.constant 0 : i32
      %dma_wait3A_106 = arith.constant 0 : i32
      %dma_wait3A_107 = tpu.memref_slice %arg2[%dma_wait3A_105, %dma_wait3A_106] : memref<102400x128xf32, #tpu.memory_space<hbm>> -> memref<128x32xf32, #tpu.memory_space<hbm>>
      tpu.wait_dma2 semaphore(%arg9 : memref<!tpu.dma_semaphore, #tpu.memory_space<semaphore_mem>>) src(%dma_wait3A_107 : memref<128x32xf32, #tpu.memory_space<hbm>>) dst(%dma_wait3A_104 : memref<128x32xf32, #tpu.memory_space<vmem>>)
      %add3A_108 = arith.constant 2 : i32
      %add3A_109 = arith.addi %scan3A_89, %add3A_108 : i32
      %lt3A = arith.constant 50 : i32
      %lt3A_110 = arith.cmpi slt, %add3A_109, %lt3A : i32
      %convert_element_type3A_111 = arith.extui %lt3A_110 : i1 to i32
      %cond3A_112 = arith.constant 0 : i32
      %cond3A_113 = arith.cmpi ne, %convert_element_type3A_111, %cond3A_112 : i32
      scf.if %cond3A_113 {
        %add3A_126 = arith.constant 2 : i32
        %add3A_127 = arith.addi %scan3A_89, %add3A_126 : i32
        %mul3A_128 = arith.constant 6400 : i32
        %mul3A_129 = arith.muli %arg1, %mul3A_128 : i32
        %mul3A_130 = arith.constant 128 : i32
        %mul3A_131 = arith.muli %add3A_127, %mul3A_130 : i32
        %add3A_132 = arith.addi %mul3A_129, %mul3A_131 : i32
        %rem3A_133 = arith.constant 4 : i32
        %rem3A_134 = arith.remsi %add3A_127, %rem3A_133 : i32
        %dma_start3A_135 = arith.constant 0 : i32
        %dma_start3A_136 = arith.constant 0 : i32
        %dma_start3A_137 = tpu.memref_slice %arg7[%rem3A_134, %dma_start3A_135, %dma_start3A_136] : memref<4x128x32xf32, #tpu.memory_space<vmem>> -> memref<1x128x32xf32, #tpu.memory_space<vmem>>
        %dma_start3A_138 = tpu.memref_squeeze %dma_start3A_137 : memref<1x128x32xf32, #tpu.memory_space<vmem>> -> memref<128x32xf32, #tpu.memory_space<vmem>>
        %dma_start3A_139 = arith.constant 0 : i32
        %dma_start3A_140 = tpu.memref_slice %arg2[%add3A_132, %dma_start3A_139] : memref<102400x128xf32, #tpu.memory_space<hbm>> -> memref<128x32xf32, #tpu.memory_space<hbm>>
        %dma_start3A_141 = arith.constant 0 : i32
        %dma_start3A_142 = arith.constant 0 : i32
        %dma_start3A_143 = tpu.memref_slice %arg7[%rem3A_134, %dma_start3A_141, %dma_start3A_142] : memref<4x128x32xf32, #tpu.memory_space<vmem>> -> memref<1x128x32xf32, #tpu.memory_space<vmem>>
        %dma_start3A_144 = tpu.memref_squeeze %dma_start3A_143 : memref<1x128x32xf32, #tpu.memory_space<vmem>> -> memref<128x32xf32, #tpu.memory_space<vmem>>
        %dma_start3A_145 = arith.constant 0 : i32
        %dma_start3A_146 = tpu.memref_slice %arg2[%add3A_132, %dma_start3A_145] : memref<102400x128xf32, #tpu.memory_space<hbm>> -> memref<128x32xf32, #tpu.memory_space<hbm>>
        tpu.enqueue_dma source(%dma_start3A_146 : memref<128x32xf32, #tpu.memory_space<hbm>>) target(%dma_start3A_144 : memref<128x32xf32, #tpu.memory_space<vmem>>) target_semaphore(%arg9 : memref<!tpu.dma_semaphore, #tpu.memory_space<semaphore_mem>>)
      } else {
      }
      %rem3A_114 = arith.constant 4 : i32
      %rem3A_115 = arith.remsi %scan3A_89, %rem3A_114 : i32
      %dma_start3A_116 = arith.constant 0 : i32
      %dma_start3A_117 = arith.constant 0 : i32
      %dma_start3A_118 = tpu.memref_slice %arg7[%rem3A_115, %dma_start3A_116, %dma_start3A_117] : memref<4x128x32xf32, #tpu.memory_space<vmem>> -> memref<1x128x32xf32, #tpu.memory_space<vmem>>
      %dma_start3A_119 = tpu.memref_squeeze %dma_start3A_118 : memref<1x128x32xf32, #tpu.memory_space<vmem>> -> memref<128x32xf32, #tpu.memory_space<vmem>>
      %dma_start3A_120 = arith.constant 0 : i32
      %dma_start3A_121 = tpu.memref_slice %arg6[%scan3A_89, %dma_start3A_120] : memref<50x128xi32, #tpu.memory_space<vmem>> -> memref<1x128xi32, #tpu.memory_space<vmem>>
      %dma_start3A_122 = tpu.memref_squeeze %dma_start3A_121 : memref<1x128xi32, #tpu.memory_space<vmem>> -> memref<128xi32, #tpu.memory_space<vmem>>
      %dma_start3A_123 = arith.constant 0 : i32
      %dma_start3A_124 = arith.constant 0 : i32
      %dma_start3A_125 = tpu.memref_slice %arg8[%dma_start3A_123, %dma_start3A_124] : memref<51200x32xf32, #tpu.memory_space<vmem_shared>> -> memref<51200x32xf32, #tpu.memory_space<vmem_shared>>
      tpu.enqueue_indirect_dma source(%dma_start3A_119 : memref<128x32xf32, #tpu.memory_space<vmem>>) target(%dma_start3A_125 : memref<51200x32xf32, #tpu.memory_space<vmem_shared>>) offsets(%dma_start3A_122 : memref<128xi32, #tpu.memory_space<vmem>>) semaphore(%arg10 : memref<!tpu.dma_semaphore, #tpu.memory_space<semaphore_mem>>) {add = true}
    }
    %scan3A_55 = arith.constant 50 : i32
    %rem3A_56 = arith.constant 48 : i32
    %rem3A_57 = arith.constant 4 : i32
    %rem3A_58 = arith.remsi %rem3A_56, %rem3A_57 : i32
    %dma_wait3A_59 = arith.constant 48 : i32
    %dma_wait3A_60 = arith.constant 0 : i32
    %dma_wait3A_61 = arith.constant 0 : i32
    %dma_wait3A_62 = tpu.memref_slice %arg7[%rem3A_58, %dma_wait3A_60, %dma_wait3A_61] : memref<4x128x32xf32, #tpu.memory_space<vmem>> -> memref<1x128x32xf32, #tpu.memory_space<vmem>>
    %dma_wait3A_63 = tpu.memref_squeeze %dma_wait3A_62 : memref<1x128x32xf32, #tpu.memory_space<vmem>> -> memref<128x32xf32, #tpu.memory_space<vmem>>
    %dma_wait3A_64 = arith.constant 0 : i32
    %dma_wait3A_65 = tpu.memref_slice %arg6[%dma_wait3A_59, %dma_wait3A_64] : memref<50x128xi32, #tpu.memory_space<vmem>> -> memref<1x128xi32, #tpu.memory_space<vmem>>
    %dma_wait3A_66 = tpu.memref_squeeze %dma_wait3A_65 : memref<1x128xi32, #tpu.memory_space<vmem>> -> memref<128xi32, #tpu.memory_space<vmem>>
    %dma_wait3A_67 = arith.constant 0 : i32
    %dma_wait3A_68 = arith.constant 0 : i32
    %dma_wait3A_69 = tpu.memref_slice %arg8[%dma_wait3A_67, %dma_wait3A_68] : memref<51200x32xf32, #tpu.memory_space<vmem_shared>> -> memref<51200x32xf32, #tpu.memory_space<vmem_shared>>
    tpu.wait_indirect_dma semaphore(%arg10 : memref<!tpu.dma_semaphore, #tpu.memory_space<semaphore_mem>>) src(%dma_wait3A_63 : memref<128x32xf32, #tpu.memory_space<vmem>>) dst(%dma_wait3A_69 : memref<51200x32xf32, #tpu.memory_space<vmem_shared>>)
    %rem3A_70 = arith.constant 49 : i32
    %rem3A_71 = arith.constant 4 : i32
    %rem3A_72 = arith.remsi %rem3A_70, %rem3A_71 : i32
    %dma_wait3A_73 = arith.constant 49 : i32
    %dma_wait3A_74 = arith.constant 0 : i32
    %dma_wait3A_75 = arith.constant 0 : i32
    %dma_wait3A_76 = tpu.memref_slice %arg7[%rem3A_72, %dma_wait3A_74, %dma_wait3A_75] : memref<4x128x32xf32, #tpu.memory_space<vmem>> -> memref<1x128x32xf32, #tpu.memory_space<vmem>>
    %dma_wait3A_77 = tpu.memref_squeeze %dma_wait3A_76 : memref<1x128x32xf32, #tpu.memory_space<vmem>> -> memref<128x32xf32, #tpu.memory_space<vmem>>
    %dma_wait3A_78 = arith.constant 0 : i32
    %dma_wait3A_79 = tpu.memref_slice %arg6[%dma_wait3A_73, %dma_wait3A_78] : memref<50x128xi32, #tpu.memory_space<vmem>> -> memref<1x128xi32, #tpu.memory_space<vmem>>
    %dma_wait3A_80 = tpu.memref_squeeze %dma_wait3A_79 : memref<1x128xi32, #tpu.memory_space<vmem>> -> memref<128xi32, #tpu.memory_space<vmem>>
    %dma_wait3A_81 = arith.constant 0 : i32
    %dma_wait3A_82 = arith.constant 0 : i32
    %dma_wait3A_83 = tpu.memref_slice %arg8[%dma_wait3A_81, %dma_wait3A_82] : memref<51200x32xf32, #tpu.memory_space<vmem_shared>> -> memref<51200x32xf32, #tpu.memory_space<vmem_shared>>
    tpu.wait_indirect_dma semaphore(%arg10 : memref<!tpu.dma_semaphore, #tpu.memory_space<semaphore_mem>>) src(%dma_wait3A_77 : memref<128x32xf32, #tpu.memory_space<vmem>>) dst(%dma_wait3A_83 : memref<51200x32xf32, #tpu.memory_space<vmem_shared>>)
    %barrier3A_84 = arith.constant 0 : index
    tpu.barrier barrier_id(%barrier3A_84)
    %mul3A_85 = arith.constant 3200 : i32
    %mul3A_86 = arith.muli %arg1, %mul3A_85 : i32
    %mul3A_87 = arith.constant 3200 : i32
    %mul3A_88 = arith.muli %arg1, %mul3A_87 : i32
    "tpu.region"() ({
      %run_scoped3A = tpu.sem_alloc : memref<!tpu.dma_semaphore, #tpu.memory_space<semaphore_mem>>
      %dma_start3A_89 = arith.constant 0 : i32
      %dma_start3A_90 = tpu.memref_slice %arg5[%mul3A_88, %dma_start3A_89] : memref<51200x128xf32, #tpu.memory_space<hbm>> -> memref<3200x32xf32, #tpu.memory_space<hbm>>
      %dma_start3A_91 = arith.constant 0 : i32
      %dma_start3A_92 = tpu.memref_slice %arg8[%mul3A_86, %dma_start3A_91] : memref<51200x32xf32, #tpu.memory_space<vmem_shared>> -> memref<3200x32xf32, #tpu.memory_space<vmem_shared>>
      tpu.enqueue_dma source(%dma_start3A_92 : memref<3200x32xf32, #tpu.memory_space<vmem_shared>>) target(%dma_start3A_90 : memref<3200x32xf32, #tpu.memory_space<hbm>>) target_semaphore(%run_scoped3A : memref<!tpu.dma_semaphore, #tpu.memory_space<semaphore_mem>>)
      %dma_wait3A_93 = arith.constant 0 : i32
      %dma_wait3A_94 = tpu.memref_slice %arg5[%mul3A_88, %dma_wait3A_93] : memref<51200x128xf32, #tpu.memory_space<hbm>> -> memref<3200x32xf32, #tpu.memory_space<hbm>>
      %dma_wait3A_95 = arith.constant 0 : i32
      %dma_wait3A_96 = tpu.memref_slice %arg8[%mul3A_86, %dma_wait3A_95] : memref<51200x32xf32, #tpu.memory_space<vmem_shared>> -> memref<3200x32xf32, #tpu.memory_space<vmem_shared>>
      tpu.wait_dma2 semaphore(%run_scoped3A : memref<!tpu.dma_semaphore, #tpu.memory_space<semaphore_mem>>) src(%dma_wait3A_96 : memref<3200x32xf32, #tpu.memory_space<vmem_shared>>) dst(%dma_wait3A_94 : memref<3200x32xf32, #tpu.memory_space<hbm>>)
      tpu.yield
    }) : () -> ()
    return
  }
}

#map = affine_map<(d0, d1) -> (0, 0)>
module attributes {stable_mosaic.version = 14 : i64} {
  func.func @k(%arg0: i32, %arg1: i32, %arg2: memref<400x128xf32, #tpu.memory_space<hbm>>, %arg3: memref<416x128xi32, #tpu.memory_space<hbm>>, %arg4: memref<416x128xi32, #tpu.memory_space<hbm>>, %arg5: memref<416x128xf32, #tpu.memory_space<hbm>>, %arg6: memref<400x128xf32, #tpu.memory_space<vmem>>, %arg7: memref<13x128xi32, #tpu.memory_space<vmem>>, %arg8: memref<13x128xi32, #tpu.memory_space<vmem>>, %arg9: memref<13x128xf32, #tpu.memory_space<vmem>>) attributes {dimension_semantics = [#tpu.dimension_semantics<core_parallel>, #tpu.dimension_semantics<subcore_parallel>], iteration_bounds = array<i64: 2, 16>, scalar_prefetch = 0 : i64, scratch_operands = 4 : i64, tpu.core_type = #tpu.core_type<sc_vector_subcore>, window_params = [{transform_indices = #map}, {transform_indices = #map}, {transform_indices = #map}, {transform_indices = #map}]} {
    %mul3A = arith.constant 2 : i32
    %mul3A_0 = arith.muli %arg1, %mul3A : i32
    %add3A = arith.addi %mul3A_0, %arg0 : i32
    "tpu.region"() ({
      %run_scoped3A = tpu.sem_alloc : memref<!tpu.dma_semaphore, #tpu.memory_space<semaphore_mem>>
      tpu.enqueue_dma source(%arg2 : memref<400x128xf32, #tpu.memory_space<hbm>>) target(%arg6 : memref<400x128xf32, #tpu.memory_space<vmem>>) target_semaphore(%run_scoped3A : memref<!tpu.dma_semaphore, #tpu.memory_space<semaphore_mem>>)
      tpu.wait_dma2 semaphore(%run_scoped3A : memref<!tpu.dma_semaphore, #tpu.memory_space<semaphore_mem>>) src(%arg2 : memref<400x128xf32, #tpu.memory_space<hbm>>) dst(%arg6 : memref<400x128xf32, #tpu.memory_space<vmem>>)
      tpu.yield
    }) : () -> ()
    %mul3A_1 = arith.constant 13 : i32
    %mul3A_2 = arith.muli %add3A, %mul3A_1 : i32
    "tpu.region"() ({
      %run_scoped3A = tpu.sem_alloc : memref<!tpu.dma_semaphore, #tpu.memory_space<semaphore_mem>>
      %dma_start3A = arith.constant 0 : i32
      %dma_start3A_12 = tpu.memref_slice %arg3[%mul3A_2, %dma_start3A] : memref<416x128xi32, #tpu.memory_space<hbm>> -> memref<13x128xi32, #tpu.memory_space<hbm>>
      %dma_start3A_13 = arith.constant 0 : i32
      %dma_start3A_14 = tpu.memref_slice %arg3[%mul3A_2, %dma_start3A_13] : memref<416x128xi32, #tpu.memory_space<hbm>> -> memref<13x128xi32, #tpu.memory_space<hbm>>
      tpu.enqueue_dma source(%dma_start3A_14 : memref<13x128xi32, #tpu.memory_space<hbm>>) target(%arg7 : memref<13x128xi32, #tpu.memory_space<vmem>>) target_semaphore(%run_scoped3A : memref<!tpu.dma_semaphore, #tpu.memory_space<semaphore_mem>>)
      %dma_wait3A = arith.constant 0 : i32
      %dma_wait3A_15 = tpu.memref_slice %arg3[%mul3A_2, %dma_wait3A] : memref<416x128xi32, #tpu.memory_space<hbm>> -> memref<13x128xi32, #tpu.memory_space<hbm>>
      %dma_wait3A_16 = arith.constant 0 : i32
      %dma_wait3A_17 = tpu.memref_slice %arg3[%mul3A_2, %dma_wait3A_16] : memref<416x128xi32, #tpu.memory_space<hbm>> -> memref<13x128xi32, #tpu.memory_space<hbm>>
      tpu.wait_dma2 semaphore(%run_scoped3A : memref<!tpu.dma_semaphore, #tpu.memory_space<semaphore_mem>>) src(%dma_wait3A_17 : memref<13x128xi32, #tpu.memory_space<hbm>>) dst(%arg7 : memref<13x128xi32, #tpu.memory_space<vmem>>)
      tpu.yield
    }) : () -> ()
    %mul3A_3 = arith.constant 13 : i32
    %mul3A_4 = arith.muli %add3A, %mul3A_3 : i32
    "tpu.region"() ({
      %run_scoped3A = tpu.sem_alloc : memref<!tpu.dma_semaphore, #tpu.memory_space<semaphore_mem>>
      %dma_start3A = arith.constant 0 : i32
      %dma_start3A_12 = tpu.memref_slice %arg4[%mul3A_4, %dma_start3A] : memref<416x128xi32, #tpu.memory_space<hbm>> -> memref<13x128xi32, #tpu.memory_space<hbm>>
      %dma_start3A_13 = arith.constant 0 : i32
      %dma_start3A_14 = tpu.memref_slice %arg4[%mul3A_4, %dma_start3A_13] : memref<416x128xi32, #tpu.memory_space<hbm>> -> memref<13x128xi32, #tpu.memory_space<hbm>>
      tpu.enqueue_dma source(%dma_start3A_14 : memref<13x128xi32, #tpu.memory_space<hbm>>) target(%arg8 : memref<13x128xi32, #tpu.memory_space<vmem>>) target_semaphore(%run_scoped3A : memref<!tpu.dma_semaphore, #tpu.memory_space<semaphore_mem>>)
      %dma_wait3A = arith.constant 0 : i32
      %dma_wait3A_15 = tpu.memref_slice %arg4[%mul3A_4, %dma_wait3A] : memref<416x128xi32, #tpu.memory_space<hbm>> -> memref<13x128xi32, #tpu.memory_space<hbm>>
      %dma_wait3A_16 = arith.constant 0 : i32
      %dma_wait3A_17 = tpu.memref_slice %arg4[%mul3A_4, %dma_wait3A_16] : memref<416x128xi32, #tpu.memory_space<hbm>> -> memref<13x128xi32, #tpu.memory_space<hbm>>
      tpu.wait_dma2 semaphore(%run_scoped3A : memref<!tpu.dma_semaphore, #tpu.memory_space<semaphore_mem>>) src(%dma_wait3A_17 : memref<13x128xi32, #tpu.memory_space<hbm>>) dst(%arg8 : memref<13x128xi32, #tpu.memory_space<vmem>>)
      tpu.yield
    }) : () -> ()
    %scan3A = arith.constant 0 : i32
    %scan3A_5 = arith.constant 0 : i32
    %scan3A_6 = arith.constant 104 : i32
    %scan3A_7 = arith.addi %scan3A_5, %scan3A_6 : i32
    %scan3A_8 = arith.constant 1 : i32
    scf.for %scan3A_12 = %scan3A_5 to %scan3A_7 step %scan3A_8  : i32 {
      %div3A = arith.constant 8 : i32
      %div3A_13 = arith.divsi %scan3A_12, %div3A : i32
      %rem3A = arith.constant 8 : i32
      %rem3A_14 = arith.remsi %scan3A_12, %rem3A : i32
      %mul3A_15 = arith.constant 16 : i32
      %mul3A_16 = arith.muli %rem3A_14, %mul3A_15 : i32
      %get3A = arith.index_cast %div3A_13 : i32 to index
      %get3A_17 = arith.index_cast %mul3A_16 : i32 to index
      %get3A_18 = tpu.vector_load %arg7[%get3A, %get3A_17] {strides = array<i32>} : memref<13x128xi32, #tpu.memory_space<vmem>>, vector<16xi32>,
      %get3A_19 = arith.index_cast %div3A_13 : i32 to index
      %get3A_20 = arith.index_cast %mul3A_16 : i32 to index
      %get3A_21 = tpu.vector_load %arg8[%get3A_19, %get3A_20] {strides = array<i32>} : memref<13x128xi32, #tpu.memory_space<vmem>>, vector<16xi32>,
      %shift_right_logical3A = arith.constant 7 : i32
      %shift_right_logical3A_22 = vector.broadcast %shift_right_logical3A : i32 to vector<16xi32>
      %shift_right_logical3A_23 = arith.shrui %get3A_18, %shift_right_logical3A_22 : vector<16xi32>
      %and3A = arith.constant 127 : i32
      %and3A_24 = vector.broadcast %and3A : i32 to vector<16xi32>
      %and3A_25 = arith.andi %get3A_18, %and3A_24 : vector<16xi32>
      %gather3A = tpu.vector_load_idx %arg6[%shift_right_logical3A_23, %and3A_25] : memref<400x128xf32, #tpu.memory_space<vmem>>[vector<16xi32>, vector<16xi32>], vector<16xf32>,
      %shift_right_logical3A_26 = arith.constant 7 : i32
      %shift_right_logical3A_27 = vector.broadcast %shift_right_logical3A_26 : i32 to vector<16xi32>
      %shift_right_logical3A_28 = arith.shrui %get3A_21, %shift_right_logical3A_27 : vector<16xi32>
      %and3A_29 = arith.constant 127 : i32
      %and3A_30 = vector.broadcast %and3A_29 : i32 to vector<16xi32>
      %and3A_31 = arith.andi %get3A_21, %and3A_30 : vector<16xi32>
      %gather3A_32 = tpu.vector_load_idx %arg6[%shift_right_logical3A_28, %and3A_31] : memref<400x128xf32, #tpu.memory_space<vmem>>[vector<16xi32>, vector<16xi32>], vector<16xf32>,
      %sub3A = arith.subf %gather3A_32, %gather3A : vector<16xf32>
      %swap3A = arith.index_cast %div3A_13 : i32 to index
      %swap3A_33 = arith.index_cast %mul3A_16 : i32 to index
      %swap3A_34 = tpu.vector_load %arg9[%swap3A, %swap3A_33] {strides = array<i32>} : memref<13x128xf32, #tpu.memory_space<vmem>>, vector<16xf32>,
      tpu.vector_store %arg9[%swap3A, %swap3A_33], %sub3A {strides = array<i32>} : memref<13x128xf32, #tpu.memory_space<vmem>>, vector<16xf32>,
    }
    %scan3A_9 = arith.constant 104 : i32
    %mul3A_10 = arith.constant 13 : i32
    %mul3A_11 = arith.muli %add3A, %mul3A_10 : i32
    "tpu.region"() ({
      %run_scoped3A = tpu.sem_alloc : memref<!tpu.dma_semaphore, #tpu.memory_space<semaphore_mem>>
      %dma_start3A = arith.constant 0 : i32
      %dma_start3A_12 = tpu.memref_slice %arg5[%mul3A_11, %dma_start3A] : memref<416x128xf32, #tpu.memory_space<hbm>> -> memref<13x128xf32, #tpu.memory_space<hbm>>
      %dma_start3A_13 = arith.constant 0 : i32
      %dma_start3A_14 = tpu.memref_slice %arg5[%mul3A_11, %dma_start3A_13] : memref<416x128xf32, #tpu.memory_space<hbm>> -> memref<13x128xf32, #tpu.memory_space<hbm>>
      tpu.enqueue_dma source(%arg9 : memref<13x128xf32, #tpu.memory_space<vmem>>) target(%dma_start3A_14 : memref<13x128xf32, #tpu.memory_space<hbm>>) target_semaphore(%run_scoped3A : memref<!tpu.dma_semaphore, #tpu.memory_space<semaphore_mem>>)
      %dma_wait3A = arith.constant 0 : i32
      %dma_wait3A_15 = tpu.memref_slice %arg5[%mul3A_11, %dma_wait3A] : memref<416x128xf32, #tpu.memory_space<hbm>> -> memref<13x128xf32, #tpu.memory_space<hbm>>
      %dma_wait3A_16 = arith.constant 0 : i32
      %dma_wait3A_17 = tpu.memref_slice %arg5[%mul3A_11, %dma_wait3A_16] : memref<416x128xf32, #tpu.memory_space<hbm>> -> memref<13x128xf32, #tpu.memory_space<hbm>>
      tpu.wait_dma2 semaphore(%run_scoped3A : memref<!tpu.dma_semaphore, #tpu.memory_space<semaphore_mem>>) src(%arg9 : memref<13x128xf32, #tpu.memory_space<vmem>>) dst(%dma_wait3A_17 : memref<13x128xf32, #tpu.memory_space<hbm>>)
      tpu.yield
    }) : () -> ()
    return
  }
}

module attributes {stable_mosaic.version = 14 : i64} {
  func.func @body(%arg0: i32, %arg1: memref<1024x16xf32, #tpu.memory_space<vmem>>, %arg2: memref<1024x128xf32, #tpu.memory_space<vmem>>, %arg3: memref<512x32xf32, #tpu.memory_space<vmem>>, %arg4: memref<32x32xf32, #tpu.memory_space<vmem>>, %arg5: memref<16x512xf32, #tpu.memory_space<vmem>>, %arg6: memref<32x512xf32, #tpu.memory_space<vmem>>, %arg7: memref<512x128xf32, #tpu.memory_space<vmem>>, %arg8: memref<32x32xf32, #tpu.memory_space<vmem>>, %arg9: memref<8x32xf32, #tpu.memory_space<vmem>>, %arg10: memref<1024x128xf32, #tpu.memory_space<vmem>>, %arg11: memref<512x128xf32, #tpu.memory_space<vmem>>) attributes {dimension_semantics = [#tpu.dimension_semantics<arbitrary>], iteration_bounds = array<i64: 100>, scalar_prefetch = 0 : i64, scratch_operands = 0 : i64, tpu.core_type = #tpu.core_type<tc>, window_params = [{transform_indices = @transform_0, window_bounds = array<i64: 1024, 16>}, {transform_indices = @transform_1, window_bounds = array<i64: 1024, 128>}, {pipeline_mode = #tpu.pipeline_mode<synchronous>, transform_indices = @transform_2, window_bounds = array<i64: 512, 32>}, {pipeline_mode = #tpu.pipeline_mode<synchronous>, transform_indices = @transform_3, window_bounds = array<i64: 32, 32>}, {pipeline_mode = #tpu.pipeline_mode<synchronous>, transform_indices = @transform_4, window_bounds = array<i64: 16, 512>}, {pipeline_mode = #tpu.pipeline_mode<synchronous>, transform_indices = @transform_5, window_bounds = array<i64: 32, 512>}, {transform_indices = @transform_6, window_bounds = array<i64: 512, 128>}, {pipeline_mode = #tpu.pipeline_mode<synchronous>, transform_indices = @transform_7, window_bounds = array<i64: 32, 32>}, {pipeline_mode = #tpu.pipeline_mode<synchronous>, transform_indices = @transform_8, window_bounds = array<i64: 8, 32>}, {transform_indices = @transform_9, window_bounds = array<i64: 1024, 128>}, {transform_indices = @transform_10, window_bounds = array<i64: 512, 128>}]} {
    %get3A = arith.constant 0 : index
    %get3A_0 = arith.constant 0 : index
    %get3A_1 = vector.load %arg2[%get3A, %get3A_0] : memref<1024x128xf32, #tpu.memory_space<vmem>>, vector<1024x32xf32>
    %max3A = arith.constant 0.000000e+00 : f32
    %max3A_2 = vector.broadcast %max3A : f32 to vector<1024x32xf32>
    %max3A_3 = arith.maximumf %get3A_1, %max3A_2 : vector<1024x32xf32>
    %get3A_4 = arith.constant 0 : index
    %get3A_5 = arith.constant 0 : index
    %get3A_6 = vector.load %arg1[%get3A_4, %get3A_5] : memref<1024x16xf32, #tpu.memory_space<vmem>>, vector<1024x16xf32>
    %get3A_7 = arith.constant 0 : index
    %get3A_8 = arith.constant 0 : index
    %get3A_9 = vector.load %arg5[%get3A_7, %get3A_8] : memref<16x512xf32, #tpu.memory_space<vmem>>, vector<16x512xf32>
    %dot_general3A = arith.constant dense<0.000000e+00> : vector<1024x512xf32>
    %dot_general3A_10 = tpu.matmul %get3A_6, %get3A_9, %dot_general3A {dimension_numbers = #tpu.dot_dimension_numbers<[1], [0], [0], [1], [0, 0, 1, 1], [], []>, transpose_lhs_hint = false} : vector<1024x16xf32>, vector<16x512xf32>, vector<1024x512xf32> -> vector<1024x512xf32>
    %get3A_11 = arith.constant 0 : index
    %get3A_12 = arith.constant 0 : index
    %get3A_13 = vector.load %arg6[%get3A_11, %get3A_12] : memref<32x512xf32, #tpu.memory_space<vmem>>, vector<32x512xf32>
    %dot_general3A_14 = arith.constant dense<0.000000e+00> : vector<1024x512xf32>
    %dot_general3A_15 = tpu.matmul %max3A_3, %get3A_13, %dot_general3A_14 {dimension_numbers = #tpu.dot_dimension_numbers<[1], [0], [0], [1], [0, 0, 1, 1], [], []>, transpose_lhs_hint = false} : vector<1024x32xf32>, vector<32x512xf32>, vector<1024x512xf32> -> vector<1024x512xf32>
    %mul3A = arith.mulf %dot_general3A_10, %dot_general3A_15 : vector<1024x512xf32>
    %get3A_16 = arith.constant 0 : index
    %get3A_17 = arith.constant 0 : index
    %get3A_18 = vector.load %arg3[%get3A_16, %get3A_17] : memref<512x32xf32, #tpu.memory_space<vmem>>, vector<512x32xf32>
    %dot_general3A_19 = arith.constant dense<0.000000e+00> : vector<1024x32xf32>
    %dot_general3A_20 = tpu.matmul %mul3A, %get3A_18, %dot_general3A_19 {dimension_numbers = #tpu.dot_dimension_numbers<[1], [0], [0], [1], [0, 0, 1, 1], [], []>, transpose_lhs_hint = false} : vector<1024x512xf32>, vector<512x32xf32>, vector<1024x32xf32> -> vector<1024x32xf32>
    %get3A_21 = arith.constant 0 : index
    %get3A_22 = arith.constant 0 : index
    %get3A_23 = vector.load %arg4[%get3A_21, %get3A_22] : memref<32x32xf32, #tpu.memory_space<vmem>>, vector<32x32xf32>
    %dot_general3A_24 = arith.constant dense<0.000000e+00> : vector<1024x32xf32>
    %dot_general3A_25 = tpu.matmul %max3A_3, %get3A_23, %dot_general3A_24 {dimension_numbers = #tpu.dot_dimension_numbers<[1], [0], [0], [1], [0, 0, 1, 1], [], []>, transpose_lhs_hint = false} : vector<1024x32xf32>, vector<32x32xf32>, vector<1024x32xf32> -> vector<1024x32xf32>
    %add3A = arith.addf %dot_general3A_20, %dot_general3A_25 : vector<1024x32xf32>
    %jit3A = arith.constant 0 : i32
    %convert_element_type3A = arith.sitofp %jit3A : i32 to f32
    %pad3A = vector.broadcast %convert_element_type3A : f32 to vector<1024x96xf32>
    %pad3A_26 = tpu.concatenate %add3A, %pad3A in 1 : vector<1024x32xf32>, vector<1024x96xf32> -> vector<1024x128xf32>
    %swap3A = arith.constant 0 : index
    %swap3A_27 = arith.constant 0 : index
    %swap3A_28 = vector.load %arg10[%swap3A, %swap3A_27] : memref<1024x128xf32, #tpu.memory_space<vmem>>, vector<1024x128xf32>
    tpu.vector_store %arg10[%swap3A, %swap3A_27], %pad3A_26 {strides = array<i32>} : memref<1024x128xf32, #tpu.memory_space<vmem>>, vector<1024x128xf32>,
    %get3A_29 = arith.constant 0 : index
    %get3A_30 = arith.constant 0 : index
    %get3A_31 = vector.load %arg7[%get3A_29, %get3A_30] : memref<512x128xf32, #tpu.memory_space<vmem>>, vector<512x32xf32>
    %max3A_32 = arith.constant 0.000000e+00 : f32
    %max3A_33 = vector.broadcast %max3A_32 : f32 to vector<512x32xf32>
    %max3A_34 = arith.maximumf %get3A_31, %max3A_33 : vector<512x32xf32>
    %get3A_35 = arith.constant 0 : index
    %get3A_36 = arith.constant 0 : index
    %get3A_37 = vector.load %arg8[%get3A_35, %get3A_36] : memref<32x32xf32, #tpu.memory_space<vmem>>, vector<32x32xf32>
    %dot_general3A_38 = arith.constant dense<0.000000e+00> : vector<512x32xf32>
    %dot_general3A_39 = tpu.matmul %max3A_34, %get3A_37, %dot_general3A_38 {dimension_numbers = #tpu.dot_dimension_numbers<[1], [0], [0], [1], [0, 0, 1, 1], [], []>, transpose_lhs_hint = false} : vector<512x32xf32>, vector<32x32xf32>, vector<512x32xf32> -> vector<512x32xf32>
    %get3A_40 = arith.constant 0 : index
    %get3A_41 = arith.constant 0 : index
    %get3A_42 = vector.load %arg9[%get3A_40, %get3A_41] : memref<8x32xf32, #tpu.memory_space<vmem>>, vector<1x32xf32>
    %add3A_43 = vector.broadcast %get3A_42 : vector<1x32xf32> to vector<512x32xf32>
    %add3A_44 = arith.addf %dot_general3A_39, %add3A_43 : vector<512x32xf32>
    %jit3A_45 = arith.constant 0 : i32
    %convert_element_type3A_46 = arith.sitofp %jit3A_45 : i32 to f32
    %pad3A_47 = vector.broadcast %convert_element_type3A_46 : f32 to vector<512x96xf32>
    %pad3A_48 = tpu.concatenate %add3A_44, %pad3A_47 in 1 : vector<512x32xf32>, vector<512x96xf32> -> vector<512x128xf32>
    %swap3A_49 = arith.constant 0 : index
    %swap3A_50 = arith.constant 0 : index
    %swap3A_51 = vector.load %arg11[%swap3A_49, %swap3A_50] : memref<512x128xf32, #tpu.memory_space<vmem>>, vector<512x128xf32>
    tpu.vector_store %arg11[%swap3A_49, %swap3A_50], %pad3A_48 {strides = array<i32>} : memref<512x128xf32, #tpu.memory_space<vmem>>, vector<512x128xf32>,
    return
  }
  func.func @transform_0(%arg0: i32) -> (i32, i32) {
    %c0_i32 = arith.constant 0 : i32
    %c0_i32_0 = arith.constant 0 : i32
    return %arg0, %c0_i32 : i32, i32
  }
  func.func @transform_1(%arg0: i32) -> (i32, i32) {
    %c0_i32 = arith.constant 0 : i32
    %c0_i32_0 = arith.constant 0 : i32
    return %arg0, %c0_i32 : i32, i32
  }
  func.func @transform_2(%arg0: i32) -> (i32, i32) {
    %c0_i32 = arith.constant 0 : i32
    %c0_i32_0 = arith.constant 0 : i32
    %c0_i32_1 = arith.constant 0 : i32
    return %c0_i32, %c0_i32_0 : i32, i32
  }
  func.func @transform_3(%arg0: i32) -> (i32, i32) {
    %c0_i32 = arith.constant 0 : i32
    %c0_i32_0 = arith.constant 0 : i32
    %c0_i32_1 = arith.constant 0 : i32
    return %c0_i32, %c0_i32_0 : i32, i32
  }
  func.func @transform_4(%arg0: i32) -> (i32, i32) {
    %c0_i32 = arith.constant 0 : i32
    %c0_i32_0 = arith.constant 0 : i32
    %c0_i32_1 = arith.constant 0 : i32
    return %c0_i32, %c0_i32_0 : i32, i32
  }
  func.func @transform_5(%arg0: i32) -> (i32, i32) {
    %c0_i32 = arith.constant 0 : i32
    %c0_i32_0 = arith.constant 0 : i32
    %c0_i32_1 = arith.constant 0 : i32
    return %c0_i32, %c0_i32_0 : i32, i32
  }
  func.func @transform_6(%arg0: i32) -> (i32, i32) {
    %c0_i32 = arith.constant 0 : i32
    %c0_i32_0 = arith.constant 0 : i32
    return %arg0, %c0_i32 : i32, i32
  }
  func.func @transform_7(%arg0: i32) -> (i32, i32) {
    %c0_i32 = arith.constant 0 : i32
    %c0_i32_0 = arith.constant 0 : i32
    %c0_i32_1 = arith.constant 0 : i32
    return %c0_i32, %c0_i32_0 : i32, i32
  }
  func.func @transform_8(%arg0: i32) -> (i32, i32) {
    %c0_i32 = arith.constant 0 : i32
    %c0_i32_0 = arith.constant 0 : i32
    %c0_i32_1 = arith.constant 0 : i32
    return %c0_i32, %c0_i32_0 : i32, i32
  }
  func.func @transform_9(%arg0: i32) -> (i32, i32) {
    %c0_i32 = arith.constant 0 : i32
    %c0_i32_0 = arith.constant 0 : i32
    return %arg0, %c0_i32 : i32, i32
  }
  func.func @transform_10(%arg0: i32) -> (i32, i32) {
    %c0_i32 = arith.constant 0 : i32
    %c0_i32_0 = arith.constant 0 : i32
    return %arg0, %c0_i32 : i32, i32
  }
}

module attributes {stable_mosaic.version = 14 : i64} {
  func.func @body(%arg0: i32, %arg1: memref<1024x16xf32, #tpu.memory_space<vmem>>, %arg2: memref<1024x128xf32, #tpu.memory_space<vmem>>, %arg3: memref<512x32xf32, #tpu.memory_space<vmem>>, %arg4: memref<32x32xf32, #tpu.memory_space<vmem>>, %arg5: memref<16x512xf32, #tpu.memory_space<vmem>>, %arg6: memref<32x512xf32, #tpu.memory_space<vmem>>, %arg7: memref<512x128xf32, #tpu.memory_space<vmem>>, %arg8: memref<32x32xf32, #tpu.memory_space<vmem>>, %arg9: memref<8x32xf32, #tpu.memory_space<vmem>>, %arg10: memref<1024x128xf32, #tpu.memory_space<vmem>>, %arg11: memref<512x128xf32, #tpu.memory_space<vmem>>) attributes {dimension_semantics = [#tpu.dimension_semantics<arbitrary>], iteration_bounds = array<i64: 100>, scalar_prefetch = 0 : i64, scratch_operands = 0 : i64, tpu.core_type = #tpu.core_type<tc>, window_params = [{transform_indices = @transform_0, window_bounds = array<i64: 1024, 16>}, {transform_indices = @transform_1, window_bounds = array<i64: 1024, 128>}, {pipeline_mode = #tpu.pipeline_mode<synchronous>, transform_indices = @transform_2, window_bounds = array<i64: 512, 32>}, {pipeline_mode = #tpu.pipeline_mode<synchronous>, transform_indices = @transform_3, window_bounds = array<i64: 32, 32>}, {pipeline_mode = #tpu.pipeline_mode<synchronous>, transform_indices = @transform_4, window_bounds = array<i64: 16, 512>}, {pipeline_mode = #tpu.pipeline_mode<synchronous>, transform_indices = @transform_5, window_bounds = array<i64: 32, 512>}, {transform_indices = @transform_6, window_bounds = array<i64: 512, 128>}, {pipeline_mode = #tpu.pipeline_mode<synchronous>, transform_indices = @transform_7, window_bounds = array<i64: 32, 32>}, {pipeline_mode = #tpu.pipeline_mode<synchronous>, transform_indices = @transform_8, window_bounds = array<i64: 8, 32>}, {transform_indices = @transform_9, window_bounds = array<i64: 1024, 128>}, {transform_indices = @transform_10, window_bounds = array<i64: 512, 128>}]} {
    %get3A = arith.constant 0 : index
    %get3A_0 = arith.constant 0 : index
    %get3A_1 = vector.load %arg2[%get3A, %get3A_0] : memref<1024x128xf32, #tpu.memory_space<vmem>>, vector<1024x32xf32>
    %get3A_2 = arith.constant 0 : index
    %get3A_3 = arith.constant 0 : index
    %get3A_4 = vector.load %arg1[%get3A_2, %get3A_3] : memref<1024x16xf32, #tpu.memory_space<vmem>>, vector<1024x16xf32>
    %get3A_5 = arith.constant 0 : index
    %get3A_6 = arith.constant 0 : index
    %get3A_7 = vector.load %arg5[%get3A_5, %get3A_6] : memref<16x512xf32, #tpu.memory_space<vmem>>, vector<16x512xf32>
    %dot_general3A = arith.constant dense<0.000000e+00> : vector<1024x512xf32>
    %dot_general3A_8 = tpu.matmul %get3A_4, %get3A_7, %dot_general3A {dimension_numbers = #tpu.dot_dimension_numbers<[1], [0], [0], [1], [0, 0, 1, 1], [], []>, transpose_lhs_hint = false} : vector<1024x16xf32>, vector<16x512xf32>, vector<1024x512xf32> -> vector<1024x512xf32>
    %get3A_9 = arith.constant 0 : index
    %get3A_10 = arith.constant 0 : index
    %get3A_11 = vector.load %arg6[%get3A_9, %get3A_10] : memref<32x512xf32, #tpu.memory_space<vmem>>, vector<32x512xf32>
    %dot_general3A_12 = arith.constant dense<0.000000e+00> : vector<1024x512xf32>
    %dot_general3A_13 = tpu.matmul %get3A_1, %get3A_11, %dot_general3A_12 {dimension_numbers = #tpu.dot_dimension_numbers<[1], [0], [0], [1], [0, 0, 1, 1], [], []>, transpose_lhs_hint = false} : vector<1024x32xf32>, vector<32x512xf32>, vector<1024x512xf32> -> vector<1024x512xf32>
    %mul3A = arith.mulf %dot_general3A_8, %dot_general3A_13 : vector<1024x512xf32>
    %get3A_14 = arith.constant 0 : index
    %get3A_15 = arith.constant 0 : index
    %get3A_16 = vector.load %arg3[%get3A_14, %get3A_15] : memref<512x32xf32, #tpu.memory_space<vmem>>, vector<512x32xf32>
    %dot_general3A_17 = arith.constant dense<0.000000e+00> : vector<1024x32xf32>
    %dot_general3A_18 = tpu.matmul %mul3A, %get3A_16, %dot_general3A_17 {dimension_numbers = #tpu.dot_dimension_numbers<[1], [0], [0], [1], [0, 0, 1, 1], [], []>, transpose_lhs_hint = false} : vector<1024x512xf32>, vector<512x32xf32>, vector<1024x32xf32> -> vector<1024x32xf32>
    %get3A_19 = arith.constant 0 : index
    %get3A_20 = arith.constant 0 : index
    %get3A_21 = vector.load %arg4[%get3A_19, %get3A_20] : memref<32x32xf32, #tpu.memory_space<vmem>>, vector<32x32xf32>
    %dot_general3A_22 = arith.constant dense<0.000000e+00> : vector<1024x32xf32>
    %dot_general3A_23 = tpu.matmul %get3A_1, %get3A_21, %dot_general3A_22 {dimension_numbers = #tpu.dot_dimension_numbers<[1], [0], [0], [1], [0, 0, 1, 1], [], []>, transpose_lhs_hint = false} : vector<1024x32xf32>, vector<32x32xf32>, vector<1024x32xf32> -> vector<1024x32xf32>
    %add3A = arith.addf %dot_general3A_18, %dot_general3A_23 : vector<1024x32xf32>
    %jit3A = arith.constant 0 : i32
    %convert_element_type3A = arith.sitofp %jit3A : i32 to f32
    %pad3A = vector.broadcast %convert_element_type3A : f32 to vector<1024x96xf32>
    %pad3A_24 = tpu.concatenate %add3A, %pad3A in 1 : vector<1024x32xf32>, vector<1024x96xf32> -> vector<1024x128xf32>
    %swap3A = arith.constant 0 : index
    %swap3A_25 = arith.constant 0 : index
    %swap3A_26 = vector.load %arg10[%swap3A, %swap3A_25] : memref<1024x128xf32, #tpu.memory_space<vmem>>, vector<1024x128xf32>
    tpu.vector_store %arg10[%swap3A, %swap3A_25], %pad3A_24 {strides = array<i32>} : memref<1024x128xf32, #tpu.memory_space<vmem>>, vector<1024x128xf32>,
    %get3A_27 = arith.constant 0 : index
    %get3A_28 = arith.constant 0 : index
    %get3A_29 = vector.load %arg7[%get3A_27, %get3A_28] : memref<512x128xf32, #tpu.memory_space<vmem>>, vector<512x32xf32>
    %get3A_30 = arith.constant 0 : index
    %get3A_31 = arith.constant 0 : index
    %get3A_32 = vector.load %arg8[%get3A_30, %get3A_31] : memref<32x32xf32, #tpu.memory_space<vmem>>, vector<32x32xf32>
    %dot_general3A_33 = arith.constant dense<0.000000e+00> : vector<512x32xf32>
    %dot_general3A_34 = tpu.matmul %get3A_29, %get3A_32, %dot_general3A_33 {dimension_numbers = #tpu.dot_dimension_numbers<[1], [0], [0], [1], [0, 0, 1, 1], [], []>, transpose_lhs_hint = false} : vector<512x32xf32>, vector<32x32xf32>, vector<512x32xf32> -> vector<512x32xf32>
    %get3A_35 = arith.constant 0 : index
    %get3A_36 = arith.constant 0 : index
    %get3A_37 = vector.load %arg9[%get3A_35, %get3A_36] : memref<8x32xf32, #tpu.memory_space<vmem>>, vector<1x32xf32>
    %add3A_38 = vector.broadcast %get3A_37 : vector<1x32xf32> to vector<512x32xf32>
    %add3A_39 = arith.addf %dot_general3A_34, %add3A_38 : vector<512x32xf32>
    %jit3A_40 = arith.constant 0 : i32
    %convert_element_type3A_41 = arith.sitofp %jit3A_40 : i32 to f32
    %pad3A_42 = vector.broadcast %convert_element_type3A_41 : f32 to vector<512x96xf32>
    %pad3A_43 = tpu.concatenate %add3A_39, %pad3A_42 in 1 : vector<512x32xf32>, vector<512x96xf32> -> vector<512x128xf32>
    %swap3A_44 = arith.constant 0 : index
    %swap3A_45 = arith.constant 0 : index
    %swap3A_46 = vector.load %arg11[%swap3A_44, %swap3A_45] : memref<512x128xf32, #tpu.memory_space<vmem>>, vector<512x128xf32>
    tpu.vector_store %arg11[%swap3A_44, %swap3A_45], %pad3A_43 {strides = array<i32>} : memref<512x128xf32, #tpu.memory_space<vmem>>, vector<512x128xf32>,
    return
  }
  func.func @transform_0(%arg0: i32) -> (i32, i32) {
    %c0_i32 = arith.constant 0 : i32
    %c0_i32_0 = arith.constant 0 : i32
    return %arg0, %c0_i32 : i32, i32
  }
  func.func @transform_1(%arg0: i32) -> (i32, i32) {
    %c0_i32 = arith.constant 0 : i32
    %c0_i32_0 = arith.constant 0 : i32
    return %arg0, %c0_i32 : i32, i32
  }
  func.func @transform_2(%arg0: i32) -> (i32, i32) {
    %c0_i32 = arith.constant 0 : i32
    %c0_i32_0 = arith.constant 0 : i32
    %c0_i32_1 = arith.constant 0 : i32
    return %c0_i32, %c0_i32_0 : i32, i32
  }
  func.func @transform_3(%arg0: i32) -> (i32, i32) {
    %c0_i32 = arith.constant 0 : i32
    %c0_i32_0 = arith.constant 0 : i32
    %c0_i32_1 = arith.constant 0 : i32
    return %c0_i32, %c0_i32_0 : i32, i32
  }
  func.func @transform_4(%arg0: i32) -> (i32, i32) {
    %c0_i32 = arith.constant 0 : i32
    %c0_i32_0 = arith.constant 0 : i32
    %c0_i32_1 = arith.constant 0 : i32
    return %c0_i32, %c0_i32_0 : i32, i32
  }
  func.func @transform_5(%arg0: i32) -> (i32, i32) {
    %c0_i32 = arith.constant 0 : i32
    %c0_i32_0 = arith.constant 0 : i32
    %c0_i32_1 = arith.constant 0 : i32
    return %c0_i32, %c0_i32_0 : i32, i32
  }
  func.func @transform_6(%arg0: i32) -> (i32, i32) {
    %c0_i32 = arith.constant 0 : i32
    %c0_i32_0 = arith.constant 0 : i32
    return %arg0, %c0_i32 : i32, i32
  }
  func.func @transform_7(%arg0: i32) -> (i32, i32) {
    %c0_i32 = arith.constant 0 : i32
    %c0_i32_0 = arith.constant 0 : i32
    %c0_i32_1 = arith.constant 0 : i32
    return %c0_i32, %c0_i32_0 : i32, i32
  }
  func.func @transform_8(%arg0: i32) -> (i32, i32) {
    %c0_i32 = arith.constant 0 : i32
    %c0_i32_0 = arith.constant 0 : i32
    %c0_i32_1 = arith.constant 0 : i32
    return %c0_i32, %c0_i32_0 : i32, i32
  }
  func.func @transform_9(%arg0: i32) -> (i32, i32) {
    %c0_i32 = arith.constant 0 : i32
    %c0_i32_0 = arith.constant 0 : i32
    return %arg0, %c0_i32 : i32, i32
  }
  func.func @transform_10(%arg0: i32) -> (i32, i32) {
    %c0_i32 = arith.constant 0 : i32
    %c0_i32_0 = arith.constant 0 : i32
    return %arg0, %c0_i32 : i32, i32
  }
}

module attributes {stable_mosaic.version = 14 : i64} {
  func.func @body(%arg0: i32, %arg1: memref<1024x128xf32, #tpu.memory_space<vmem>>, %arg2: memref<32x1xf32, #tpu.memory_space<vmem>>, %arg3: memref<8x1xf32, #tpu.memory_space<vmem>>, %arg4: memref<1024x1xf32, #tpu.memory_space<vmem>>) attributes {dimension_semantics = [#tpu.dimension_semantics<arbitrary>], iteration_bounds = array<i64: 50>, scalar_prefetch = 0 : i64, scratch_operands = 0 : i64, tpu.core_type = #tpu.core_type<tc>, window_params = [{transform_indices = @transform_0, window_bounds = array<i64: 1024, 128>}, {pipeline_mode = #tpu.pipeline_mode<synchronous>, transform_indices = @transform_1, window_bounds = array<i64: 32, 1>}, {pipeline_mode = #tpu.pipeline_mode<synchronous>, transform_indices = @transform_2, window_bounds = array<i64: 8, 1>}, {transform_indices = @transform_3, window_bounds = array<i64: 1024, 1>}]} {
    %get3A = arith.constant 0 : index
    %get3A_0 = arith.constant 0 : index
    %get3A_1 = vector.load %arg1[%get3A, %get3A_0] : memref<1024x128xf32, #tpu.memory_space<vmem>>, vector<1024x32xf32>
    %max3A = arith.constant 0.000000e+00 : f32
    %max3A_2 = vector.broadcast %max3A : f32 to vector<1024x32xf32>
    %max3A_3 = arith.maximumf %get3A_1, %max3A_2 : vector<1024x32xf32>
    %get3A_4 = arith.constant 0 : index
    %get3A_5 = arith.constant 0 : index
    %get3A_6 = vector.load %arg2[%get3A_4, %get3A_5] : memref<32x1xf32, #tpu.memory_space<vmem>>, vector<32x1xf32>
    %dot_general3A = arith.constant dense<0.000000e+00> : vector<1024x1xf32>
    %dot_general3A_7 = tpu.matmul %max3A_3, %get3A_6, %dot_general3A {dimension_numbers = #tpu.dot_dimension_numbers<[1], [0], [0], [1], [0, 0, 1, 1], [], []>, transpose_lhs_hint = false} : vector<1024x32xf32>, vector<32x1xf32>, vector<1024x1xf32> -> vector<1024x1xf32>
    %get3A_8 = arith.constant 0 : index
    %get3A_9 = arith.constant 0 : index
    %get3A_10 = vector.load %arg3[%get3A_8, %get3A_9] : memref<8x1xf32, #tpu.memory_space<vmem>>, vector<1x1xf32>
    %add3A = vector.broadcast %get3A_10 : vector<1x1xf32> to vector<1024x1xf32>
    %add3A_11 = arith.addf %dot_general3A_7, %add3A : vector<1024x1xf32>
    %swap3A = arith.constant 0 : index
    %swap3A_12 = arith.constant 0 : index
    %swap3A_13 = vector.load %arg4[%swap3A, %swap3A_12] : memref<1024x1xf32, #tpu.memory_space<vmem>>, vector<1024x1xf32>
    tpu.vector_store %arg4[%swap3A, %swap3A_12], %add3A_11 {strides = array<i32>} : memref<1024x1xf32, #tpu.memory_space<vmem>>, vector<1024x1xf32>,
    return
  }
  func.func @transform_0(%arg0: i32) -> (i32, i32) {
    %c0_i32 = arith.constant 0 : i32
    %c0_i32_0 = arith.constant 0 : i32
    return %arg0, %c0_i32 : i32, i32
  }
  func.func @transform_1(%arg0: i32) -> (i32, i32) {
    %c0_i32 = arith.constant 0 : i32
    %c0_i32_0 = arith.constant 0 : i32
    %c0_i32_1 = arith.constant 0 : i32
    return %c0_i32, %c0_i32_0 : i32, i32
  }
  func.func @transform_2(%arg0: i32) -> (i32, i32) {
    %c0_i32 = arith.constant 0 : i32
    %c0_i32_0 = arith.constant 0 : i32
    %c0_i32_1 = arith.constant 0 : i32
    return %c0_i32, %c0_i32_0 : i32, i32
  }
  func.func @transform_3(%arg0: i32) -> (i32, i32) {
    %c0_i32 = arith.constant 0 : i32
    %c0_i32_0 = arith.constant 0 : i32
    return %arg0, %c0_i32 : i32, i32
  }
}

</mosaic_0001>

<sc_bundles>
// kernel: kernel.10.cloned.1.call-start
scs
__scs_entry_jumppad:
0x0: {  	(pc) =	sbr.rel $0x88, $3  }
0x1: {  	(tag) =	ssettag $0x0;
	lr =	simm.s32 $0x1  }
0x2: {  	[smem:$0x3F92] =	sst lr;
	_ =	strace $0xD0000000  }
0x3: {  	_ = 	snop  }
0x4: {  	_ = 	snop  }
0x5: {  	_ = 	snop  }
0x6: {  	_ = 	snop  }
0x7: {  	_ = 	snop  }
__scs_overlays_trampoline_lowered:
0x8: {  	[smem:$0x3FA1] =	sst s0  }
0x9: {  	[smem:$0x3FA2] =	sst s1  }
0xa: {  	[smem:$0x3FA3] =	sst s2  }
0xb: {  	[smem:$0x3FA4] =	sst s3  }
0xc: {  	[smem:$0x3FA5] =	sst s4  }
0xd: {  	[smem:$0x3FA6] =	sst s5  }
0xe: {  	[smem:$0x3FA7] =	sst s6  }
0xf: {  	[smem:$0x3FA8] =	sst s7  }
0x10: {  	[smem:$0x3FA9] =	sst s8  }
0x11: {  	[smem:$0x3FAA] =	sst s9;
	s0 =	simm.s32 @!p0 $0x0  }
0x12: {  	s1 =	sld [smem:$0x3F90];
	s0 =	simm.s32 @p0 $0x1  }
0x13: {  	[smem:$0x3FAB] =	sst s0;
	s0 =	simm.s32 @!p1 $0x0  }
0x14: {  	s2 =	sld [smem:$0x3F8F];
	s0 =	simm.s32 @p1 $0x1  }
0x15: {  	[smem:$0x3FAC] =	sst s0;
	s0 =	simm.s32 @!p2 $0x0  }
0x16: {  	s3 =	sld [smem:$0x3FDB];
	s0 =	simm.s32 @p2 $0x1  }
0x17: {  	s4 =	simm.s32 $0x1BF5;
	[smem:$0x3FAE] =	sst s0  }
0x18: {  	s0 =	sld [smem:$0x3F91];
	_ =	swait.ge [sflag:s4], $0x0  }
0x19: {  	s7 =	sld [smem:$0x3F92]  }
0x1a: {  	s8 =	sadd.s32 $0xFFFFE003, lr  }
0x1b: {  	s9 =	sadd.s32 $0xFFFFFEF7, lr;
	s5 =	simm.s32 $0xFFFFFFFF;
	p2 =	slt.u32 s8, $0xFFFFF086  }
0x1c: {  	p1 =	slt.u32 s9, $0xF7A;
	s5 =	simm.s32 @!p2 $0x0  }
0x1d: {  	s5 =	simm.s32 @p1 $0x1;
	p0 =	seq.s32 s7, s2  }
0x1e: {  	s7 =	smul.u32 @!p0 $0xF7A, s2;
	p2 =	seq.s32 @!p0 s5, $0x0  }
0x1f: {  	s9 =	smul.u32 $0xF7A, s1;
	s8 =	simm.s32 @!p0 $0x1BF5;
	p2 =	por !p2, p0  }
0x20: {  	[sflag:s8] =	ssyncset.s32 @!p0 $0xFFFFF086;
	s6 =	sadd.s32 @!p0 s3, s7;
	s7 =	simm.s32 @!p0 $0x108  }
0x21: {  	s3 =	sadd.s32 s3, s9;
	s6 =	sadd.s32 @!p0 $0x88, s6;
	s7 =	simm.s32 @p2 $0x1082  }
0x22: {  	[simem:s7], [sflag:s8] =	dma.local @!p0 [hbm:s6], $0xF7A  }
0x23: {  	s9 =	sor.u32 $0xD0000000, s2;
	s6 =	simm.s32 $0x108;
	_ =	swait.ge @!p0 [sflag:s8], $0x0  }
0x24: {  	s3 =	sadd.s32 $0x88, s3;
	s6 =	simm.s32 @!p1 $0x1082;
	[sflag:s4] =	ssyncset.s32 $0xFFFFF086  }
0x25: {  	[simem:s6], [sflag:s4] =	dma.local [hbm:s3], $0xF7A  }
0x26: {  	[smem:$0x3F92] =	sst s1;
	(tag) =	ssettag s2;
	_ =	strace s9  }
0x27: {  	s1 =	sld [smem:$0x3FA2]  }
0x28: {  	s2 =	sld [smem:$0x3FA3]  }
0x29: {  	s4 =	sld [smem:$0x3FA5]  }
0x2a: {  	p0 =	seq.s32 s5, $0x0;
	s5 =	sld [smem:$0x3FA6]  }
0x2b: {  	s6 =	sld [smem:$0x3FA7]  }
0x2c: {  	s7 =	sld [smem:$0x3FA8]  }
0x2d: {  	s3 =	simm.s32 $0x108;
	s8 =	sld [smem:$0x3FA9]  }
0x2e: {  	s3 =	simm.s32 @!p0 $0x1082;
	s9 =	sld [smem:$0x3FAA]  }
0x2f: {  	lr =	sadd.s32 s0, s3;
	s0 =	sld [smem:$0x3FA1]  }
0x30: {  	s3 =	sld [smem:$0x3FA4]  }
0x31: {  	[smem:$0x3FAD] =	sst s10  }
0x32: {  	s10 =	sld [smem:$0x3FAB];
	_ =	sdelay $0x3  }
0x33: {  	p0 =	seq.s32 s10, $0x1;
	s10 =	sld [smem:$0x3FAD];
	_ =	sdelay $0x3  }
0x34: {  	[smem:$0x3FAD] =	sst s10  }
0x35: {  	s10 =	sld [smem:$0x3FAC];
	_ =	sdelay $0x3  }
0x36: {  	p1 =	seq.s32 s10, $0x1;
	s10 =	sld [smem:$0x3FAD];
	_ =	sdelay $0x3  }
0x37: {  	[smem:$0x3FAD] =	sst s10  }
0x38: {  	s10 =	sld [smem:$0x3FAE]  }
0x39: {  	_ = 	snop;
	(pc) =	sbr.ind lr, $3  }
0x3a: {  	_ = 	snop  }
0x3b: {  	_ = 	snop  }
0x3c: {  	p2 =	seq.s32 s10, $0x1;
	s10 =	sld [smem:$0x3FAD]  }
0x3d: {  	_ =	shalt  }
0x3e: {  	_ =	shalt  }
0x3f: {  	_ =	shalt  }
0x40: {  	_ =	shalt  }
0x41: {  	_ =	shalt  }
0x42: {  	_ =	shalt  }
0x43: {  	_ =	shalt  }
0x44: {  	_ =	shalt  }
0x45: {  	_ =	shalt  }
0x46: {  	_ =	shalt  }
0x47: {  	_ =	shalt  }
0x48: {  	_ =	shalt  }
0x49: {  	_ =	shalt  }
0x4a: {  	_ =	shalt  }
0x4b: {  	_ =	shalt  }
0x4c: {  	_ =	shalt  }
0x4d: {  	_ =	shalt  }
0x4e: {  	_ =	shalt  }
0x4f: {  	_ =	shalt  }
0x50: {  	_ =	shalt  }
0x51: {  	_ =	shalt  }
0x52: {  	_ =	shalt  }
0x53: {  	_ =	shalt  }
0x54: {  	_ =	shalt  }
0x55: {  	_ =	shalt  }
0x56: {  	_ =	shalt  }
0x57: {  	_ =	shalt  }
0x58: {  	_ =	shalt  }
0x59: {  	_ =	shalt  }
0x5a: {  	_ =	shalt  }
0x5b: {  	_ =	shalt  }
0x5c: {  	_ =	shalt  }
0x5d: {  	_ =	shalt  }
0x5e: {  	_ =	shalt  }
0x5f: {  	_ =	shalt  }
0x60: {  	_ =	shalt  }
0x61: {  	_ =	shalt  }
0x62: {  	_ =	shalt  }
0x63: {  	_ =	shalt  }
0x64: {  	_ =	shalt  }
0x65: {  	_ =	shalt  }
0x66: {  	_ =	shalt  }
0x67: {  	_ =	shalt  }
0x68: {  	_ =	shalt  }
0x69: {  	_ =	shalt  }
0x6a: {  	_ =	shalt  }
0x6b: {  	_ =	shalt  }
0x6c: {  	_ =	shalt  }
0x6d: {  	_ =	shalt  }
0x6e: {  	_ =	shalt  }
0x6f: {  	_ =	shalt  }
0x70: {  	_ =	shalt  }
0x71: {  	_ =	shalt  }
0x72: {  	_ =	shalt  }
0x73: {  	_ =	shalt  }
0x74: {  	_ =	shalt  }
0x75: {  	_ =	shalt  }
0x76: {  	_ =	shalt  }
0x77: {  	_ =	shalt  }
0x78: {  	_ =	shalt  }
0x79: {  	_ =	shalt  }
0x7a: {  	_ =	shalt  }
0x7b: {  	_ =	shalt  }
0x7c: {  	_ =	shalt  }
0x7d: {  	_ =	shalt  }
0x7e: {  	_ =	shalt  }
0x7f: {  	_ =	shalt  }
0x80: {  	_ =	shalt  }
0x81: {  	_ =	shalt  }
0x82: {  	_ =	shalt  }
0x83: {  	_ =	shalt  }
0x84: {  	_ =	shalt  }
0x85: {  	_ =	shalt  }
0x86: {  	_ =	shalt  }
0x87: {  	_ =	shalt  }
.Lfunc_end0:
.L_simem_size_0:
called_computation_lowered:
.L_overlay_start_0:
0x88: {  	s2 =	sld [smem:$0x3FD9]  }
0x89: {  	s3 =	sld [smem:$0x3FFE];
	_ =	sdelay $0x1  }
0x8a: {  	s1 =	srdreg.scid  }
0x8b: {  	s0 =	sand.u32 $0x1, s1  }
0x8c: {  	s16 =	sshll.u32 s0, $0xA;
	s2 =	sadd.s32 s3, s2  }
0x8d: {  	s2 =	sadd.s32 s2, s16  }
0x8e: {  	[smem:$0x3FB9] =	sst s2  }
0x8f: {  	_ = 	snop  }
0x90: {  	(tm) =	ssettm $0x1  }
0x91: {  	s17 =	sld [smem:$0x3FFB];
	_ =	sdelay $0x3  }
0x92: {  	_ =	strace s17  }
0x93: {  	s2 =	sld [smem:$0x3FFC];
	_ =	sdelay $0x3  }
0x94: {  	_ =	strace s2  }
0x95: {  	s2 =	sld [smem:$0x3FFD];
	_ =	sdelay $0x3  }
0x96: {  	_ =	strace s2  }
0x97: {  	_ =	strace $0x8FFFFFFF  }
0x98: {  	s18 =	sld [smem:$0x3FDB];
	_ =	sdelay $0x1  }
0x99: {  	s19 =	simm.s32 $_scs_section_size  }
0x9a: {  	s4 =	simm.s32 $_size__tile_overlayer_lowered;
	s5 =	simm.s32 $_tile_overlayer_lowered  }
0x9b: {  	s22 =	simm.s32 $0x1BFF;
	s21 =	sshll.u32 s5, $0x1;
	s2 =	sadd.s32 s19, s18  }
0x9c: {  	s6 =	simm.s32 $0x0;
	s20 =	sshll.u32 s4, $0x1;
	s4 =	sadd.s32 s21, s2  }
0x9d: {  	[timem:s6], [sflag:s22] =	dma.local [hbm:s4], s20  }
0x9e: {  	_ =	swait.ge [sflag:s22], s20  }
0x9f: {  	s3 =	ssub.s32 $0x0, s20;
	[sflag:s22] =	ssyncset.done $0x0  }
0xa0: {  	[sflag:s22] =	ssyncadd.s32 s3;
	_ =	sdelay $0x1  }
0xa1: {  	s23 =	simm.s32 $0x1B8B  }
0xa2: {  	_ =	swait.ge [sflag:s23], $0x1  }
0xa3: {  	[sflag:s23] =	ssyncset.done $0x0  }
0xa4: {  	s25 =	simm.s32 $0x1B8E;
	s24 =	sld [smem:$0x3FFE];
	[sflag:s23] =	ssyncadd.s32 $0xFFFFFFFF  }
0xa5: {  	s26 =	simm.s32 $execute0_lowered;
	[smem:$0x3FD2] =	sst s25  }
0xa6: {  	s4 =	sshll.u32 s26, $0x1;
	_ =	strace $0x80000046;
	[dreg:$0x1] =	wrdreg $0xFFFFFFFF  }
0xa7: {  	s28 =	simm.s32 $_size_execute0_lowered;
	s2 =	sadd.s32 s2, s4;
	[dreg:$0x0] =	wrdreg $0x0  }
0xa8: {  	s4 =	sshll.u32 s28, $0x1;
	[dreg:$0x2] =	wrdreg s2  }
0xa9: {  	[dreg:$0x3] =	wrdreg s4  }
0xaa: {  	[dreg:$0x4] =	wrdreg $0xC0  }
0xab: {  	_ =	task [dreg:s6], $0x5FFFF  }
0xac: {  	[dreg:$0x1] =	wrdreg $0xFFFFFFFF  }
0xad: {  	[dreg:$0x0] =	wrdreg $0x60  }
0xae: {  	[dreg:$0x2] =	wrdreg s24  }
0xaf: {  	[dreg:$0x3] =	wrdreg $0x9  }
0xb0: {  	_ =	task.clear_ibuf [dreg:s6], $0x4FFFF;
	_ =	strace $0x90000046  }
0xb1: {  	s29 =	simm.s32 $0x9;
	_ =	strace $0x80000048  }
0xb2: {  	_ =	swait.ge [sflag:s29], $0x1  }
0xb3: {  	[sflag:s29] =	ssyncadd.s32 $0xFFFFFFFF  }
0xb4: {  	_ =	strace $0x90000048  }
0xb5: {  	_ =	sfence  }
0xb6: {  	s30 =	sld [smem:$0x0];
	_ =	sdelay $0x2  }
0xb7: {  	s31 =	sshll.u32 s1, $0xD;
	s1 =	sshrl.u32 s1, $0x2  }
0xb8: {  	s3 =	sand.u32 $0x4000, s31;
	s1 =	sadd.s32 s1, s30  }
0xb9: {  	s0 =	sor.u32 s3, s0;
	s1 =	sshll.u32 s1, $0x11  }
0xba: {  	s0 =	sor.u32 s1, s0  }
0xbb: {  	s0 =	sadd.s32 $0x8F2B, s0  }
0xbc: {  	[sflag:s0] =	ssyncadd.remote.s32 $0x1  }
0xbd: {  	_ =	sfence.sel $0xFFFF  }
0xbe: {  	[dreg:$0x0] =	wrdreg $0xFFFFFFFF;
	(pc) =	sbr.abs _section_cstart, $3  }
0xbf: {  	[dreg:$0x1] =	wrdreg $0xFFFFFFFF  }
0xc0: {  	_ =	task.clear_ibuf [dreg:s6], $0x2FFFF;
	_ =	strace $0x9FFFFFFF  }
0xc1: {  	(tm) =	ssettm $0x7FFFFFFF  }
tec
execute0_lowered:
.L_overlay_start_1:
0x0: {  	(tag) =	ssettag $0x1  }
0x1: {  	s1 =	srdreg.scid  }
0x2: {  	s0 =	stileid.u32;
	s4 =	rddreg [dreg:$0x0];
	s2 =	simm.s32 $0x0  }
0x3: {  	s9 =	simm.s32 $0x80;
	s10 =	simm.s32 $0x4C80;
	s11 =	simm.s32 $0x100  }
0x4: {  	s12 =	simm.s32 $0x8C80;
	s13 =	simm.s32 $0x1;
	s14 =	simm.s32 $0x2  }
0x5: {  	s5 =	sand.u32 $0x1, s1;
	s3 =	sshll.u32 s0, $0x1;
	s1 =	rddreg [dreg:$0x1]  }
0x6: {  	s15 =	simm.s32 $0x0;
	[smem:$0x7FF] =	sst s2;
	s6 =	sor.u32 s5, s3  }
0x7: {  	_ =	strace $0x80000047;
	s5 =	ssub.s32 $0x2, s5;
	s7 =	smul.u32 $0x190, s6  }
0x8: {  	s3 =	sadd.s32 $0x9600, s4;
	s8 =	sshrl.u32 s5, $0x1;
	s6 =	smul.u32 $0x64000, s6  }
0x9: {  	s8 =	ssub.s32 s5, s8;
	s7 =	sadd.s32 s7, s4;
	s4 =	sadd.s32 $0xD1600, s4  }
0xa: {  	s5 =	sadd.s32 $0x6400, s7;
	s7 =	smax.u32 s8, $0x1;
	s8 =	simm.s32 $0x3  }
.LBB2_1:
0xb: {  	[tilespmem:s2], [sflag:$0x3] =	stream.linear.gather [hbm4b:s5+s2], $0xC80, $0x38;
	[tilespmem:$0x18C80] =	vst v63  }
0xc: {  	_ =	swait.ge [sflag:s8], $0xC80  }
0xd: {  	[sflag:s8] =	ssyncset.done $0x0  }
0xe: {  	s16 =	simm.s32 $0xC80;
	[sflag:s8] =	ssyncadd.s32 $0xFFFFF380  }
0xf: {  	[tilespmem:s16], [sflag:$0x1] =	stream.indirect.gather [hbm4b:s3+s9], $0x80, s2, s9, $0xb8;
	[tilespmem:$0x18C80] =	vst v63  }
0x10: {  	_ = 	snop  }
0x11: {  	[tilespmem:s10], [sflag:$0x1] =	stream.indirect.gather [hbm4b:s3+s9], $0x80, s9, s9, $0xb8;
	[tilespmem:$0x18C80] =	vst v63  }
0x12: {  	s17 =	simm.s32 $0x0  }
0x13: {  	[tilespmem:s12], [sflag:$0x1] =	stream.indirect.gather [hbm4b:s3+s9], $0x80, s11, s9, $0xb8;
	[tilespmem:$0x18C80] =	vst v63  }
.LBB2_2:
0x14: {  	p0 =	sgt.u32 s17, $0x15  }
0x15: {  	s18 =	sadd.s32 @!p0 $0x3, s17  }
0x16: {  	s19 =	smul.u32 @!p0 $0xAB, s18;
	_ =	sdelay $0x1  }
0x17: {  	p1 =	slt.u32 s17, $0x3;
	s19 =	sshrl.u32 @!p0 s19, $0xA  }
0x18: {  	s29 =	smulhi.u32 $0xAAAAAAAB, s17;
	s20 =	simm.s32 @!p1 $0x2;
	s19 =	sand.u32 @!p0 $0x3F, s19  }
0x19: {  	_ =	swait.ge @!p1 [sflag:s20], $0x1000;
	s19 =	smul.u32 @!p0 $0x6, s19  }
0x1a: {  	s31 =	sshll.u32 s17, $0xE;
	s21 =	simm.s32 @!p0 $0x80;
	[sflag:s20] =	ssyncset.done @!p1 $0x0  }
0x1b: {  	[sflag:s20] =	ssyncadd.s32 @!p1 $0xFFFFF000;
	s20 =	sshrl.u32 s29, $0x2;
	s19 =	ssub.s32 @!p0 s18, s19  }
0x1c: {  	_ =	swait.ge [sflag:s13], $0x4000;
	s30 =	smul.u32 $0xFFFA0000, s20;
	s19 =	sand.u32 @!p0 $0xFF, s19  }
0x1d: {  	[sflag:s13] =	ssyncset.done $0x0;
	s18 =	sshll.u32 @!p0 s18, $0x7;
	s19 =	sshll.u32 @!p0 s19, $0xE  }
0x1e: {  	[sflag:s13] =	ssyncadd.s32 $0xFFFFC000;
	s18 =	sand.u32 @!p0 $0x3FFFFF80, s18;
	s19 =	sor.u32 @!p0 $0xC80, s19  }
0x1f: {  	[tilespmem:s19], [sflag:$0x1] =	stream.indirect.gather @!p0 [hbm4b:s3+s21], $0x80, s18, s21, $0xb8;
	[tilespmem:$0x18C80] =	vst v63  }
0x20: {  	s19 =	sadd.s32 s6, s31  }
0x21: {  	s18 =	sshra.s32 s30, $0x2;
	s19 =	sshrl.u32 s19, $0x3  }
0x22: {  	s18 =	sadd.s32 s18, s16;
	s19 =	sadd.s32 s4, s19  }
0x23: {  	s20 =	simm.s32 $0x10;
	s21 =	sadd.s32 $0x80, s18;
	s22 =	sadd.s32 $0x0, s19  }
.LBB2_3:
0x24: {  	[hbm4b:s22+s2] =	stream.linear.scatter [tilespmem:s18], [sflag:$0x2], $0x20, $0x38;
	[tilespmem:$0x18C80] =	vst v63  }
0x25: {  	s22 =	smov.u32 s20;
	s18 =	smov.u32 s21;
	p0 =	sne.s32 s20, $0x7F0  }
.Ltmp0:
0x26: {  	s20 =	sadd.s32 $0x10, s20;
	(pc) =	sbr.rel @p0 .LBB2_3-.Ltmp0, $2  }
0x27: {  	_ =	sdelay $0x2  }
0x28: {  	s21 =	sadd.s32 $0x80, s21;
	s22 =	sadd.s32 s22, s19  }
0x29: {  	s17 =	sadd.s32 $0x1, s17  }
0x2a: {  	p0 =	sne.s32 s17, $0x19  }
.Ltmp1:
0x2b: {  	_ = 	snop;
	(pc) =	sbr.rel @p0 .LBB2_2-.Ltmp1, $3  }
0x2c: {  	_ =	sdelay $0x1  }
0x2d: {  	[hbm4b:s22+s2] =	stream.linear.scatter [tilespmem:s18], [sflag:$0x2], $0x20, $0x38;
	[tilespmem:$0x18C80] =	vst v63  }
0x2e: {  	s16 =	sadd.s32 $0x4000, s16  }
0x2f: {  	_ =	swait.ge [sflag:s14], $0x1000  }
0x30: {  	[sflag:s14] =	ssyncset.done $0x0  }
0x31: {  	s15 =	sadd.s32 $0x1, s15;
	[sflag:s14] =	ssyncadd.s32 $0xFFFFF000  }
0x32: {  	p0 =	sne.s32 s15, s7;
	_ =	swait.ge [sflag:s14], $0x1000  }
.Ltmp2:
0x33: {  	[sflag:s14] =	ssyncset.done $0x0;
	(pc) =	sbr.rel @p0 .LBB2_1-.Ltmp2, $4  }
0x34: {  	[sflag:s14] =	ssyncadd.s32 $0xFFFFF000  }
0x35: {  	_ =	swait.ge [sflag:s14], $0x1000  }
0x36: {  	[sflag:s14] =	ssyncset.done $0x0  }
0x37: {  	[sflag:s14] =	ssyncadd.s32 $0xFFFFF000  }
0x38: {  	_ =	sfence.sel $0x180000  }
0x39: {  	[bflag:$0x0] =	sbarrier.arrive $0xFFFF  }
0x3a: {  	p0 =	sne.s32 s0, $0x0;
	_ =	strace $0x90000047  }
0x3b: {  	s0 =	sadd.s32 @!p0 $0x100000, s1;
	[bflag:$0x2] =	sbarrier.arrive $0xFFFF  }
0x3c: {  	[sflag:s0] =	ssyncadd.tile.s32 @!p0 $0x1;
	_ =	shalt  }
.Lfunc_end2:
_tile_overlayer_lowered:
.L_overlay_start_2:
0x3d: {  	(tag) =	ssettag $0x2  }
0x3e: {  	s0 =	rddreg [dreg:$0x0];
	s2 =	stileid.u32  }
0x3f: {  	s1 =	rddreg [dreg:$0x1];
	p0 =	sne.s32 s2, $0x0  }
0x40: {  	s3 =	rddreg [dreg:$0x2];
	[bflag:$0x3] =	sbarrier.arrive $0xFFFF;
	s2 =	simm.s32 @!p0 $0x1C03  }
0x41: {  	[timem:s3], [sflag:s2] =	dma.local @!p0 [hbm:s0], s1  }
0x42: {  	s0 =	simm.s32 @!p0 $0x3  }
0x43: {  	_ =	swait.ge @!p0 [sflag:s0], s1  }
0x44: {  	s1 =	ssub.s32 @!p0 $0x0, s1;
	[sflag:s0] =	ssyncset.done @!p0 $0x0  }
0x45: {  	[sflag:s0] =	ssyncadd.s32 @!p0 s1  }
0x46: {  	[bflag:$0x3] =	sbarrier.arrive $0xFFFF  }
0x47: {  	_ =	shalt  }

// kernel: kernel.13.cloned.1.call-start
scs
__scs_entry_jumppad:
0x0: {  	(pc) =	sbr.rel $0x88, $3  }
0x1: {  	(tag) =	ssettag $0x0;
	lr =	simm.s32 $0x1  }
0x2: {  	[smem:$0x3F92] =	sst lr;
	_ =	strace $0xD0000000  }
0x3: {  	_ = 	snop  }
0x4: {  	_ = 	snop  }
0x5: {  	_ = 	snop  }
0x6: {  	_ = 	snop  }
0x7: {  	_ = 	snop  }
__scs_overlays_trampoline_lowered:
0x8: {  	[smem:$0x3FA1] =	sst s0  }
0x9: {  	[smem:$0x3FA2] =	sst s1  }
0xa: {  	[smem:$0x3FA3] =	sst s2  }
0xb: {  	[smem:$0x3FA4] =	sst s3  }
0xc: {  	[smem:$0x3FA5] =	sst s4  }
0xd: {  	[smem:$0x3FA6] =	sst s5  }
0xe: {  	[smem:$0x3FA7] =	sst s6  }
0xf: {  	[smem:$0x3FA8] =	sst s7  }
0x10: {  	[smem:$0x3FA9] =	sst s8  }
0x11: {  	[smem:$0x3FAA] =	sst s9;
	s0 =	simm.s32 @!p0 $0x0  }
0x12: {  	s1 =	sld [smem:$0x3F90];
	s0 =	simm.s32 @p0 $0x1  }
0x13: {  	[smem:$0x3FAB] =	sst s0;
	s0 =	simm.s32 @!p1 $0x0  }
0x14: {  	s2 =	sld [smem:$0x3F8F];
	s0 =	simm.s32 @p1 $0x1  }
0x15: {  	[smem:$0x3FAC] =	sst s0;
	s0 =	simm.s32 @!p2 $0x0  }
0x16: {  	s3 =	sld [smem:$0x3FDB];
	s0 =	simm.s32 @p2 $0x1  }
0x17: {  	s4 =	simm.s32 $0x1BF5;
	[smem:$0x3FAE] =	sst s0  }
0x18: {  	s0 =	sld [smem:$0x3F91];
	_ =	swait.ge [sflag:s4], $0x0  }
0x19: {  	s7 =	sld [smem:$0x3F92]  }
0x1a: {  	s8 =	sadd.s32 $0xFFFFE003, lr  }
0x1b: {  	s9 =	sadd.s32 $0xFFFFFEF7, lr;
	s5 =	simm.s32 $0xFFFFFFFF;
	p2 =	slt.u32 s8, $0xFFFFF086  }
0x1c: {  	p1 =	slt.u32 s9, $0xF7A;
	s5 =	simm.s32 @!p2 $0x0  }
0x1d: {  	s5 =	simm.s32 @p1 $0x1;
	p0 =	seq.s32 s7, s2  }
0x1e: {  	s7 =	smul.u32 @!p0 $0xF7A, s2;
	p2 =	seq.s32 @!p0 s5, $0x0  }
0x1f: {  	s9 =	smul.u32 $0xF7A, s1;
	s8 =	simm.s32 @!p0 $0x1BF5;
	p2 =	por !p2, p0  }
0x20: {  	[sflag:s8] =	ssyncset.s32 @!p0 $0xFFFFF086;
	s6 =	sadd.s32 @!p0 s3, s7;
	s7 =	simm.s32 @!p0 $0x108  }
0x21: {  	s3 =	sadd.s32 s3, s9;
	s6 =	sadd.s32 @!p0 $0x88, s6;
	s7 =	simm.s32 @p2 $0x1082  }
0x22: {  	[simem:s7], [sflag:s8] =	dma.local @!p0 [hbm:s6], $0xF7A  }
0x23: {  	s9 =	sor.u32 $0xD0000000, s2;
	s6 =	simm.s32 $0x108;
	_ =	swait.ge @!p0 [sflag:s8], $0x0  }
0x24: {  	s3 =	sadd.s32 $0x88, s3;
	s6 =	simm.s32 @!p1 $0x1082;
	[sflag:s4] =	ssyncset.s32 $0xFFFFF086  }
0x25: {  	[simem:s6], [sflag:s4] =	dma.local [hbm:s3], $0xF7A  }
0x26: {  	[smem:$0x3F92] =	sst s1;
	(tag) =	ssettag s2;
	_ =	strace s9  }
0x27: {  	s1 =	sld [smem:$0x3FA2]  }
0x28: {  	s2 =	sld [smem:$0x3FA3]  }
0x29: {  	s4 =	sld [smem:$0x3FA5]  }
0x2a: {  	p0 =	seq.s32 s5, $0x0;
	s5 =	sld [smem:$0x3FA6]  }
0x2b: {  	s6 =	sld [smem:$0x3FA7]  }
0x2c: {  	s7 =	sld [smem:$0x3FA8]  }
0x2d: {  	s3 =	simm.s32 $0x108;
	s8 =	sld [smem:$0x3FA9]  }
0x2e: {  	s3 =	simm.s32 @!p0 $0x1082;
	s9 =	sld [smem:$0x3FAA]  }
0x2f: {  	lr =	sadd.s32 s0, s3;
	s0 =	sld [smem:$0x3FA1]  }
0x30: {  	s3 =	sld [smem:$0x3FA4]  }
0x31: {  	[smem:$0x3FAD] =	sst s10  }
0x32: {  	s10 =	sld [smem:$0x3FAB];
	_ =	sdelay $0x3  }
0x33: {  	p0 =	seq.s32 s10, $0x1;
	s10 =	sld [smem:$0x3FAD];
	_ =	sdelay $0x3  }
0x34: {  	[smem:$0x3FAD] =	sst s10  }
0x35: {  	s10 =	sld [smem:$0x3FAC];
	_ =	sdelay $0x3  }
0x36: {  	p1 =	seq.s32 s10, $0x1;
	s10 =	sld [smem:$0x3FAD];
	_ =	sdelay $0x3  }
0x37: {  	[smem:$0x3FAD] =	sst s10  }
0x38: {  	s10 =	sld [smem:$0x3FAE]  }
0x39: {  	_ = 	snop;
	(pc) =	sbr.ind lr, $3  }
0x3a: {  	_ = 	snop  }
0x3b: {  	_ = 	snop  }
0x3c: {  	p2 =	seq.s32 s10, $0x1;
	s10 =	sld [smem:$0x3FAD]  }
0x3d: {  	_ =	shalt  }
0x3e: {  	_ =	shalt  }
0x3f: {  	_ =	shalt  }
0x40: {  	_ =	shalt  }
0x41: {  	_ =	shalt  }
0x42: {  	_ =	shalt  }
0x43: {  	_ =	shalt  }
0x44: {  	_ =	shalt  }
0x45: {  	_ =	shalt  }
0x46: {  	_ =	shalt  }
0x47: {  	_ =	shalt  }
0x48: {  	_ =	shalt  }
0x49: {  	_ =	shalt  }
0x4a: {  	_ =	shalt  }
0x4b: {  	_ =	shalt  }
0x4c: {  	_ =	shalt  }
0x4d: {  	_ =	shalt  }
0x4e: {  	_ =	shalt  }
0x4f: {  	_ =	shalt  }
0x50: {  	_ =	shalt  }
0x51: {  	_ =	shalt  }
0x52: {  	_ =	shalt  }
0x53: {  	_ =	shalt  }
0x54: {  	_ =	shalt  }
0x55: {  	_ =	shalt  }
0x56: {  	_ =	shalt  }
0x57: {  	_ =	shalt  }
0x58: {  	_ =	shalt  }
0x59: {  	_ =	shalt  }
0x5a: {  	_ =	shalt  }
0x5b: {  	_ =	shalt  }
0x5c: {  	_ =	shalt  }
0x5d: {  	_ =	shalt  }
0x5e: {  	_ =	shalt  }
0x5f: {  	_ =	shalt  }
0x60: {  	_ =	shalt  }
0x61: {  	_ =	shalt  }
0x62: {  	_ =	shalt  }
0x63: {  	_ =	shalt  }
0x64: {  	_ =	shalt  }
0x65: {  	_ =	shalt  }
0x66: {  	_ =	shalt  }
0x67: {  	_ =	shalt  }
0x68: {  	_ =	shalt  }
0x69: {  	_ =	shalt  }
0x6a: {  	_ =	shalt  }
0x6b: {  	_ =	shalt  }
0x6c: {  	_ =	shalt  }
0x6d: {  	_ =	shalt  }
0x6e: {  	_ =	shalt  }
0x6f: {  	_ =	shalt  }
0x70: {  	_ =	shalt  }
0x71: {  	_ =	shalt  }
0x72: {  	_ =	shalt  }
0x73: {  	_ =	shalt  }
0x74: {  	_ =	shalt  }
0x75: {  	_ =	shalt  }
0x76: {  	_ =	shalt  }
0x77: {  	_ =	shalt  }
0x78: {  	_ =	shalt  }
0x79: {  	_ =	shalt  }
0x7a: {  	_ =	shalt  }
0x7b: {  	_ =	shalt  }
0x7c: {  	_ =	shalt  }
0x7d: {  	_ =	shalt  }
0x7e: {  	_ =	shalt  }
0x7f: {  	_ =	shalt  }
0x80: {  	_ =	shalt  }
0x81: {  	_ =	shalt  }
0x82: {  	_ =	shalt  }
0x83: {  	_ =	shalt  }
0x84: {  	_ =	shalt  }
0x85: {  	_ =	shalt  }
0x86: {  	_ =	shalt  }
0x87: {  	_ =	shalt  }
.Lfunc_end0:
.L_simem_size_0:
called_computation.1_lowered:
.L_overlay_start_0:
0x88: {  	s0 =	sld [smem:$0x3FD9]  }
0x89: {  	s1 =	sld [smem:$0x3FFE];
	_ =	sdelay $0x3  }
0x8a: {  	s0 =	sadd.s32 s1, s0  }
0x8b: {  	[smem:$0x3FB9] =	sst s0  }
0x8c: {  	_ = 	snop  }
0x8d: {  	(tm) =	ssettm $0x1  }
0x8e: {  	s15 =	sld [smem:$0x3FFB];
	_ =	sdelay $0x3  }
0x8f: {  	_ =	strace s15  }
0x90: {  	s0 =	sld [smem:$0x3FFC];
	_ =	sdelay $0x3  }
0x91: {  	_ =	strace s0  }
0x92: {  	s0 =	sld [smem:$0x3FFD];
	_ =	sdelay $0x3  }
0x93: {  	_ =	strace s0  }
0x94: {  	_ =	strace $0x8FFFFFFF  }
0x95: {  	s16 =	sld [smem:$0x3FDB];
	_ =	sdelay $0x1  }
0x96: {  	s17 =	simm.s32 $_scs_section_size  }
0x97: {  	s2 =	simm.s32 $_size__tile_overlayer_lowered;
	s3 =	simm.s32 $_tile_overlayer_lowered  }
0x98: {  	s20 =	simm.s32 $0x1BFF;
	s19 =	sshll.u32 s3, $0x1;
	s0 =	sadd.s32 s17, s16  }
0x99: {  	s4 =	simm.s32 $0x0;
	s18 =	sshll.u32 s2, $0x1;
	s2 =	sadd.s32 s19, s0  }
0x9a: {  	[timem:s4], [sflag:s20] =	dma.local [hbm:s2], s18  }
0x9b: {  	_ =	swait.ge [sflag:s20], s18  }
0x9c: {  	s1 =	ssub.s32 $0x0, s18;
	[sflag:s20] =	ssyncset.done $0x0  }
0x9d: {  	[sflag:s20] =	ssyncadd.s32 s1;
	_ =	sdelay $0x1  }
0x9e: {  	s21 =	simm.s32 $0x1B8B  }
0x9f: {  	_ =	swait.ge [sflag:s21], $0x1  }
0xa0: {  	[sflag:s21] =	ssyncset.done $0x0  }
0xa1: {  	s23 =	simm.s32 $0x1B8E;
	s22 =	sld [smem:$0x3FFE];
	[sflag:s21] =	ssyncadd.s32 $0xFFFFFFFF  }
0xa2: {  	s24 =	simm.s32 $execute0_lowered;
	[smem:$0x3FD2] =	sst s23  }
0xa3: {  	s2 =	sshll.u32 s24, $0x1;
	_ =	strace $0x80000049;
	[dreg:$0x1] =	wrdreg $0xFFFFFFFF  }
0xa4: {  	s25 =	simm.s32 $_size_execute0_lowered;
	s0 =	sadd.s32 s0, s2;
	[dreg:$0x0] =	wrdreg $0x0  }
0xa5: {  	s2 =	sshll.u32 s25, $0x1;
	[dreg:$0x2] =	wrdreg s0  }
0xa6: {  	[dreg:$0x3] =	wrdreg s2  }
0xa7: {  	[dreg:$0x4] =	wrdreg $0xC0  }
0xa8: {  	_ =	task [dreg:s4], $0x5FFFF  }
0xa9: {  	[dreg:$0x1] =	wrdreg $0xFFFFFFFF  }
0xaa: {  	[dreg:$0x0] =	wrdreg $0x60  }
0xab: {  	[dreg:$0x2] =	wrdreg s22  }
0xac: {  	[dreg:$0x3] =	wrdreg $0x59000  }
0xad: {  	[dreg:$0x4] =	wrdreg $0x9  }
0xae: {  	_ =	task.clear_ibuf [dreg:s4], $0x5FFFF;
	_ =	strace $0x90000049  }
0xaf: {  	s26 =	simm.s32 $0x9;
	_ =	strace $0x8000004B  }
0xb0: {  	_ =	swait.ge [sflag:s26], $0x1  }
0xb1: {  	[sflag:s26] =	ssyncadd.s32 $0xFFFFFFFF  }
0xb2: {  	_ =	strace $0x9000004B  }
0xb3: {  	_ =	sfence  }
0xb4: {  	s28 =	sld [smem:$0x0];
	_ =	sdelay $0x1  }
0xb5: {  	s29 =	srdreg.scid  }
0xb6: {  	s30 =	sshll.u32 s29, $0xD;
	s31 =	sshrl.u32 s29, $0x2  }
0xb7: {  	s1 =	sand.u32 $0x1, s29;
	s2 =	sand.u32 $0x4000, s30;
	s0 =	sadd.s32 s31, s28  }
0xb8: {  	s1 =	sor.u32 s2, s1;
	s0 =	sshll.u32 s0, $0x11  }
0xb9: {  	s0 =	sor.u32 s0, s1  }
0xba: {  	s0 =	sadd.s32 $0x8F2B, s0  }
0xbb: {  	[sflag:s0] =	ssyncadd.remote.s32 $0x1  }
0xbc: {  	_ =	sfence.sel $0xFFFF  }
0xbd: {  	[dreg:$0x0] =	wrdreg $0xFFFFFFFF;
	(pc) =	sbr.abs _section_cstart, $3  }
0xbe: {  	[dreg:$0x1] =	wrdreg $0xFFFFFFFF  }
0xbf: {  	_ =	task.clear_ibuf [dreg:s4], $0x2FFFF;
	_ =	strace $0x9FFFFFFF  }
0xc0: {  	(tm) =	ssettm $0x7FFFFFFF  }
0xc1: {  	_ =	shalt  }
tec
execute0_lowered:
.L_overlay_start_1:
0x0: {  	(tag) =	ssettag $0x1  }
0x1: {  	s8 =	rddreg [dreg:$0x0]  }
0x2: {  	s0 =	stileid.u32;
	s3 =	rddreg [dreg:$0x1]  }
0x3: {  	s1 =	rddreg [dreg:$0x2];
	s2 =	smul.u32 $0xC800, s0  }
0x4: {  	s9 =	simm.s32 $0x0;
	s20 =	simm.s32 $0x4;
	s5 =	smul.u32 $0x64000, s0  }
0x5: {  	s13 =	simm.s32 $0x10;
	s4 =	smul.u32 $0x320, s0;
	[smem:$0x7FF] =	sst s9  }
0x6: {  	s21 =	simm.s32 $0x3;
	_ =	strace $0x8000004A;
	s5 =	sshrl.u32 s5, $0x2  }
0x7: {  	s6 =	sadd.s32 s2, s8;
	s4 =	sadd.s32 s4, s8;
	s7 =	sadd.s32 s5, s3  }
0x8: {  	s10 =	sadd.s32 $0x264C00, s6;
	s5 =	sshll.u32 s0, $0x6;
	s12 =	sadd.s32 $0x261A00, s4  }
0x9: {  	s6 =	simm.s32 $0x1;
	s11 =	sor.u32 $0x1C01, s5;
	s4 =	sshrl.u32 s7, $0x3  }
0xa: {  	[spmem:s4@s20], [sflag:s11] =	dma.strided [hbm:s10@s13], $0x3200, s6, $0x4   }
0xb: {  	[tilespmem:s9], [sflag:$0x3] =	stream.linear.gather [hbm4b:s12+s9], $0x1900, $0x38;
	[tilespmem:$0x1E900] =	vst v63  }
0xc: {  	_ =	swait.ge [sflag:s21], $0x1900  }
0xd: {  	[sflag:s21] =	ssyncset.done $0x0  }
0xe: {  	[sflag:s21] =	ssyncadd.s32 $0xFFFFE700  }
0xf: {  	_ =	swait.ge [sflag:s6], $0x3200  }
0x10: {  	s25 =	simm.s32 $0x20;
	s22 =	smul.u32 $0x19000, s0;
	[sflag:s6] =	ssyncset.done $0x0  }
0x11: {  	s26 =	simm.s32 $0x1900;
	s23 =	sadd.s32 $0x578000, s8;
	[sflag:s6] =	ssyncadd.s32 $0xFFFFCE00  }
0x12: {  	s24 =	sadd.s32 s23, s22;
	s7 =	simm.s32 $0x80;
	[bflag:$0x0] =	sbarrier.arrive $0xFFFF  }
0x13: {  	[tilespmem:s26], [sflag:$0x1] =	stream.strided.gather [hbm4b:s24+s25], $0x1000, s7, s25, $0x38;
	[tilespmem:$0x1E900] =	vst v63  }
0x14: {  	s16 =	simm.s32 $0x2900;
	s15 =	smul.u32 $0xC8000, s0;
	s14 =	sadd.s32 $0x800, s24  }
0x15: {  	[tilespmem:s16], [sflag:$0x1] =	stream.strided.gather [hbm4b:s14+s25], $0x1000, s7, s25, $0x38;
	[tilespmem:$0x1E900] =	vst v63  }
0x16: {  	s28 =	sshrl.u32 s15, $0x3;
	_ =	swait.ge [sflag:s6], $0x1000  }
0x17: {  	s10 =	sadd.s32 s23, s28;
	[sflag:s6] =	ssyncset.done $0x0  }
0x18: {  	s29 =	simm.s32 $0x3900;
	s14 =	sadd.s32 $0x1000, s10;
	[sflag:s6] =	ssyncadd.s32 $0xFFFFF000  }
0x19: {  	[tilespmem:s29], [sflag:$0x1] =	stream.strided.gather [hbm4b:s14+s25], $0x1000, s7, s25, $0x38;
	[tilespmem:$0x1E900] =	vst v63  }
0x1a: {  	_ = 	snop  }
0x1b: {  	[spmem:s3] =	stream.indirect.scatter.add.f32 [tilespmem:s26], [sflag:$0x2], $0x20, s9, s7, $0xb8;
	[tilespmem:$0x1E900] =	vst v63  }
0x1c: {  	s31 =	simm.s32 $0x4900;
	_ =	swait.ge [sflag:s6], $0x1000  }
0x1d: {  	s8 =	sadd.s32 $0x9600, s8;
	s11 =	simm.s32 $0x100;
	[sflag:s6] =	ssyncset.done $0x0  }
0x1e: {  	s13 =	simm.s32 $0x2;
	s30 =	sadd.s32 $0x1800, s10;
	[sflag:s6] =	ssyncadd.s32 $0xFFFFF000  }
0x1f: {  	[tilespmem:s31], [sflag:$0x1] =	stream.strided.gather [hbm4b:s30+s25], $0x1000, s7, s25, $0x38;
	[tilespmem:$0x1E900] =	vst v63  }
0x20: {  	s12 =	simm.s32 $0x10000;
	s10 =	simm.s32 $0x2;
	s9 =	sadd.s32 $0x2000, s24  }
0x21: {  	[spmem:s3] =	stream.indirect.scatter.add.f32 [tilespmem:s16], [sflag:$0x2], $0x20, s7, s7, $0xb8;
	[tilespmem:$0x1E900] =	vst v63  }
.LBB2_1:
0x22: {  	_ =	swait.ge [sflag:s10], $0x1000  }
0x23: {  	[sflag:s10] =	ssyncset.done $0x0  }
0x24: {  	p0 =	sgt.u32 s13, $0x2F;
	[sflag:s10] =	ssyncadd.s32 $0xFFFFF000  }
0x25: {  	s13 =	sadd.s32 $0x1, s13;
	s15 =	sand.u32 @!p0 $0xC000, s12;
	_ =	swait.ge [sflag:s6], $0x1000  }
0x26: {  	s16 =	simm.s32 @!p0 $0x20;
	s15 =	sshrl.u32 @!p0 s15, $0x2;
	[sflag:s6] =	ssyncset.done $0x0  }
0x27: {  	s17 =	simm.s32 @!p0 $0x80;
	s15 =	sadd.s32 @!p0 $0x1900, s15;
	[sflag:s6] =	ssyncadd.s32 $0xFFFFF000  }
0x28: {  	[tilespmem:s15], [sflag:$0x1] =	stream.strided.gather @!p0 [hbm4b:s9+s16], $0x1000, s17, s16, $0x38;
	[tilespmem:$0x1E900] =	vst v63  }
0x29: {  	s14 =	sadd.s32 $0xFFFF8000, s12;
	p0 =	sne.s32 s13, $0x32  }
.Ltmp0:
0x2a: {  	s14 =	sand.u32 $0xC000, s14;
	(pc) =	sbr.rel @p0 .LBB2_1-.Ltmp0, $4  }
0x2b: {  	s14 =	sshrl.u32 s14, $0x2  }
0x2c: {  	s14 =	sadd.s32 $0x1900, s14  }
0x2d: {  	[spmem:s3] =	stream.indirect.scatter.add.f32 [tilespmem:s14], [sflag:$0x2], $0x20, s11, s7, $0xb8;
	[tilespmem:$0x1E900] =	vst v63  }
0x2e: {  	s12 =	sadd.s32 $0x4000, s12;
	s9 =	sadd.s32 $0x800, s9;
	s11 =	sadd.s32 $0x80, s11  }
0x2f: {  	s3 =	simm.s32 $0x2  }
0x30: {  	_ =	swait.ge [sflag:s3], $0x1000  }
0x31: {  	[sflag:s3] =	ssyncset.done $0x0  }
0x32: {  	[sflag:s3] =	ssyncadd.s32 $0xFFFFF000  }
0x33: {  	_ =	swait.ge [sflag:s3], $0x1000  }
0x34: {  	s2 =	sadd.s32 s8, s2;
	s29 =	sor.u32 $0x1C03, s5;
	[sflag:s3] =	ssyncset.done $0x0  }
0x35: {  	s30 =	simm.s32 $0x1;
	s6 =	simm.s32 $0x10;
	[sflag:s3] =	ssyncadd.s32 $0xFFFFF000  }
0x36: {  	s7 =	simm.s32 $0x4;
	s31 =	simm.s32 $0x3;
	[bflag:$0x0] =	sbarrier.arrive $0xFFFF  }
0x37: {  	[hbm:s2@s6], [sflag:s29] =	dma.strided [spmem:s4@s7], $0x3200, s30, $0x4   }
0x38: {  	_ =	swait.ge [sflag:s31], $0x3200  }
0x39: {  	[sflag:s31] =	ssyncset.done $0x0  }
0x3a: {  	[sflag:s31] =	ssyncadd.s32 $0xFFFFCE00  }
0x3b: {  	_ =	sfence.sel $0x180000  }
0x3c: {  	[bflag:$0x0] =	sbarrier.arrive $0xFFFF  }
0x3d: {  	p0 =	sne.s32 s0, $0x0;
	_ =	strace $0x9000004A  }
0x3e: {  	s0 =	sadd.s32 @!p0 $0x100000, s1;
	[bflag:$0x2] =	sbarrier.arrive $0xFFFF  }
0x3f: {  	[sflag:s0] =	ssyncadd.tile.s32 @!p0 $0x1;
	_ =	shalt  }
.Lfunc_end2:
_tile_overlayer_lowered:
.L_overlay_start_2:
0x40: {  	(tag) =	ssettag $0x2  }
0x41: {  	s0 =	rddreg [dreg:$0x0];
	s2 =	stileid.u32  }
0x42: {  	s1 =	rddreg [dreg:$0x1];
	p0 =	sne.s32 s2, $0x0  }
0x43: {  	s3 =	rddreg [dreg:$0x2];
	[bflag:$0x3] =	sbarrier.arrive $0xFFFF;
	s2 =	simm.s32 @!p0 $0x1C03  }
0x44: {  	[timem:s3], [sflag:s2] =	dma.local @!p0 [hbm:s0], s1  }
0x45: {  	s0 =	simm.s32 @!p0 $0x3  }
0x46: {  	_ =	swait.ge @!p0 [sflag:s0], s1  }
0x47: {  	s1 =	ssub.s32 @!p0 $0x0, s1;
	[sflag:s0] =	ssyncset.done @!p0 $0x0  }
0x48: {  	[sflag:s0] =	ssyncadd.s32 @!p0 s1  }
0x49: {  	[bflag:$0x3] =	sbarrier.arrive $0xFFFF  }
0x4a: {  	_ =	shalt  }

// kernel: kernel.16.cloned.1.call-start
scs
__scs_entry_jumppad:
0x0: {  	(pc) =	sbr.rel $0x88, $3  }
0x1: {  	(tag) =	ssettag $0x0;
	lr =	simm.s32 $0x1  }
0x2: {  	[smem:$0x3F92] =	sst lr;
	_ =	strace $0xD0000000  }
0x3: {  	_ = 	snop  }
0x4: {  	_ = 	snop  }
0x5: {  	_ = 	snop  }
0x6: {  	_ = 	snop  }
0x7: {  	_ = 	snop  }
__scs_overlays_trampoline_lowered:
0x8: {  	[smem:$0x3FA1] =	sst s0  }
0x9: {  	[smem:$0x3FA2] =	sst s1  }
0xa: {  	[smem:$0x3FA3] =	sst s2  }
0xb: {  	[smem:$0x3FA4] =	sst s3  }
0xc: {  	[smem:$0x3FA5] =	sst s4  }
0xd: {  	[smem:$0x3FA6] =	sst s5  }
0xe: {  	[smem:$0x3FA7] =	sst s6  }
0xf: {  	[smem:$0x3FA8] =	sst s7  }
0x10: {  	[smem:$0x3FA9] =	sst s8  }
0x11: {  	[smem:$0x3FAA] =	sst s9;
	s0 =	simm.s32 @!p0 $0x0  }
0x12: {  	s1 =	sld [smem:$0x3F90];
	s0 =	simm.s32 @p0 $0x1  }
0x13: {  	[smem:$0x3FAB] =	sst s0;
	s0 =	simm.s32 @!p1 $0x0  }
0x14: {  	s2 =	sld [smem:$0x3F8F];
	s0 =	simm.s32 @p1 $0x1  }
0x15: {  	[smem:$0x3FAC] =	sst s0;
	s0 =	simm.s32 @!p2 $0x0  }
0x16: {  	s3 =	sld [smem:$0x3FDB];
	s0 =	simm.s32 @p2 $0x1  }
0x17: {  	s4 =	simm.s32 $0x1BF5;
	[smem:$0x3FAE] =	sst s0  }
0x18: {  	s0 =	sld [smem:$0x3F91];
	_ =	swait.ge [sflag:s4], $0x0  }
0x19: {  	s7 =	sld [smem:$0x3F92]  }
0x1a: {  	s8 =	sadd.s32 $0xFFFFE003, lr  }
0x1b: {  	s9 =	sadd.s32 $0xFFFFFEF7, lr;
	s5 =	simm.s32 $0xFFFFFFFF;
	p2 =	slt.u32 s8, $0xFFFFF086  }
0x1c: {  	p1 =	slt.u32 s9, $0xF7A;
	s5 =	simm.s32 @!p2 $0x0  }
0x1d: {  	s5 =	simm.s32 @p1 $0x1;
	p0 =	seq.s32 s7, s2  }
0x1e: {  	s7 =	smul.u32 @!p0 $0xF7A, s2;
	p2 =	seq.s32 @!p0 s5, $0x0  }
0x1f: {  	s9 =	smul.u32 $0xF7A, s1;
	s8 =	simm.s32 @!p0 $0x1BF5;
	p2 =	por !p2, p0  }
0x20: {  	[sflag:s8] =	ssyncset.s32 @!p0 $0xFFFFF086;
	s6 =	sadd.s32 @!p0 s3, s7;
	s7 =	simm.s32 @!p0 $0x108  }
0x21: {  	s3 =	sadd.s32 s3, s9;
	s6 =	sadd.s32 @!p0 $0x88, s6;
	s7 =	simm.s32 @p2 $0x1082  }
0x22: {  	[simem:s7], [sflag:s8] =	dma.local @!p0 [hbm:s6], $0xF7A  }
0x23: {  	s9 =	sor.u32 $0xD0000000, s2;
	s6 =	simm.s32 $0x108;
	_ =	swait.ge @!p0 [sflag:s8], $0x0  }
0x24: {  	s3 =	sadd.s32 $0x88, s3;
	s6 =	simm.s32 @!p1 $0x1082;
	[sflag:s4] =	ssyncset.s32 $0xFFFFF086  }
0x25: {  	[simem:s6], [sflag:s4] =	dma.local [hbm:s3], $0xF7A  }
0x26: {  	[smem:$0x3F92] =	sst s1;
	(tag) =	ssettag s2;
	_ =	strace s9  }
0x27: {  	s1 =	sld [smem:$0x3FA2]  }
0x28: {  	s2 =	sld [smem:$0x3FA3]  }
0x29: {  	s4 =	sld [smem:$0x3FA5]  }
0x2a: {  	p0 =	seq.s32 s5, $0x0;
	s5 =	sld [smem:$0x3FA6]  }
0x2b: {  	s6 =	sld [smem:$0x3FA7]  }
0x2c: {  	s7 =	sld [smem:$0x3FA8]  }
0x2d: {  	s3 =	simm.s32 $0x108;
	s8 =	sld [smem:$0x3FA9]  }
0x2e: {  	s3 =	simm.s32 @!p0 $0x1082;
	s9 =	sld [smem:$0x3FAA]  }
0x2f: {  	lr =	sadd.s32 s0, s3;
	s0 =	sld [smem:$0x3FA1]  }
0x30: {  	s3 =	sld [smem:$0x3FA4]  }
0x31: {  	[smem:$0x3FAD] =	sst s10  }
0x32: {  	s10 =	sld [smem:$0x3FAB];
	_ =	sdelay $0x3  }
0x33: {  	p0 =	seq.s32 s10, $0x1;
	s10 =	sld [smem:$0x3FAD];
	_ =	sdelay $0x3  }
0x34: {  	[smem:$0x3FAD] =	sst s10  }
0x35: {  	s10 =	sld [smem:$0x3FAC];
	_ =	sdelay $0x3  }
0x36: {  	p1 =	seq.s32 s10, $0x1;
	s10 =	sld [smem:$0x3FAD];
	_ =	sdelay $0x3  }
0x37: {  	[smem:$0x3FAD] =	sst s10  }
0x38: {  	s10 =	sld [smem:$0x3FAE]  }
0x39: {  	_ = 	snop;
	(pc) =	sbr.ind lr, $3  }
0x3a: {  	_ = 	snop  }
0x3b: {  	_ = 	snop  }
0x3c: {  	p2 =	seq.s32 s10, $0x1;
	s10 =	sld [smem:$0x3FAD]  }
0x3d: {  	_ =	shalt  }
0x3e: {  	_ =	shalt  }
0x3f: {  	_ =	shalt  }
0x40: {  	_ =	shalt  }
0x41: {  	_ =	shalt  }
0x42: {  	_ =	shalt  }
0x43: {  	_ =	shalt  }
0x44: {  	_ =	shalt  }
0x45: {  	_ =	shalt  }
0x46: {  	_ =	shalt  }
0x47: {  	_ =	shalt  }
0x48: {  	_ =	shalt  }
0x49: {  	_ =	shalt  }
0x4a: {  	_ =	shalt  }
0x4b: {  	_ =	shalt  }
0x4c: {  	_ =	shalt  }
0x4d: {  	_ =	shalt  }
0x4e: {  	_ =	shalt  }
0x4f: {  	_ =	shalt  }
0x50: {  	_ =	shalt  }
0x51: {  	_ =	shalt  }
0x52: {  	_ =	shalt  }
0x53: {  	_ =	shalt  }
0x54: {  	_ =	shalt  }
0x55: {  	_ =	shalt  }
0x56: {  	_ =	shalt  }
0x57: {  	_ =	shalt  }
0x58: {  	_ =	shalt  }
0x59: {  	_ =	shalt  }
0x5a: {  	_ =	shalt  }
0x5b: {  	_ =	shalt  }
0x5c: {  	_ =	shalt  }
0x5d: {  	_ =	shalt  }
0x5e: {  	_ =	shalt  }
0x5f: {  	_ =	shalt  }
0x60: {  	_ =	shalt  }
0x61: {  	_ =	shalt  }
0x62: {  	_ =	shalt  }
0x63: {  	_ =	shalt  }
0x64: {  	_ =	shalt  }
0x65: {  	_ =	shalt  }
0x66: {  	_ =	shalt  }
0x67: {  	_ =	shalt  }
0x68: {  	_ =	shalt  }
0x69: {  	_ =	shalt  }
0x6a: {  	_ =	shalt  }
0x6b: {  	_ =	shalt  }
0x6c: {  	_ =	shalt  }
0x6d: {  	_ =	shalt  }
0x6e: {  	_ =	shalt  }
0x6f: {  	_ =	shalt  }
0x70: {  	_ =	shalt  }
0x71: {  	_ =	shalt  }
0x72: {  	_ =	shalt  }
0x73: {  	_ =	shalt  }
0x74: {  	_ =	shalt  }
0x75: {  	_ =	shalt  }
0x76: {  	_ =	shalt  }
0x77: {  	_ =	shalt  }
0x78: {  	_ =	shalt  }
0x79: {  	_ =	shalt  }
0x7a: {  	_ =	shalt  }
0x7b: {  	_ =	shalt  }
0x7c: {  	_ =	shalt  }
0x7d: {  	_ =	shalt  }
0x7e: {  	_ =	shalt  }
0x7f: {  	_ =	shalt  }
0x80: {  	_ =	shalt  }
0x81: {  	_ =	shalt  }
0x82: {  	_ =	shalt  }
0x83: {  	_ =	shalt  }
0x84: {  	_ =	shalt  }
0x85: {  	_ =	shalt  }
0x86: {  	_ =	shalt  }
0x87: {  	_ =	shalt  }
.Lfunc_end0:
.L_simem_size_0:
called_computation.2_lowered:
.L_overlay_start_0:
0x88: {  	s2 =	sld [smem:$0x3FD9]  }
0x89: {  	s3 =	sld [smem:$0x3FFE];
	_ =	sdelay $0x1  }
0x8a: {  	s1 =	srdreg.scid  }
0x8b: {  	s0 =	sand.u32 $0x1, s1  }
0x8c: {  	s16 =	sshll.u32 s0, $0xA;
	s2 =	sadd.s32 s3, s2  }
0x8d: {  	s2 =	sadd.s32 s2, s16  }
0x8e: {  	[smem:$0x3FB9] =	sst s2  }
0x8f: {  	_ = 	snop  }
0x90: {  	(tm) =	ssettm $0x1  }
0x91: {  	s17 =	sld [smem:$0x3FFB];
	_ =	sdelay $0x3  }
0x92: {  	_ =	strace s17  }
0x93: {  	s2 =	sld [smem:$0x3FFC];
	_ =	sdelay $0x3  }
0x94: {  	_ =	strace s2  }
0x95: {  	s2 =	sld [smem:$0x3FFD];
	_ =	sdelay $0x3  }
0x96: {  	_ =	strace s2  }
0x97: {  	_ =	strace $0x8FFFFFFF  }
0x98: {  	s18 =	sld [smem:$0x3FDB];
	_ =	sdelay $0x1  }
0x99: {  	s19 =	simm.s32 $_scs_section_size  }
0x9a: {  	s4 =	simm.s32 $_size__tile_overlayer_lowered;
	s5 =	simm.s32 $_tile_overlayer_lowered  }
0x9b: {  	s22 =	simm.s32 $0x1BFF;
	s21 =	sshll.u32 s5, $0x1;
	s2 =	sadd.s32 s19, s18  }
0x9c: {  	s6 =	simm.s32 $0x0;
	s20 =	sshll.u32 s4, $0x1;
	s4 =	sadd.s32 s21, s2  }
0x9d: {  	[timem:s6], [sflag:s22] =	dma.local [hbm:s4], s20  }
0x9e: {  	_ =	swait.ge [sflag:s22], s20  }
0x9f: {  	s3 =	ssub.s32 $0x0, s20;
	[sflag:s22] =	ssyncset.done $0x0  }
0xa0: {  	[sflag:s22] =	ssyncadd.s32 s3;
	_ =	sdelay $0x1  }
0xa1: {  	s23 =	simm.s32 $0x1B8B  }
0xa2: {  	_ =	swait.ge [sflag:s23], $0x1  }
0xa3: {  	[sflag:s23] =	ssyncset.done $0x0  }
0xa4: {  	s25 =	simm.s32 $0x1B8E;
	s24 =	sld [smem:$0x3FFE];
	[sflag:s23] =	ssyncadd.s32 $0xFFFFFFFF  }
0xa5: {  	s26 =	simm.s32 $execute0_lowered;
	[smem:$0x3FD2] =	sst s25  }
0xa6: {  	s4 =	sshll.u32 s26, $0x1;
	_ =	strace $0x8000004C;
	[dreg:$0x1] =	wrdreg $0xFFFFFFFF  }
0xa7: {  	s28 =	simm.s32 $_size_execute0_lowered;
	s2 =	sadd.s32 s2, s4;
	[dreg:$0x0] =	wrdreg $0x0  }
0xa8: {  	s4 =	sshll.u32 s28, $0x1;
	[dreg:$0x2] =	wrdreg s2  }
0xa9: {  	[dreg:$0x3] =	wrdreg s4  }
0xaa: {  	[dreg:$0x4] =	wrdreg $0xC0  }
0xab: {  	_ =	task [dreg:s6], $0x5FFFF  }
0xac: {  	[dreg:$0x1] =	wrdreg $0xFFFFFFFF  }
0xad: {  	[dreg:$0x0] =	wrdreg $0x60  }
0xae: {  	[dreg:$0x2] =	wrdreg s24  }
0xaf: {  	[dreg:$0x3] =	wrdreg $0x9  }
0xb0: {  	_ =	task.clear_ibuf [dreg:s6], $0x4FFFF;
	_ =	strace $0x9000004C  }
0xb1: {  	s29 =	simm.s32 $0x9;
	_ =	strace $0x8000004E  }
0xb2: {  	_ =	swait.ge [sflag:s29], $0x1  }
0xb3: {  	[sflag:s29] =	ssyncadd.s32 $0xFFFFFFFF  }
0xb4: {  	_ =	strace $0x9000004E  }
0xb5: {  	_ =	sfence  }
0xb6: {  	s30 =	sld [smem:$0x0];
	_ =	sdelay $0x2  }
0xb7: {  	s31 =	sshll.u32 s1, $0xD;
	s1 =	sshrl.u32 s1, $0x2  }
0xb8: {  	s3 =	sand.u32 $0x4000, s31;
	s1 =	sadd.s32 s1, s30  }
0xb9: {  	s0 =	sor.u32 s3, s0;
	s1 =	sshll.u32 s1, $0x11  }
0xba: {  	s0 =	sor.u32 s1, s0  }
0xbb: {  	s0 =	sadd.s32 $0x8F2B, s0  }
0xbc: {  	[sflag:s0] =	ssyncadd.remote.s32 $0x1  }
0xbd: {  	_ =	sfence.sel $0xFFFF  }
0xbe: {  	[dreg:$0x0] =	wrdreg $0xFFFFFFFF;
	(pc) =	sbr.abs _section_cstart, $3  }
0xbf: {  	[dreg:$0x1] =	wrdreg $0xFFFFFFFF  }
0xc0: {  	_ =	task.clear_ibuf [dreg:s6], $0x2FFFF;
	_ =	strace $0x9FFFFFFF  }
0xc1: {  	(tm) =	ssettm $0x7FFFFFFF  }
tec
execute0_lowered:
.L_overlay_start_1:
0x0: {  	(tag) =	ssettag $0x1  }
0x1: {  	s1 =	srdreg.scid  }
0x2: {  	s0 =	stileid.u32;
	s4 =	rddreg [dreg:$0x0];
	s2 =	simm.s32 $0x0  }
0x3: {  	s9 =	simm.s32 $0x80;
	s10 =	simm.s32 $0x4C80;
	s11 =	simm.s32 $0x100  }
0x4: {  	s12 =	simm.s32 $0x8C80;
	s13 =	simm.s32 $0x1;
	s14 =	simm.s32 $0x2  }
0x5: {  	s5 =	sand.u32 $0x1, s1;
	s3 =	sshll.u32 s0, $0x1;
	s1 =	rddreg [dreg:$0x1]  }
0x6: {  	s15 =	simm.s32 $0x0;
	[smem:$0x7FF] =	sst s2;
	s6 =	sor.u32 s5, s3  }
0x7: {  	_ =	strace $0x8000004D;
	s5 =	ssub.s32 $0x2, s5;
	s7 =	smul.u32 $0x190, s6  }
0x8: {  	s3 =	sadd.s32 $0x9600, s4;
	s8 =	sshrl.u32 s5, $0x1;
	s6 =	smul.u32 $0x64000, s6  }
0x9: {  	s8 =	ssub.s32 s5, s8;
	s7 =	sadd.s32 s7, s4;
	s4 =	sadd.s32 $0xD1600, s4  }
0xa: {  	s5 =	sadd.s32 $0x6400, s7;
	s7 =	smax.u32 s8, $0x1;
	s8 =	simm.s32 $0x3  }
.LBB2_1:
0xb: {  	[tilespmem:s2], [sflag:$0x3] =	stream.linear.gather [hbm4b:s5+s2], $0xC80, $0x38;
	[tilespmem:$0x18C80] =	vst v63  }
0xc: {  	_ =	swait.ge [sflag:s8], $0xC80  }
0xd: {  	[sflag:s8] =	ssyncset.done $0x0  }
0xe: {  	s16 =	simm.s32 $0xC80;
	[sflag:s8] =	ssyncadd.s32 $0xFFFFF380  }
0xf: {  	[tilespmem:s16], [sflag:$0x1] =	stream.indirect.gather [hbm4b:s3+s9], $0x80, s2, s9, $0xb8;
	[tilespmem:$0x18C80] =	vst v63  }
0x10: {  	_ = 	snop  }
0x11: {  	[tilespmem:s10], [sflag:$0x1] =	stream.indirect.gather [hbm4b:s3+s9], $0x80, s9, s9, $0xb8;
	[tilespmem:$0x18C80] =	vst v63  }
0x12: {  	s17 =	simm.s32 $0x0  }
0x13: {  	[tilespmem:s12], [sflag:$0x1] =	stream.indirect.gather [hbm4b:s3+s9], $0x80, s11, s9, $0xb8;
	[tilespmem:$0x18C80] =	vst v63  }
.LBB2_2:
0x14: {  	p0 =	sgt.u32 s17, $0x15  }
0x15: {  	s18 =	sadd.s32 @!p0 $0x3, s17  }
0x16: {  	s19 =	smul.u32 @!p0 $0xAB, s18;
	_ =	sdelay $0x1  }
0x17: {  	p1 =	slt.u32 s17, $0x3;
	s19 =	sshrl.u32 @!p0 s19, $0xA  }
0x18: {  	s29 =	smulhi.u32 $0xAAAAAAAB, s17;
	s20 =	simm.s32 @!p1 $0x2;
	s19 =	sand.u32 @!p0 $0x3F, s19  }
0x19: {  	_ =	swait.ge @!p1 [sflag:s20], $0x1000;
	s19 =	smul.u32 @!p0 $0x6, s19  }
0x1a: {  	s31 =	sshll.u32 s17, $0xE;
	s21 =	simm.s32 @!p0 $0x80;
	[sflag:s20] =	ssyncset.done @!p1 $0x0  }
0x1b: {  	[sflag:s20] =	ssyncadd.s32 @!p1 $0xFFFFF000;
	s20 =	sshrl.u32 s29, $0x2;
	s19 =	ssub.s32 @!p0 s18, s19  }
0x1c: {  	_ =	swait.ge [sflag:s13], $0x4000;
	s30 =	smul.u32 $0xFFFA0000, s20;
	s19 =	sand.u32 @!p0 $0xFF, s19  }
0x1d: {  	[sflag:s13] =	ssyncset.done $0x0;
	s18 =	sshll.u32 @!p0 s18, $0x7;
	s19 =	sshll.u32 @!p0 s19, $0xE  }
0x1e: {  	[sflag:s13] =	ssyncadd.s32 $0xFFFFC000;
	s18 =	sand.u32 @!p0 $0x3FFFFF80, s18;
	s19 =	sor.u32 @!p0 $0xC80, s19  }
0x1f: {  	[tilespmem:s19], [sflag:$0x1] =	stream.indirect.gather @!p0 [hbm4b:s3+s21], $0x80, s18, s21, $0xb8;
	[tilespmem:$0x18C80] =	vst v63  }
0x20: {  	s19 =	sadd.s32 s6, s31  }
0x21: {  	s18 =	sshra.s32 s30, $0x2;
	s19 =	sshrl.u32 s19, $0x3  }
0x22: {  	s18 =	sadd.s32 s18, s16;
	s19 =	sadd.s32 s4, s19  }
0x23: {  	s20 =	simm.s32 $0x10;
	s21 =	sadd.s32 $0x80, s18;
	s22 =	sadd.s32 $0x0, s19  }
.LBB2_3:
0x24: {  	[hbm4b:s22+s2] =	stream.linear.scatter [tilespmem:s18], [sflag:$0x2], $0x20, $0x38;
	[tilespmem:$0x18C80] =	vst v63  }
0x25: {  	s22 =	smov.u32 s20;
	s18 =	smov.u32 s21;
	p0 =	sne.s32 s20, $0x7F0  }
.Ltmp0:
0x26: {  	s20 =	sadd.s32 $0x10, s20;
	(pc) =	sbr.rel @p0 .LBB2_3-.Ltmp0, $2  }
0x27: {  	_ =	sdelay $0x2  }
0x28: {  	s21 =	sadd.s32 $0x80, s21;
	s22 =	sadd.s32 s22, s19  }
0x29: {  	s17 =	sadd.s32 $0x1, s17  }
0x2a: {  	p0 =	sne.s32 s17, $0x19  }
.Ltmp1:
0x2b: {  	_ = 	snop;
	(pc) =	sbr.rel @p0 .LBB2_2-.Ltmp1, $3  }
0x2c: {  	_ =	sdelay $0x1  }
0x2d: {  	[hbm4b:s22+s2] =	stream.linear.scatter [tilespmem:s18], [sflag:$0x2], $0x20, $0x38;
	[tilespmem:$0x18C80] =	vst v63  }
0x2e: {  	s16 =	sadd.s32 $0x4000, s16  }
0x2f: {  	_ =	swait.ge [sflag:s14], $0x1000  }
0x30: {  	[sflag:s14] =	ssyncset.done $0x0  }
0x31: {  	s15 =	sadd.s32 $0x1, s15;
	[sflag:s14] =	ssyncadd.s32 $0xFFFFF000  }
0x32: {  	p0 =	sne.s32 s15, s7;
	_ =	swait.ge [sflag:s14], $0x1000  }
.Ltmp2:
0x33: {  	[sflag:s14] =	ssyncset.done $0x0;
	(pc) =	sbr.rel @p0 .LBB2_1-.Ltmp2, $4  }
0x34: {  	[sflag:s14] =	ssyncadd.s32 $0xFFFFF000  }
0x35: {  	_ =	swait.ge [sflag:s14], $0x1000  }
0x36: {  	[sflag:s14] =	ssyncset.done $0x0  }
0x37: {  	[sflag:s14] =	ssyncadd.s32 $0xFFFFF000  }
0x38: {  	_ =	sfence.sel $0x180000  }
0x39: {  	[bflag:$0x0] =	sbarrier.arrive $0xFFFF  }
0x3a: {  	p0 =	sne.s32 s0, $0x0;
	_ =	strace $0x9000004D  }
0x3b: {  	s0 =	sadd.s32 @!p0 $0x100000, s1;
	[bflag:$0x2] =	sbarrier.arrive $0xFFFF  }
0x3c: {  	[sflag:s0] =	ssyncadd.tile.s32 @!p0 $0x1;
	_ =	shalt  }
.Lfunc_end2:
_tile_overlayer_lowered:
.L_overlay_start_2:
0x3d: {  	(tag) =	ssettag $0x2  }
0x3e: {  	s0 =	rddreg [dreg:$0x0];
	s2 =	stileid.u32  }
0x3f: {  	s1 =	rddreg [dreg:$0x1];
	p0 =	sne.s32 s2, $0x0  }
0x40: {  	s3 =	rddreg [dreg:$0x2];
	[bflag:$0x3] =	sbarrier.arrive $0xFFFF;
	s2 =	simm.s32 @!p0 $0x1C03  }
0x41: {  	[timem:s3], [sflag:s2] =	dma.local @!p0 [hbm:s0], s1  }
0x42: {  	s0 =	simm.s32 @!p0 $0x3  }
0x43: {  	_ =	swait.ge @!p0 [sflag:s0], s1  }
0x44: {  	s1 =	ssub.s32 @!p0 $0x0, s1;
	[sflag:s0] =	ssyncset.done @!p0 $0x0  }
0x45: {  	[sflag:s0] =	ssyncadd.s32 @!p0 s1  }
0x46: {  	[bflag:$0x3] =	sbarrier.arrive $0xFFFF  }
0x47: {  	_ =	shalt  }

// kernel: kernel.19.cloned.1.call-start
scs
__scs_entry_jumppad:
0x0: {  	(pc) =	sbr.rel $0x88, $3  }
0x1: {  	(tag) =	ssettag $0x0;
	lr =	simm.s32 $0x1  }
0x2: {  	[smem:$0x3F92] =	sst lr;
	_ =	strace $0xD0000000  }
0x3: {  	_ = 	snop  }
0x4: {  	_ = 	snop  }
0x5: {  	_ = 	snop  }
0x6: {  	_ = 	snop  }
0x7: {  	_ = 	snop  }
__scs_overlays_trampoline_lowered:
0x8: {  	[smem:$0x3FA1] =	sst s0  }
0x9: {  	[smem:$0x3FA2] =	sst s1  }
0xa: {  	[smem:$0x3FA3] =	sst s2  }
0xb: {  	[smem:$0x3FA4] =	sst s3  }
0xc: {  	[smem:$0x3FA5] =	sst s4  }
0xd: {  	[smem:$0x3FA6] =	sst s5  }
0xe: {  	[smem:$0x3FA7] =	sst s6  }
0xf: {  	[smem:$0x3FA8] =	sst s7  }
0x10: {  	[smem:$0x3FA9] =	sst s8  }
0x11: {  	[smem:$0x3FAA] =	sst s9;
	s0 =	simm.s32 @!p0 $0x0  }
0x12: {  	s1 =	sld [smem:$0x3F90];
	s0 =	simm.s32 @p0 $0x1  }
0x13: {  	[smem:$0x3FAB] =	sst s0;
	s0 =	simm.s32 @!p1 $0x0  }
0x14: {  	s2 =	sld [smem:$0x3F8F];
	s0 =	simm.s32 @p1 $0x1  }
0x15: {  	[smem:$0x3FAC] =	sst s0;
	s0 =	simm.s32 @!p2 $0x0  }
0x16: {  	s3 =	sld [smem:$0x3FDB];
	s0 =	simm.s32 @p2 $0x1  }
0x17: {  	s4 =	simm.s32 $0x1BF5;
	[smem:$0x3FAE] =	sst s0  }
0x18: {  	s0 =	sld [smem:$0x3F91];
	_ =	swait.ge [sflag:s4], $0x0  }
0x19: {  	s7 =	sld [smem:$0x3F92]  }
0x1a: {  	s8 =	sadd.s32 $0xFFFFE003, lr  }
0x1b: {  	s9 =	sadd.s32 $0xFFFFFEF7, lr;
	s5 =	simm.s32 $0xFFFFFFFF;
	p2 =	slt.u32 s8, $0xFFFFF086  }
0x1c: {  	p1 =	slt.u32 s9, $0xF7A;
	s5 =	simm.s32 @!p2 $0x0  }
0x1d: {  	s5 =	simm.s32 @p1 $0x1;
	p0 =	seq.s32 s7, s2  }
0x1e: {  	s7 =	smul.u32 @!p0 $0xF7A, s2;
	p2 =	seq.s32 @!p0 s5, $0x0  }
0x1f: {  	s9 =	smul.u32 $0xF7A, s1;
	s8 =	simm.s32 @!p0 $0x1BF5;
	p2 =	por !p2, p0  }
0x20: {  	[sflag:s8] =	ssyncset.s32 @!p0 $0xFFFFF086;
	s6 =	sadd.s32 @!p0 s3, s7;
	s7 =	simm.s32 @!p0 $0x108  }
0x21: {  	s3 =	sadd.s32 s3, s9;
	s6 =	sadd.s32 @!p0 $0x88, s6;
	s7 =	simm.s32 @p2 $0x1082  }
0x22: {  	[simem:s7], [sflag:s8] =	dma.local @!p0 [hbm:s6], $0xF7A  }
0x23: {  	s9 =	sor.u32 $0xD0000000, s2;
	s6 =	simm.s32 $0x108;
	_ =	swait.ge @!p0 [sflag:s8], $0x0  }
0x24: {  	s3 =	sadd.s32 $0x88, s3;
	s6 =	simm.s32 @!p1 $0x1082;
	[sflag:s4] =	ssyncset.s32 $0xFFFFF086  }
0x25: {  	[simem:s6], [sflag:s4] =	dma.local [hbm:s3], $0xF7A  }
0x26: {  	[smem:$0x3F92] =	sst s1;
	(tag) =	ssettag s2;
	_ =	strace s9  }
0x27: {  	s1 =	sld [smem:$0x3FA2]  }
0x28: {  	s2 =	sld [smem:$0x3FA3]  }
0x29: {  	s4 =	sld [smem:$0x3FA5]  }
0x2a: {  	p0 =	seq.s32 s5, $0x0;
	s5 =	sld [smem:$0x3FA6]  }
0x2b: {  	s6 =	sld [smem:$0x3FA7]  }
0x2c: {  	s7 =	sld [smem:$0x3FA8]  }
0x2d: {  	s3 =	simm.s32 $0x108;
	s8 =	sld [smem:$0x3FA9]  }
0x2e: {  	s3 =	simm.s32 @!p0 $0x1082;
	s9 =	sld [smem:$0x3FAA]  }
0x2f: {  	lr =	sadd.s32 s0, s3;
	s0 =	sld [smem:$0x3FA1]  }
0x30: {  	s3 =	sld [smem:$0x3FA4]  }
0x31: {  	[smem:$0x3FAD] =	sst s10  }
0x32: {  	s10 =	sld [smem:$0x3FAB];
	_ =	sdelay $0x3  }
0x33: {  	p0 =	seq.s32 s10, $0x1;
	s10 =	sld [smem:$0x3FAD];
	_ =	sdelay $0x3  }
0x34: {  	[smem:$0x3FAD] =	sst s10  }
0x35: {  	s10 =	sld [smem:$0x3FAC];
	_ =	sdelay $0x3  }
0x36: {  	p1 =	seq.s32 s10, $0x1;
	s10 =	sld [smem:$0x3FAD];
	_ =	sdelay $0x3  }
0x37: {  	[smem:$0x3FAD] =	sst s10  }
0x38: {  	s10 =	sld [smem:$0x3FAE]  }
0x39: {  	_ = 	snop;
	(pc) =	sbr.ind lr, $3  }
0x3a: {  	_ = 	snop  }
0x3b: {  	_ = 	snop  }
0x3c: {  	p2 =	seq.s32 s10, $0x1;
	s10 =	sld [smem:$0x3FAD]  }
0x3d: {  	_ =	shalt  }
0x3e: {  	_ =	shalt  }
0x3f: {  	_ =	shalt  }
0x40: {  	_ =	shalt  }
0x41: {  	_ =	shalt  }
0x42: {  	_ =	shalt  }
0x43: {  	_ =	shalt  }
0x44: {  	_ =	shalt  }
0x45: {  	_ =	shalt  }
0x46: {  	_ =	shalt  }
0x47: {  	_ =	shalt  }
0x48: {  	_ =	shalt  }
0x49: {  	_ =	shalt  }
0x4a: {  	_ =	shalt  }
0x4b: {  	_ =	shalt  }
0x4c: {  	_ =	shalt  }
0x4d: {  	_ =	shalt  }
0x4e: {  	_ =	shalt  }
0x4f: {  	_ =	shalt  }
0x50: {  	_ =	shalt  }
0x51: {  	_ =	shalt  }
0x52: {  	_ =	shalt  }
0x53: {  	_ =	shalt  }
0x54: {  	_ =	shalt  }
0x55: {  	_ =	shalt  }
0x56: {  	_ =	shalt  }
0x57: {  	_ =	shalt  }
0x58: {  	_ =	shalt  }
0x59: {  	_ =	shalt  }
0x5a: {  	_ =	shalt  }
0x5b: {  	_ =	shalt  }
0x5c: {  	_ =	shalt  }
0x5d: {  	_ =	shalt  }
0x5e: {  	_ =	shalt  }
0x5f: {  	_ =	shalt  }
0x60: {  	_ =	shalt  }
0x61: {  	_ =	shalt  }
0x62: {  	_ =	shalt  }
0x63: {  	_ =	shalt  }
0x64: {  	_ =	shalt  }
0x65: {  	_ =	shalt  }
0x66: {  	_ =	shalt  }
0x67: {  	_ =	shalt  }
0x68: {  	_ =	shalt  }
0x69: {  	_ =	shalt  }
0x6a: {  	_ =	shalt  }
0x6b: {  	_ =	shalt  }
0x6c: {  	_ =	shalt  }
0x6d: {  	_ =	shalt  }
0x6e: {  	_ =	shalt  }
0x6f: {  	_ =	shalt  }
0x70: {  	_ =	shalt  }
0x71: {  	_ =	shalt  }
0x72: {  	_ =	shalt  }
0x73: {  	_ =	shalt  }
0x74: {  	_ =	shalt  }
0x75: {  	_ =	shalt  }
0x76: {  	_ =	shalt  }
0x77: {  	_ =	shalt  }
0x78: {  	_ =	shalt  }
0x79: {  	_ =	shalt  }
0x7a: {  	_ =	shalt  }
0x7b: {  	_ =	shalt  }
0x7c: {  	_ =	shalt  }
0x7d: {  	_ =	shalt  }
0x7e: {  	_ =	shalt  }
0x7f: {  	_ =	shalt  }
0x80: {  	_ =	shalt  }
0x81: {  	_ =	shalt  }
0x82: {  	_ =	shalt  }
0x83: {  	_ =	shalt  }
0x84: {  	_ =	shalt  }
0x85: {  	_ =	shalt  }
0x86: {  	_ =	shalt  }
0x87: {  	_ =	shalt  }
.Lfunc_end0:
.L_simem_size_0:
called_computation.3_lowered:
.L_overlay_start_0:
0x88: {  	s0 =	sld [smem:$0x3FD9]  }
0x89: {  	s1 =	sld [smem:$0x3FFE];
	_ =	sdelay $0x3  }
0x8a: {  	s0 =	sadd.s32 s1, s0  }
0x8b: {  	[smem:$0x3FB9] =	sst s0  }
0x8c: {  	_ = 	snop  }
0x8d: {  	(tm) =	ssettm $0x1  }
0x8e: {  	s15 =	sld [smem:$0x3FFB];
	_ =	sdelay $0x3  }
0x8f: {  	_ =	strace s15  }
0x90: {  	s0 =	sld [smem:$0x3FFC];
	_ =	sdelay $0x3  }
0x91: {  	_ =	strace s0  }
0x92: {  	s0 =	sld [smem:$0x3FFD];
	_ =	sdelay $0x3  }
0x93: {  	_ =	strace s0  }
0x94: {  	_ =	strace $0x8FFFFFFF  }
0x95: {  	s16 =	sld [smem:$0x3FDB];
	_ =	sdelay $0x1  }
0x96: {  	s17 =	simm.s32 $_scs_section_size  }
0x97: {  	s2 =	simm.s32 $_size__tile_overlayer_lowered;
	s3 =	simm.s32 $_tile_overlayer_lowered  }
0x98: {  	s20 =	simm.s32 $0x1BFF;
	s19 =	sshll.u32 s3, $0x1;
	s0 =	sadd.s32 s17, s16  }
0x99: {  	s4 =	simm.s32 $0x0;
	s18 =	sshll.u32 s2, $0x1;
	s2 =	sadd.s32 s19, s0  }
0x9a: {  	[timem:s4], [sflag:s20] =	dma.local [hbm:s2], s18  }
0x9b: {  	_ =	swait.ge [sflag:s20], s18  }
0x9c: {  	s1 =	ssub.s32 $0x0, s18;
	[sflag:s20] =	ssyncset.done $0x0  }
0x9d: {  	[sflag:s20] =	ssyncadd.s32 s1;
	_ =	sdelay $0x1  }
0x9e: {  	s21 =	simm.s32 $0x1B8B  }
0x9f: {  	_ =	swait.ge [sflag:s21], $0x1  }
0xa0: {  	[sflag:s21] =	ssyncset.done $0x0  }
0xa1: {  	s23 =	simm.s32 $0x1B8E;
	s22 =	sld [smem:$0x3FFE];
	[sflag:s21] =	ssyncadd.s32 $0xFFFFFFFF  }
0xa2: {  	s24 =	simm.s32 $execute0_lowered;
	[smem:$0x3FD2] =	sst s23  }
0xa3: {  	s2 =	sshll.u32 s24, $0x1;
	_ =	strace $0x8000004F;
	[dreg:$0x1] =	wrdreg $0xFFFFFFFF  }
0xa4: {  	s25 =	simm.s32 $_size_execute0_lowered;
	s0 =	sadd.s32 s0, s2;
	[dreg:$0x0] =	wrdreg $0x0  }
0xa5: {  	s2 =	sshll.u32 s25, $0x1;
	[dreg:$0x2] =	wrdreg s0  }
0xa6: {  	[dreg:$0x3] =	wrdreg s2  }
0xa7: {  	[dreg:$0x4] =	wrdreg $0xC0  }
0xa8: {  	_ =	task [dreg:s4], $0x5FFFF  }
0xa9: {  	[dreg:$0x1] =	wrdreg $0xFFFFFFFF  }
0xaa: {  	[dreg:$0x0] =	wrdreg $0x60  }
0xab: {  	[dreg:$0x2] =	wrdreg s22  }
0xac: {  	[dreg:$0x3] =	wrdreg $0x59000  }
0xad: {  	[dreg:$0x4] =	wrdreg $0x9  }
0xae: {  	_ =	task.clear_ibuf [dreg:s4], $0x5FFFF;
	_ =	strace $0x9000004F  }
0xaf: {  	s26 =	simm.s32 $0x9;
	_ =	strace $0x80000051  }
0xb0: {  	_ =	swait.ge [sflag:s26], $0x1  }
0xb1: {  	[sflag:s26] =	ssyncadd.s32 $0xFFFFFFFF  }
0xb2: {  	_ =	strace $0x90000051  }
0xb3: {  	_ =	sfence  }
0xb4: {  	s28 =	sld [smem:$0x0];
	_ =	sdelay $0x1  }
0xb5: {  	s29 =	srdreg.scid  }
0xb6: {  	s30 =	sshll.u32 s29, $0xD;
	s31 =	sshrl.u32 s29, $0x2  }
0xb7: {  	s1 =	sand.u32 $0x1, s29;
	s2 =	sand.u32 $0x4000, s30;
	s0 =	sadd.s32 s31, s28  }
0xb8: {  	s1 =	sor.u32 s2, s1;
	s0 =	sshll.u32 s0, $0x11  }
0xb9: {  	s0 =	sor.u32 s0, s1  }
0xba: {  	s0 =	sadd.s32 $0x8F2B, s0  }
0xbb: {  	[sflag:s0] =	ssyncadd.remote.s32 $0x1  }
0xbc: {  	_ =	sfence.sel $0xFFFF  }
0xbd: {  	[dreg:$0x0] =	wrdreg $0xFFFFFFFF;
	(pc) =	sbr.abs _section_cstart, $3  }
0xbe: {  	[dreg:$0x1] =	wrdreg $0xFFFFFFFF  }
0xbf: {  	_ =	task.clear_ibuf [dreg:s4], $0x2FFFF;
	_ =	strace $0x9FFFFFFF  }
0xc0: {  	(tm) =	ssettm $0x7FFFFFFF  }
0xc1: {  	_ =	shalt  }
tec
execute0_lowered:
.L_overlay_start_1:
0x0: {  	(tag) =	ssettag $0x1  }
0x1: {  	s8 =	rddreg [dreg:$0x0]  }
0x2: {  	s0 =	stileid.u32;
	s3 =	rddreg [dreg:$0x1]  }
0x3: {  	s1 =	rddreg [dreg:$0x2];
	s2 =	smul.u32 $0xC800, s0  }
0x4: {  	s9 =	simm.s32 $0x0;
	s20 =	simm.s32 $0x4;
	s5 =	smul.u32 $0x64000, s0  }
0x5: {  	s13 =	simm.s32 $0x10;
	s4 =	smul.u32 $0x320, s0;
	[smem:$0x7FF] =	sst s9  }
0x6: {  	s21 =	simm.s32 $0x3;
	_ =	strace $0x80000050;
	s5 =	sshrl.u32 s5, $0x2  }
0x7: {  	s6 =	sadd.s32 s2, s8;
	s4 =	sadd.s32 s4, s8;
	s7 =	sadd.s32 s5, s3  }
0x8: {  	s10 =	sadd.s32 $0x264C00, s6;
	s5 =	sshll.u32 s0, $0x6;
	s12 =	sadd.s32 $0x261A00, s4  }
0x9: {  	s6 =	simm.s32 $0x1;
	s11 =	sor.u32 $0x1C01, s5;
	s4 =	sshrl.u32 s7, $0x3  }
0xa: {  	[spmem:s4@s20], [sflag:s11] =	dma.strided [hbm:s10@s13], $0x3200, s6, $0x4   }
0xb: {  	[tilespmem:s9], [sflag:$0x3] =	stream.linear.gather [hbm4b:s12+s9], $0x1900, $0x38;
	[tilespmem:$0x1E900] =	vst v63  }
0xc: {  	_ =	swait.ge [sflag:s21], $0x1900  }
0xd: {  	[sflag:s21] =	ssyncset.done $0x0  }
0xe: {  	[sflag:s21] =	ssyncadd.s32 $0xFFFFE700  }
0xf: {  	_ =	swait.ge [sflag:s6], $0x3200  }
0x10: {  	s25 =	simm.s32 $0x20;
	s22 =	smul.u32 $0x19000, s0;
	[sflag:s6] =	ssyncset.done $0x0  }
0x11: {  	s26 =	simm.s32 $0x1900;
	s23 =	sadd.s32 $0x578000, s8;
	[sflag:s6] =	ssyncadd.s32 $0xFFFFCE00  }
0x12: {  	s24 =	sadd.s32 s23, s22;
	s7 =	simm.s32 $0x80;
	[bflag:$0x0] =	sbarrier.arrive $0xFFFF  }
0x13: {  	[tilespmem:s26], [sflag:$0x1] =	stream.strided.gather [hbm4b:s24+s25], $0x1000, s7, s25, $0x38;
	[tilespmem:$0x1E900] =	vst v63  }
0x14: {  	s16 =	simm.s32 $0x2900;
	s15 =	smul.u32 $0xC8000, s0;
	s14 =	sadd.s32 $0x800, s24  }
0x15: {  	[tilespmem:s16], [sflag:$0x1] =	stream.strided.gather [hbm4b:s14+s25], $0x1000, s7, s25, $0x38;
	[tilespmem:$0x1E900] =	vst v63  }
0x16: {  	s28 =	sshrl.u32 s15, $0x3;
	_ =	swait.ge [sflag:s6], $0x1000  }
0x17: {  	s10 =	sadd.s32 s23, s28;
	[sflag:s6] =	ssyncset.done $0x0  }
0x18: {  	s29 =	simm.s32 $0x3900;
	s14 =	sadd.s32 $0x1000, s10;
	[sflag:s6] =	ssyncadd.s32 $0xFFFFF000  }
0x19: {  	[tilespmem:s29], [sflag:$0x1] =	stream.strided.gather [hbm4b:s14+s25], $0x1000, s7, s25, $0x38;
	[tilespmem:$0x1E900] =	vst v63  }
0x1a: {  	_ = 	snop  }
0x1b: {  	[spmem:s3] =	stream.indirect.scatter.add.f32 [tilespmem:s26], [sflag:$0x2], $0x20, s9, s7, $0xb8;
	[tilespmem:$0x1E900] =	vst v63  }
0x1c: {  	s31 =	simm.s32 $0x4900;
	_ =	swait.ge [sflag:s6], $0x1000  }
0x1d: {  	s8 =	sadd.s32 $0x32CC00, s8;
	s11 =	simm.s32 $0x100;
	[sflag:s6] =	ssyncset.done $0x0  }
0x1e: {  	s13 =	simm.s32 $0x2;
	s30 =	sadd.s32 $0x1800, s10;
	[sflag:s6] =	ssyncadd.s32 $0xFFFFF000  }
0x1f: {  	[tilespmem:s31], [sflag:$0x1] =	stream.strided.gather [hbm4b:s30+s25], $0x1000, s7, s25, $0x38;
	[tilespmem:$0x1E900] =	vst v63  }
0x20: {  	s12 =	simm.s32 $0x10000;
	s10 =	simm.s32 $0x2;
	s9 =	sadd.s32 $0x2000, s24  }
0x21: {  	[spmem:s3] =	stream.indirect.scatter.add.f32 [tilespmem:s16], [sflag:$0x2], $0x20, s7, s7, $0xb8;
	[tilespmem:$0x1E900] =	vst v63  }
.LBB2_1:
0x22: {  	_ =	swait.ge [sflag:s10], $0x1000  }
0x23: {  	[sflag:s10] =	ssyncset.done $0x0  }
0x24: {  	p0 =	sgt.u32 s13, $0x2F;
	[sflag:s10] =	ssyncadd.s32 $0xFFFFF000  }
0x25: {  	s13 =	sadd.s32 $0x1, s13;
	s15 =	sand.u32 @!p0 $0xC000, s12;
	_ =	swait.ge [sflag:s6], $0x1000  }
0x26: {  	s16 =	simm.s32 @!p0 $0x20;
	s15 =	sshrl.u32 @!p0 s15, $0x2;
	[sflag:s6] =	ssyncset.done $0x0  }
0x27: {  	s17 =	simm.s32 @!p0 $0x80;
	s15 =	sadd.s32 @!p0 $0x1900, s15;
	[sflag:s6] =	ssyncadd.s32 $0xFFFFF000  }
0x28: {  	[tilespmem:s15], [sflag:$0x1] =	stream.strided.gather @!p0 [hbm4b:s9+s16], $0x1000, s17, s16, $0x38;
	[tilespmem:$0x1E900] =	vst v63  }
0x29: {  	s14 =	sadd.s32 $0xFFFF8000, s12;
	p0 =	sne.s32 s13, $0x32  }
.Ltmp0:
0x2a: {  	s14 =	sand.u32 $0xC000, s14;
	(pc) =	sbr.rel @p0 .LBB2_1-.Ltmp0, $4  }
0x2b: {  	s14 =	sshrl.u32 s14, $0x2  }
0x2c: {  	s14 =	sadd.s32 $0x1900, s14  }
0x2d: {  	[spmem:s3] =	stream.indirect.scatter.add.f32 [tilespmem:s14], [sflag:$0x2], $0x20, s11, s7, $0xb8;
	[tilespmem:$0x1E900] =	vst v63  }
0x2e: {  	s12 =	sadd.s32 $0x4000, s12;
	s9 =	sadd.s32 $0x800, s9;
	s11 =	sadd.s32 $0x80, s11  }
0x2f: {  	s3 =	simm.s32 $0x2  }
0x30: {  	_ =	swait.ge [sflag:s3], $0x1000  }
0x31: {  	[sflag:s3] =	ssyncset.done $0x0  }
0x32: {  	[sflag:s3] =	ssyncadd.s32 $0xFFFFF000  }
0x33: {  	_ =	swait.ge [sflag:s3], $0x1000  }
0x34: {  	s2 =	sadd.s32 s8, s2;
	s29 =	sor.u32 $0x1C03, s5;
	[sflag:s3] =	ssyncset.done $0x0  }
0x35: {  	s30 =	simm.s32 $0x1;
	s6 =	simm.s32 $0x10;
	[sflag:s3] =	ssyncadd.s32 $0xFFFFF000  }
0x36: {  	s7 =	simm.s32 $0x4;
	s31 =	simm.s32 $0x3;
	[bflag:$0x0] =	sbarrier.arrive $0xFFFF  }
0x37: {  	[hbm:s2@s6], [sflag:s29] =	dma.strided [spmem:s4@s7], $0x3200, s30, $0x4   }
0x38: {  	_ =	swait.ge [sflag:s31], $0x3200  }
0x39: {  	[sflag:s31] =	ssyncset.done $0x0  }
0x3a: {  	[sflag:s31] =	ssyncadd.s32 $0xFFFFCE00  }
0x3b: {  	_ =	sfence.sel $0x180000  }
0x3c: {  	[bflag:$0x0] =	sbarrier.arrive $0xFFFF  }
0x3d: {  	p0 =	sne.s32 s0, $0x0;
	_ =	strace $0x90000050  }
0x3e: {  	s0 =	sadd.s32 @!p0 $0x100000, s1;
	[bflag:$0x2] =	sbarrier.arrive $0xFFFF  }
0x3f: {  	[sflag:s0] =	ssyncadd.tile.s32 @!p0 $0x1;
	_ =	shalt  }
.Lfunc_end2:
_tile_overlayer_lowered:
.L_overlay_start_2:
0x40: {  	(tag) =	ssettag $0x2  }
0x41: {  	s0 =	rddreg [dreg:$0x0];
	s2 =	stileid.u32  }
0x42: {  	s1 =	rddreg [dreg:$0x1];
	p0 =	sne.s32 s2, $0x0  }
0x43: {  	s3 =	rddreg [dreg:$0x2];
	[bflag:$0x3] =	sbarrier.arrive $0xFFFF;
	s2 =	simm.s32 @!p0 $0x1C03  }
0x44: {  	[timem:s3], [sflag:s2] =	dma.local @!p0 [hbm:s0], s1  }
0x45: {  	s0 =	simm.s32 @!p0 $0x3  }
0x46: {  	_ =	swait.ge @!p0 [sflag:s0], s1  }
0x47: {  	s1 =	ssub.s32 @!p0 $0x0, s1;
	[sflag:s0] =	ssyncset.done @!p0 $0x0  }
0x48: {  	[sflag:s0] =	ssyncadd.s32 @!p0 s1  }
0x49: {  	[bflag:$0x3] =	sbarrier.arrive $0xFFFF  }
0x4a: {  	_ =	shalt  }

// kernel: kernel.22.cloned.1.call-start
scs
__scs_entry_jumppad:
0x0: {  	(pc) =	sbr.rel $0x88, $3  }
0x1: {  	(tag) =	ssettag $0x0;
	lr =	simm.s32 $0x1  }
0x2: {  	[smem:$0x3F92] =	sst lr;
	_ =	strace $0xD0000000  }
0x3: {  	_ = 	snop  }
0x4: {  	_ = 	snop  }
0x5: {  	_ = 	snop  }
0x6: {  	_ = 	snop  }
0x7: {  	_ = 	snop  }
__scs_overlays_trampoline_lowered:
0x8: {  	[smem:$0x3FA1] =	sst s0  }
0x9: {  	[smem:$0x3FA2] =	sst s1  }
0xa: {  	[smem:$0x3FA3] =	sst s2  }
0xb: {  	[smem:$0x3FA4] =	sst s3  }
0xc: {  	[smem:$0x3FA5] =	sst s4  }
0xd: {  	[smem:$0x3FA6] =	sst s5  }
0xe: {  	[smem:$0x3FA7] =	sst s6  }
0xf: {  	[smem:$0x3FA8] =	sst s7  }
0x10: {  	[smem:$0x3FA9] =	sst s8  }
0x11: {  	[smem:$0x3FAA] =	sst s9;
	s0 =	simm.s32 @!p0 $0x0  }
0x12: {  	s1 =	sld [smem:$0x3F90];
	s0 =	simm.s32 @p0 $0x1  }
0x13: {  	[smem:$0x3FAB] =	sst s0;
	s0 =	simm.s32 @!p1 $0x0  }
0x14: {  	s2 =	sld [smem:$0x3F8F];
	s0 =	simm.s32 @p1 $0x1  }
0x15: {  	[smem:$0x3FAC] =	sst s0;
	s0 =	simm.s32 @!p2 $0x0  }
0x16: {  	s3 =	sld [smem:$0x3FDB];
	s0 =	simm.s32 @p2 $0x1  }
0x17: {  	s4 =	simm.s32 $0x1BF5;
	[smem:$0x3FAE] =	sst s0  }
0x18: {  	s0 =	sld [smem:$0x3F91];
	_ =	swait.ge [sflag:s4], $0x0  }
0x19: {  	s7 =	sld [smem:$0x3F92]  }
0x1a: {  	s8 =	sadd.s32 $0xFFFFE003, lr  }
0x1b: {  	s9 =	sadd.s32 $0xFFFFFEF7, lr;
	s5 =	simm.s32 $0xFFFFFFFF;
	p2 =	slt.u32 s8, $0xFFFFF086  }
0x1c: {  	p1 =	slt.u32 s9, $0xF7A;
	s5 =	simm.s32 @!p2 $0x0  }
0x1d: {  	s5 =	simm.s32 @p1 $0x1;
	p0 =	seq.s32 s7, s2  }
0x1e: {  	s7 =	smul.u32 @!p0 $0xF7A, s2;
	p2 =	seq.s32 @!p0 s5, $0x0  }
0x1f: {  	s9 =	smul.u32 $0xF7A, s1;
	s8 =	simm.s32 @!p0 $0x1BF5;
	p2 =	por !p2, p0  }
0x20: {  	[sflag:s8] =	ssyncset.s32 @!p0 $0xFFFFF086;
	s6 =	sadd.s32 @!p0 s3, s7;
	s7 =	simm.s32 @!p0 $0x108  }
0x21: {  	s3 =	sadd.s32 s3, s9;
	s6 =	sadd.s32 @!p0 $0x88, s6;
	s7 =	simm.s32 @p2 $0x1082  }
0x22: {  	[simem:s7], [sflag:s8] =	dma.local @!p0 [hbm:s6], $0xF7A  }
0x23: {  	s9 =	sor.u32 $0xD0000000, s2;
	s6 =	simm.s32 $0x108;
	_ =	swait.ge @!p0 [sflag:s8], $0x0  }
0x24: {  	s3 =	sadd.s32 $0x88, s3;
	s6 =	simm.s32 @!p1 $0x1082;
	[sflag:s4] =	ssyncset.s32 $0xFFFFF086  }
0x25: {  	[simem:s6], [sflag:s4] =	dma.local [hbm:s3], $0xF7A  }
0x26: {  	[smem:$0x3F92] =	sst s1;
	(tag) =	ssettag s2;
	_ =	strace s9  }
0x27: {  	s1 =	sld [smem:$0x3FA2]  }
0x28: {  	s2 =	sld [smem:$0x3FA3]  }
0x29: {  	s4 =	sld [smem:$0x3FA5]  }
0x2a: {  	p0 =	seq.s32 s5, $0x0;
	s5 =	sld [smem:$0x3FA6]  }
0x2b: {  	s6 =	sld [smem:$0x3FA7]  }
0x2c: {  	s7 =	sld [smem:$0x3FA8]  }
0x2d: {  	s3 =	simm.s32 $0x108;
	s8 =	sld [smem:$0x3FA9]  }
0x2e: {  	s3 =	simm.s32 @!p0 $0x1082;
	s9 =	sld [smem:$0x3FAA]  }
0x2f: {  	lr =	sadd.s32 s0, s3;
	s0 =	sld [smem:$0x3FA1]  }
0x30: {  	s3 =	sld [smem:$0x3FA4]  }
0x31: {  	[smem:$0x3FAD] =	sst s10  }
0x32: {  	s10 =	sld [smem:$0x3FAB];
	_ =	sdelay $0x3  }
0x33: {  	p0 =	seq.s32 s10, $0x1;
	s10 =	sld [smem:$0x3FAD];
	_ =	sdelay $0x3  }
0x34: {  	[smem:$0x3FAD] =	sst s10  }
0x35: {  	s10 =	sld [smem:$0x3FAC];
	_ =	sdelay $0x3  }
0x36: {  	p1 =	seq.s32 s10, $0x1;
	s10 =	sld [smem:$0x3FAD];
	_ =	sdelay $0x3  }
0x37: {  	[smem:$0x3FAD] =	sst s10  }
0x38: {  	s10 =	sld [smem:$0x3FAE]  }
0x39: {  	_ = 	snop;
	(pc) =	sbr.ind lr, $3  }
0x3a: {  	_ = 	snop  }
0x3b: {  	_ = 	snop  }
0x3c: {  	p2 =	seq.s32 s10, $0x1;
	s10 =	sld [smem:$0x3FAD]  }
0x3d: {  	_ =	shalt  }
0x3e: {  	_ =	shalt  }
0x3f: {  	_ =	shalt  }
0x40: {  	_ =	shalt  }
0x41: {  	_ =	shalt  }
0x42: {  	_ =	shalt  }
0x43: {  	_ =	shalt  }
0x44: {  	_ =	shalt  }
0x45: {  	_ =	shalt  }
0x46: {  	_ =	shalt  }
0x47: {  	_ =	shalt  }
0x48: {  	_ =	shalt  }
0x49: {  	_ =	shalt  }
0x4a: {  	_ =	shalt  }
0x4b: {  	_ =	shalt  }
0x4c: {  	_ =	shalt  }
0x4d: {  	_ =	shalt  }
0x4e: {  	_ =	shalt  }
0x4f: {  	_ =	shalt  }
0x50: {  	_ =	shalt  }
0x51: {  	_ =	shalt  }
0x52: {  	_ =	shalt  }
0x53: {  	_ =	shalt  }
0x54: {  	_ =	shalt  }
0x55: {  	_ =	shalt  }
0x56: {  	_ =	shalt  }
0x57: {  	_ =	shalt  }
0x58: {  	_ =	shalt  }
0x59: {  	_ =	shalt  }
0x5a: {  	_ =	shalt  }
0x5b: {  	_ =	shalt  }
0x5c: {  	_ =	shalt  }
0x5d: {  	_ =	shalt  }
0x5e: {  	_ =	shalt  }
0x5f: {  	_ =	shalt  }
0x60: {  	_ =	shalt  }
0x61: {  	_ =	shalt  }
0x62: {  	_ =	shalt  }
0x63: {  	_ =	shalt  }
0x64: {  	_ =	shalt  }
0x65: {  	_ =	shalt  }
0x66: {  	_ =	shalt  }
0x67: {  	_ =	shalt  }
0x68: {  	_ =	shalt  }
0x69: {  	_ =	shalt  }
0x6a: {  	_ =	shalt  }
0x6b: {  	_ =	shalt  }
0x6c: {  	_ =	shalt  }
0x6d: {  	_ =	shalt  }
0x6e: {  	_ =	shalt  }
0x6f: {  	_ =	shalt  }
0x70: {  	_ =	shalt  }
0x71: {  	_ =	shalt  }
0x72: {  	_ =	shalt  }
0x73: {  	_ =	shalt  }
0x74: {  	_ =	shalt  }
0x75: {  	_ =	shalt  }
0x76: {  	_ =	shalt  }
0x77: {  	_ =	shalt  }
0x78: {  	_ =	shalt  }
0x79: {  	_ =	shalt  }
0x7a: {  	_ =	shalt  }
0x7b: {  	_ =	shalt  }
0x7c: {  	_ =	shalt  }
0x7d: {  	_ =	shalt  }
0x7e: {  	_ =	shalt  }
0x7f: {  	_ =	shalt  }
0x80: {  	_ =	shalt  }
0x81: {  	_ =	shalt  }
0x82: {  	_ =	shalt  }
0x83: {  	_ =	shalt  }
0x84: {  	_ =	shalt  }
0x85: {  	_ =	shalt  }
0x86: {  	_ =	shalt  }
0x87: {  	_ =	shalt  }
.Lfunc_end0:
.L_simem_size_0:
called_computation.4_lowered:
.L_overlay_start_0:
0x88: {  	s2 =	sld [smem:$0x3FD9]  }
0x89: {  	s3 =	sld [smem:$0x3FFE];
	_ =	sdelay $0x1  }
0x8a: {  	s1 =	srdreg.scid  }
0x8b: {  	s0 =	sand.u32 $0x1, s1  }
0x8c: {  	s16 =	sshll.u32 s0, $0xA;
	s2 =	sadd.s32 s3, s2  }
0x8d: {  	s2 =	sadd.s32 s2, s16  }
0x8e: {  	[smem:$0x3FB9] =	sst s2  }
0x8f: {  	_ = 	snop  }
0x90: {  	(tm) =	ssettm $0x1  }
0x91: {  	s17 =	sld [smem:$0x3FFB];
	_ =	sdelay $0x3  }
0x92: {  	_ =	strace s17  }
0x93: {  	s2 =	sld [smem:$0x3FFC];
	_ =	sdelay $0x3  }
0x94: {  	_ =	strace s2  }
0x95: {  	s2 =	sld [smem:$0x3FFD];
	_ =	sdelay $0x3  }
0x96: {  	_ =	strace s2  }
0x97: {  	_ =	strace $0x8FFFFFFF  }
0x98: {  	s18 =	sld [smem:$0x3FDB];
	_ =	sdelay $0x1  }
0x99: {  	s19 =	simm.s32 $_scs_section_size  }
0x9a: {  	s4 =	simm.s32 $_size__tile_overlayer_lowered;
	s5 =	simm.s32 $_tile_overlayer_lowered  }
0x9b: {  	s22 =	simm.s32 $0x1BFF;
	s21 =	sshll.u32 s5, $0x1;
	s2 =	sadd.s32 s19, s18  }
0x9c: {  	s6 =	simm.s32 $0x0;
	s20 =	sshll.u32 s4, $0x1;
	s4 =	sadd.s32 s21, s2  }
0x9d: {  	[timem:s6], [sflag:s22] =	dma.local [hbm:s4], s20  }
0x9e: {  	_ =	swait.ge [sflag:s22], s20  }
0x9f: {  	s3 =	ssub.s32 $0x0, s20;
	[sflag:s22] =	ssyncset.done $0x0  }
0xa0: {  	[sflag:s22] =	ssyncadd.s32 s3;
	_ =	sdelay $0x1  }
0xa1: {  	s23 =	simm.s32 $0x1B8B  }
0xa2: {  	_ =	swait.ge [sflag:s23], $0x1  }
0xa3: {  	[sflag:s23] =	ssyncset.done $0x0  }
0xa4: {  	s25 =	simm.s32 $0x1B8E;
	s24 =	sld [smem:$0x3FFE];
	[sflag:s23] =	ssyncadd.s32 $0xFFFFFFFF  }
0xa5: {  	s26 =	simm.s32 $execute0_lowered;
	[smem:$0x3FD2] =	sst s25  }
0xa6: {  	s4 =	sshll.u32 s26, $0x1;
	_ =	strace $0x80000052;
	[dreg:$0x1] =	wrdreg $0xFFFFFFFF  }
0xa7: {  	s28 =	simm.s32 $_size_execute0_lowered;
	s2 =	sadd.s32 s2, s4;
	[dreg:$0x0] =	wrdreg $0x0  }
0xa8: {  	s4 =	sshll.u32 s28, $0x1;
	[dreg:$0x2] =	wrdreg s2  }
0xa9: {  	[dreg:$0x3] =	wrdreg s4  }
0xaa: {  	[dreg:$0x4] =	wrdreg $0xC0  }
0xab: {  	_ =	task [dreg:s6], $0x5FFFF  }
0xac: {  	[dreg:$0x1] =	wrdreg $0xFFFFFFFF  }
0xad: {  	[dreg:$0x0] =	wrdreg $0x60  }
0xae: {  	[dreg:$0x2] =	wrdreg s24  }
0xaf: {  	[dreg:$0x3] =	wrdreg $0x9  }
0xb0: {  	_ =	task.clear_ibuf [dreg:s6], $0x4FFFF;
	_ =	strace $0x90000052  }
0xb1: {  	s29 =	simm.s32 $0x9;
	_ =	strace $0x80000054  }
0xb2: {  	_ =	swait.ge [sflag:s29], $0x1  }
0xb3: {  	[sflag:s29] =	ssyncadd.s32 $0xFFFFFFFF  }
0xb4: {  	_ =	strace $0x90000054  }
0xb5: {  	_ =	sfence  }
0xb6: {  	s30 =	sld [smem:$0x0];
	_ =	sdelay $0x2  }
0xb7: {  	s31 =	sshll.u32 s1, $0xD;
	s1 =	sshrl.u32 s1, $0x2  }
0xb8: {  	s3 =	sand.u32 $0x4000, s31;
	s1 =	sadd.s32 s1, s30  }
0xb9: {  	s0 =	sor.u32 s3, s0;
	s1 =	sshll.u32 s1, $0x11  }
0xba: {  	s0 =	sor.u32 s1, s0  }
0xbb: {  	s0 =	sadd.s32 $0x8F2B, s0  }
0xbc: {  	[sflag:s0] =	ssyncadd.remote.s32 $0x1  }
0xbd: {  	_ =	sfence.sel $0xFFFF  }
0xbe: {  	[dreg:$0x0] =	wrdreg $0xFFFFFFFF;
	(pc) =	sbr.abs _section_cstart, $3  }
0xbf: {  	[dreg:$0x1] =	wrdreg $0xFFFFFFFF  }
0xc0: {  	_ =	task.clear_ibuf [dreg:s6], $0x2FFFF;
	_ =	strace $0x9FFFFFFF  }
0xc1: {  	(tm) =	ssettm $0x7FFFFFFF  }
tec
execute0_lowered:
.L_overlay_start_1:
0x0: {  	(tag) =	ssettag $0x1  }
0x1: {  	s1 =	srdreg.scid  }
0x2: {  	s0 =	stileid.u32;
	s4 =	rddreg [dreg:$0x0];
	s2 =	simm.s32 $0x0  }
0x3: {  	s8 =	simm.s32 $0x1;
	s3 =	sand.u32 $0x1, s1;
	s30 =	sshll.u32 s0, $0x1  }
0x4: {  	s9 =	simm.s32 $0xC800;
	s10 =	simm.s32 $0xCE80;
	s5 =	sor.u32 s3, s30  }
0x5: {  	s11 =	simm.s32 $0xD500;
	s1 =	rddreg [dreg:$0x1];
	s5 =	smul.u32 $0xD0, s5  }
0x6: {  	s12 =	simm.s32 $0x0;
	[smem:$0x7FF] =	sst s2;
	s31 =	ssub.s32 $0x2, s3  }
0x7: {  	_ =	strace $0x80000053;
	s7 =	sshrl.u32 s31, $0x1;
	s6 =	sadd.s32 s5, s4  }
0x8: {  	s3 =	sadd.s32 $0xCB200, s4;
	s7 =	ssub.s32 s31, s7;
	s4 =	sadd.s32 $0x3F6600, s6  }
0x9: {  	s7 =	smax.u32 s7, $0x1;
	s5 =	sadd.s32 $0x3F4C00, s6;
	s6 =	sadd.s32 $0x3200, s6  }
.LBB2_1:
0xa: {  	[tilespmem:s2], [sflag:$0x1] =	stream.linear.gather [hbm4b:s3+s2], $0xC800, $0x38;
	[tilespmem:$0xDB80] =	vst v63  }
0xb: {  	_ =	swait.ge [sflag:s8], $0xC800  }
0xc: {  	[sflag:s8] =	ssyncset.done $0x0  }
0xd: {  	[sflag:s8] =	ssyncadd.s32 $0xFFFF3800  }
0xe: {  	[tilespmem:s9], [sflag:$0x1] =	stream.linear.gather [hbm4b:s4+s2], $0x680, $0x38;
	[tilespmem:$0xDB80] =	vst v63  }
0xf: {  	_ =	swait.ge [sflag:s8], $0x680  }
0x10: {  	[sflag:s8] =	ssyncset.done $0x0  }
0x11: {  	[sflag:s8] =	ssyncadd.s32 $0xFFFFF980  }
0x12: {  	[tilespmem:s10], [sflag:$0x1] =	stream.linear.gather [hbm4b:s5+s2], $0x680, $0x38;
	[tilespmem:$0xDB80] =	vst v63  }
0x13: {  	_ =	swait.ge [sflag:s8], $0x680  }
0x14: {  	[sflag:s8] =	ssyncset.done $0x0  }
0x15: {  	s13 =	simm.s32 $0x0;
	[sflag:s8] =	ssyncadd.s32 $0xFFFFF980  }
0x16: {  	v0 =	vld [tilespmem:s13+$0xCE80]  }
0x17: {  	v1 =	vld [tilespmem:s13+$0xC800];
	_ =	sdelay $0x6  }
0x18: {  	v0 =	vld.idx.msk [tilespmem:v0+s2+$0x0], $0xffff  }
0x19: {  	s14 =	simm.s32 $0x10;
	v2 =	vld.idx.msk [tilespmem:v1+s2+$0x0], $0xffff  }
0x1a: {  	s15 =	simm.s32 $0x80;
	v1 =	vld [tilespmem:s14+$0xCE80]  }
.LBB2_2:
0x1b: {  	p0 =	sne.s32 s15, $0x19C0;
	v3 =	vld [tilespmem:s14+$0xC800];
	_ =	sdelay $0x3  }
0x1c: {  	v0 =	vsub.f32 v0, v2  }
.Ltmp0:
0x1d: {  	(pc) =	sbr.rel @p0 .LBB2_2-.Ltmp0, $4  }
0x1e: {  	[tilespmem:s13+$0xD500] =	vst v0;
	s13 =	smov.u32 s14  }
0x1f: {  	v0 =	vld.idx.msk [tilespmem:v1+s2+$0x0], $0xffff  }
0x20: {  	s14 =	sshra.s32 s15, $0x2;
	v2 =	vld.idx.msk [tilespmem:v3+s2+$0x0], $0xffff  }
0x21: {  	s15 =	sadd.s32 $0x40, s15;
	v1 =	vld [tilespmem:s14+$0xCE80]  }
0x22: {  	_ = 	snop  }
0x23: {  	v3 =	vld [tilespmem:s14+$0xC800];
	_ =	sdelay $0x3  }
0x24: {  	v0 =	vsub.f32 v0, v2;
	_ =	sdelay $0x1  }
0x25: {  	[tilespmem:s13+$0xD500] =	vst v0  }
0x26: {  	v0 =	vld.idx.msk [tilespmem:v1+s2+$0x0], $0xffff  }
0x27: {  	v63 =	vld.idx.msk [tilespmem:v3+s2+$0x0], $0xffff;
	_ =	sdelay $0x4  }
0x28: {  	s12 =	sadd.s32 $0x1, s12;
	v0 =	vsub.f32 v0, v63  }
0x29: {  	p0 =	sne.s32 s12, s7  }
.Ltmp1:
0x2a: {  	[tilespmem:s14+$0xD500] =	vst v0;
	(pc) =	sbr.rel @p0 .LBB2_1-.Ltmp1, $4  }
0x2b: {  	[hbm4b:s6+s2] =	stream.linear.scatter [tilespmem:s11], [sflag:$0x1], $0x680, $0x38;
	[tilespmem:$0xDB80] =	vst v63  }
0x2c: {  	_ =	swait.ge [sflag:s8], $0x680  }
0x2d: {  	[sflag:s8] =	ssyncset.done $0x0  }
0x2e: {  	[sflag:s8] =	ssyncadd.s32 $0xFFFFF980  }
0x2f: {  	_ =	sfence.sel $0x180000  }
0x30: {  	[bflag:$0x0] =	sbarrier.arrive $0xFFFF  }
0x31: {  	p0 =	sne.s32 s0, $0x0;
	_ =	strace $0x90000053  }
0x32: {  	s0 =	sadd.s32 @!p0 $0x100000, s1;
	[bflag:$0x2] =	sbarrier.arrive $0xFFFF  }
0x33: {  	[sflag:s0] =	ssyncadd.tile.s32 @!p0 $0x1;
	_ =	shalt  }
.Lfunc_end2:
_tile_overlayer_lowered:
.L_overlay_start_2:
0x34: {  	(tag) =	ssettag $0x2  }
0x35: {  	s0 =	rddreg [dreg:$0x0];
	s2 =	stileid.u32  }
0x36: {  	s1 =	rddreg [dreg:$0x1];
	p0 =	sne.s32 s2, $0x0  }
0x37: {  	s3 =	rddreg [dreg:$0x2];
	[bflag:$0x3] =	sbarrier.arrive $0xFFFF;
	s2 =	simm.s32 @!p0 $0x1C01  }
0x38: {  	[timem:s3], [sflag:s2] =	dma.local @!p0 [hbm:s0], s1  }
0x39: {  	s0 =	simm.s32 @!p0 $0x1  }
0x3a: {  	_ =	swait.ge @!p0 [sflag:s0], s1  }
0x3b: {  	s1 =	ssub.s32 @!p0 $0x0, s1;
	[sflag:s0] =	ssyncset.done @!p0 $0x0  }
0x3c: {  	[sflag:s0] =	ssyncadd.s32 @!p0 s1  }
0x3d: {  	[bflag:$0x3] =	sbarrier.arrive $0xFFFF  }
0x3e: {  	_ =	shalt  }

</sc_bundles>
